<compile_context>
chip_gen: v7x
topology: tpu7x:2x2x1
jax: 0.10.2.dev20260603
libtpu: 0.0.44.dev20260713+nightly
codegen_flags: <defaults>
</compile_context>

<pallas_src>
import functools

import jax
import jax.numpy as jnp
from jax import lax
from jax.experimental import pallas as pl
from jax.experimental.pallas import tpu as pltpu
from jax.experimental.pallas import tpu_sc as plsc

_N = 10000
_E = 320000
_D = 128
_NC = 2
_NS = 16
_NW = _NC * _NS
_EPT = _E // _NW
_C = 80
_NCHUNK = _EPT // _C
_C2 = 120
_NCHUNK2 = 87
_EPT2 = _C2 * _NCHUNK2
_PE = _NW * _EPT2
_NH = _N + 16
_NP = 10112
_RPT = _NP // _NS

_f32 = jnp.float32
_mesh = plsc.VectorSubcoreMesh(core_axis_name="c", subcore_axis_name="s")


_CE = 2000


@functools.partial(
    pl.kernel,
    out_type=jax.ShapeDtypeStruct((2 * _NW * _NP,), _f32),
    mesh=_mesh,
    scratch_types=[
        pltpu.VMEM((2 * _NP,), _f32),
        pltpu.VMEM((_CE,), jnp.int32),
        pltpu.VMEM((_CE,), jnp.int32),
    ],
    compiler_params=pltpu.CompilerParams(needs_layout_passes=False),
)
def _deg_sc(edge_hbm, out_hbm, deg_v, sidx, didx):
    c = lax.axis_index("c")
    s = lax.axis_index("s")
    tid = c * _NS + s
    zero16 = jnp.zeros((16,), _f32)
    one16 = jnp.full((16,), 1.0, _f32)
    offN = jnp.full((16,), _NP, jnp.int32)

    def zb(i, carry):
        deg_v[pl.ds(i * 16, 16)] = zero16
        return carry

    lax.fori_loop(0, 2 * _NP // 16, zb, 0)

    def step(k, carry):
        base = tid * _EPT + k * _CE
        pltpu.sync_copy(edge_hbm.at[pl.ds(base, _CE)], sidx)
        pltpu.sync_copy(edge_hbm.at[pl.ds(_E + base, _CE)], didx)

        def inner(j, c2):
            plsc.addupdate_scatter(deg_v, [sidx[pl.ds(j * 16, 16)]], one16)
            plsc.addupdate_scatter(deg_v, [didx[pl.ds(j * 16, 16)] + offN], one16)
            return c2

        lax.fori_loop(0, _CE // 16, inner, 0)
        return carry

    lax.fori_loop(0, _EPT // _CE, step, 0)
    pltpu.sync_copy(deg_v.at[pl.ds(0, _NP)], out_hbm.at[pl.ds(tid * _NP, _NP)])
    pltpu.sync_copy(deg_v.at[pl.ds(_NP, _NP)], out_hbm.at[pl.ds((_NW + tid) * _NP, _NP)])


@functools.partial(
    pl.kernel,
    out_type=jax.ShapeDtypeStruct((_NC * _NP, _D), _f32),
    mesh=_mesh,
    scratch_types=[
        pltpu.VMEM_SHARED((_NP, _D), _f32),
        pltpu.VMEM((_C2,), jnp.int32),
        pltpu.VMEM((_C2,), jnp.int32),
        pltpu.VMEM((_C2,), jnp.int32),
        pltpu.VMEM((_C2,), jnp.int32),
        pltpu.VMEM((_C2,), jnp.int32),
        pltpu.VMEM((_C2,), jnp.int32),
        pltpu.VMEM((_C2, _D), _f32),
        pltpu.VMEM((_C2, _D), _f32),
        pltpu.VMEM((_C2, _D), _f32),
        pltpu.SemaphoreType.DMA,
        pltpu.SemaphoreType.DMA,
        pltpu.SemaphoreType.DMA,
        pltpu.SemaphoreType.DMA,
        pltpu.SemaphoreType.DMA,
        pltpu.SemaphoreType.DMA,
        pltpu.SemaphoreType.DMA,
        pltpu.SemaphoreType.DMA,
        pltpu.SemaphoreType.DMA,
        pltpu.SemaphoreType.DMA,
        pltpu.SemaphoreType.DMA,
        pltpu.SemaphoreType.DMA,
    ],
)
def _edge_sc(hs_hbm, edge_hbm, zeros_hbm, out_hbm, acc,
             sb0, sb1, sb2, db0, db1, db2, rows0, rows1, rows2,
             xsem0, xsem1, xsem2, dsem0, dsem1, dsem2,
             gsem0, gsem1, gsem2, ssem0, ssem1, ssem2):
    c = lax.axis_index("c")
    s = lax.axis_index("s")
    tid = c * _NS + s
    ebase = tid * _EPT2

    pltpu.sync_copy(zeros_hbm.at[pl.ds(s * _RPT, _RPT)], acc.at[pl.ds(s * _RPT, _RPT)])
    plsc.subcore_barrier()

    def load_sidx(k, buf, sem):
        return pltpu.async_copy(edge_hbm.at[pl.ds(ebase + k * _C2, _C2)], buf, sem)

    def load_didx(k, buf, sem):
        return pltpu.async_copy(edge_hbm.at[pl.ds(_PE + ebase + k * _C2, _C2)], buf, sem)

    def drain_idx(buf, sem):
        pltpu.make_async_copy(edge_hbm.at[pl.ds(0, _C2)], buf, sem).wait()

    def gather(sbuf, buf, sem):
        return pltpu.async_copy(hs_hbm.at[sbuf], buf, sem)

    def scatter(dbuf, buf, sem):
        return pltpu.async_copy(buf, acc.at[dbuf], sem, add=True)

    def drain(buf, sem):
        pltpu.make_async_copy(hs_hbm.at[pl.ds(0, _C2)], buf, sem).wait()

    sb = [sb0, sb1, sb2]
    db = [db0, db1, db2]
    rows = [rows0, rows1, rows2]
    xsem = [xsem0, xsem1, xsem2]
    dsem = [dsem0, dsem1, dsem2]
    gsem = [gsem0, gsem1, gsem2]
    ssem = [ssem0, ssem1, ssem2]

    load_sidx(0, sb0, xsem0)
    load_sidx(1, sb1, xsem1)
    load_sidx(2, sb2, xsem2)
    load_didx(0, db0, dsem0)
    load_didx(1, db1, dsem1)
    drain_idx(sb0, xsem0)
    gather(sb0, rows0, gsem0)
    drain_idx(sb1, xsem1)
    gather(sb1, rows1, gsem1)

    def body(t, carry):
        for j in range(3):
            k = 3 * t + j
            j2 = (j + 2) % 3
            drain(rows[j], gsem[j])

            @pl.when(k + 3 < _NCHUNK2)
            def _():
                load_sidx(k + 3, sb[j], xsem[j])

            drain_idx(db[j], dsem[j])
            scatter(db[j], rows[j], ssem[j])

            @pl.when(k > 0)
            def _():
                drain(rows[j2], ssem[j2])

            @pl.when(k + 2 < _NCHUNK2)
            def _():
                load_didx(k + 2, db[j2], dsem[j2])
                drain_idx(sb[j2], xsem[j2])
                gather(sb[j2], rows[j2], gsem[j2])
        return carry

    lax.fori_loop(0, _NCHUNK2 // 3, body, 0)
    drain(rows[(_NCHUNK2 - 1) % 3], ssem[(_NCHUNK2 - 1) % 3])
    plsc.subcore_barrier()
    pltpu.sync_copy(acc.at[pl.ds(s * _RPT, _RPT)],
                    out_hbm.at[pl.ds(c * _NP + s * _RPT, _RPT)])


def _embed_body(f_ref, w_ref, b_ref, degp_ref, m_ref, h_ref, hs_ref, a_ref, bc_ref):
    h = jnp.dot(f_ref[...], w_ref[...], preferred_element_type=_f32) + b_ref[...]
    d = lax.dot_general(degp_ref[...], m_ref[...],
                        ((( 0,), (0,)), ((), ())),
                        preferred_element_type=_f32)
    a = lax.rsqrt(jnp.maximum(d[:_N, 0:1], 1.0))
    b = lax.rsqrt(jnp.maximum(d[:_N, 1:2], 1.0))
    h_ref[...] = h
    hs_ref[0:_N, :] = h * a
    hs_ref[_N:_NH, :] = jnp.zeros((_NH - _N, _D), _f32)
    a_ref[...] = a
    bc_ref[...] = b


def _embed_tc(feature, w, b2d, degp, mask):
    return pl.pallas_call(
        _embed_body,
        out_shape=(
            jax.ShapeDtypeStruct((_N, _D), _f32),
            jax.ShapeDtypeStruct((_NH, _D), _f32),
            jax.ShapeDtypeStruct((_N, 1), _f32),
            jax.ShapeDtypeStruct((_N, 1), _f32),
        ),
    )(feature, w, b2d, degp, mask)


def _bn_block(aggp, bcol, w, bias, gamma, beta, hprev):
    agg = (aggp[0, :_N] + aggp[1, :_N]) * bcol
    z = jnp.dot(agg, w, preferred_element_type=_f32) + bias
    mu = jnp.mean(z, axis=0, keepdims=True)
    zc = z - mu
    var = jnp.mean(zc * zc, axis=0, keepdims=True)
    zn = zc * lax.rsqrt(var + 1e-5) * gamma + beta
    return hprev + jnp.maximum(zn, 0.0)


def _layer_body(aggp_ref, bc_ref, a_ref, w_ref, bias_ref, g_ref, be_ref, hp_ref,
                h_ref, hs_ref):
    h = _bn_block(aggp_ref[...], bc_ref[...], w_ref[...], bias_ref[...],
                  g_ref[...], be_ref[...], hp_ref[...])
    h_ref[...] = h
    hs_ref[0:_N, :] = h * a_ref[...]
    hs_ref[_N:_NH, :] = jnp.zeros((_NH - _N, _D), _f32)


def _layer_tc(aggp, bcol, acol, w, bias, gamma, beta, hprev):
    return pl.pallas_call(
        _layer_body,
        out_shape=(
            jax.ShapeDtypeStruct((_N, _D), _f32),
            jax.ShapeDtypeStruct((_NH, _D), _f32),
        ),
    )(aggp, bcol, acol, w, bias, gamma, beta, hprev)


def _final_body(aggp_ref, bc_ref, w_ref, bias_ref, g_ref, be_ref, hp_ref,
                w1_ref, b1_ref, w2_ref, b2_ref, w3_ref, b3_ref, out_ref):
    h = _bn_block(aggp_ref[...], bc_ref[...], w_ref[...], bias_ref[...],
                  g_ref[...], be_ref[...], hp_ref[...])
    r = jnp.maximum(jnp.dot(h, w1_ref[...], preferred_element_type=_f32) + b1_ref[...], 0.0)
    r = jnp.maximum(jnp.dot(r, w2_ref[...], preferred_element_type=_f32) + b2_ref[...], 0.0)
    out_ref[...] = jnp.dot(r, w3_ref[...], preferred_element_type=_f32) + b3_ref[...]


def _final_tc(aggp, bcol, w, bias, gamma, beta, hprev, mlp):
    args = [aggp, bcol, w, bias, gamma, beta, hprev]
    for lp in mlp:
        args.append(lp['W'])
        args.append(lp['b'].reshape(1, -1))
    return pl.pallas_call(
        _final_body,
        out_shape=jax.ShapeDtypeStruct((_N, 7), _f32),
    )(*args)


def kernel(feature, params, edge_index):
    zeros_nd = jnp.zeros((_NP, _D), _f32)
    mask = jnp.concatenate(
        [jnp.tile(jnp.array([[1.0, 0.0]], _f32), (_NW, 1)),
         jnp.tile(jnp.array([[0.0, 1.0]], _f32), (_NW, 1))], axis=0)

    edge_flat = edge_index.reshape(-1)
    pad_t = _EPT2 - _EPT
    pad_n = _NW * pad_t
    pad_src = (_N + (jnp.arange(pad_n, dtype=jnp.int32) % (_NH - _N))).reshape(_NW, pad_t)
    pad_dst = (jnp.arange(pad_n, dtype=jnp.int32) * 97 % _NP).reshape(_NW, pad_t)
    src_pad = jnp.concatenate([edge_index[0].reshape(_NW, _EPT), pad_src], axis=1)
    dst_pad = jnp.concatenate([edge_index[1].reshape(_NW, _EPT), pad_dst], axis=1)
    edge_pad = jnp.concatenate([src_pad.reshape(-1), dst_pad.reshape(-1)])
    degp = _deg_sc(edge_flat).reshape(2 * _NW, _NP)

    emb = params['emb']
    h, hs, acol, bcol = _embed_tc(feature, emb['W'], emb['b'].reshape(1, _D), degp, mask)

    layers = params['layers']
    out = None
    for i, lp in enumerate(layers):
        aggp = _edge_sc(hs, edge_pad, zeros_nd).reshape(_NC, _NP, _D)
        w = lp['W']
        bias = lp['b'].reshape(1, -1)
        gamma = lp['gamma'].reshape(1, -1)
        beta = lp['beta'].reshape(1, -1)
        if i < len(layers) - 1:
            h, hs = _layer_tc(aggp, bcol, acol, w, bias, gamma, beta, h)
        else:
            out = _final_tc(aggp, bcol, w, bias, gamma, beta, h, params['mlp'])
    return out

# --- scband reference (transcript-rebuilt; emitter-appended) ---
"""Pipeline reference for scband-gcnnet-40699110097238 (READ-ONLY COPY).

The authoritative reference and input builder live on the scoring server;
editing this copy changes nothing except your own understanding.
"""

import jax, jax.numpy as jnp
import numpy as np

N = 10000
E = 320000
IN_DIM = 128
HIDDEN = 128
OUT_DIM = 128
N_CLASSES = 7
N_LAYERS = 4


def _linear_params(key, din, dout):
    kw, kb = jax.random.split(key)
    scale = 1.0 / np.sqrt(din)
    return {
        'W': jax.random.uniform(kw, (din, dout), jnp.float32, -scale, scale),
        'b': jax.random.uniform(kb, (dout,), jnp.float32, -scale, scale),
    }


def setup_inputs(seed: int = 0) -> dict:
    key = jax.random.key(seed)
    ks = jax.random.split(key, 32)
    feature = jax.random.normal(ks[0], (N, IN_DIM), dtype=jnp.float32)
    edge_index = jax.random.randint(ks[1], (2, E), 0, N, dtype=jnp.int32)
    params = {'emb': _linear_params(ks[2], IN_DIM, HIDDEN), 'layers': [], 'mlp': []}
    # GCN layers: (L-1) hidden->hidden with relu, final hidden->out_dim with relu (readout=True)
    dims = [(HIDDEN, HIDDEN)] * (N_LAYERS - 1) + [(HIDDEN, OUT_DIM)]
    for i, (din, dout) in enumerate(dims):
        lp = _linear_params(ks[3 + i], din, dout)
        lp['gamma'] = jnp.ones((dout,), jnp.float32)
        lp['beta'] = jnp.zeros((dout,), jnp.float32)
        params['layers'].append(lp)
    # MLPReadout (L=2): out_dim -> out_dim//2 -> out_dim//4 -> n_classes
    mdims = [(OUT_DIM, OUT_DIM // 2), (OUT_DIM // 2, OUT_DIM // 4), (OUT_DIM // 4, N_CLASSES)]
    for i, (din, dout) in enumerate(mdims):
        params['mlp'].append(_linear_params(ks[10 + i], din, dout))
    return {'feature': feature, 'params': params, 'edge_index': edge_index}


def _gcn_forward(feature, params, edge_index):
    src = edge_index[0]
    dst = edge_index[1]
    n = feature.shape[0]
    # symmetric degree normalization (DGL GraphConv norm='both')
    deg_out = jnp.zeros((n,), jnp.float32).at[src].add(1.0)
    deg_in = jnp.zeros((n,), jnp.float32).at[dst].add(1.0)
    norm = jax.lax.rsqrt(jnp.maximum(deg_out, 1.0))[src] * jax.lax.rsqrt(jnp.maximum(deg_in, 1.0))[dst]
    # input embedding (dropout p=0 -> identity)
    h = feature @ params['emb']['W'] + params['emb']['b']
    for lyr in params['layers']:
        h_in = h
        msg = h[src] * norm[:, None]
        agg = jax.ops.segment_sum(msg, dst, num_segments=n)
        h = agg @ lyr['W'] + lyr['b']
        # batch norm (batch statistics)
        mu = jnp.mean(h, axis=0)
        var = jnp.var(h, axis=0)
        h = (h - mu) / jnp.sqrt(var + 1e-5) * lyr['gamma'] + lyr['beta']
        h = jax.nn.relu(h)
        h = h_in + h  # residual (dims match)
    # MLP readout
    nm = len(params['mlp'])
    for i, lyr in enumerate(params['mlp']):
        h = h @ lyr['W'] + lyr['b']
        if i < nm - 1:
            h = jax.nn.relu(h)
    return h


def reference(feature, params, edge_index):
    return _gcn_forward(feature, params, edge_index)

if __name__ == "__main__":
    import jax
    _d = setup_inputs()
    print(jax.jit(kernel)(*tuple(_d.values())))

</pallas_src>

<mosaic_0001>
#map = affine_map<(d0, d1) -> (0)>
module attributes {stable_mosaic.version = 14 : i64} {
  func.func @_deg_sc(%arg0: i32, %arg1: i32, %arg2: memref<640000xi32, #tpu.memory_space<hbm>>, %arg3: memref<647168xf32, #tpu.memory_space<hbm>>, %arg4: memref<20224xf32, #tpu.memory_space<vmem>>, %arg5: memref<2000xi32, #tpu.memory_space<vmem>>, %arg6: memref<2000xi32, #tpu.memory_space<vmem>>) attributes {dimension_semantics = [#tpu.dimension_semantics<core_parallel>, #tpu.dimension_semantics<subcore_parallel>], iteration_bounds = array<i64: 2, 16>, scalar_prefetch = 0 : i64, scratch_operands = 3 : i64, tpu.core_type = #tpu.core_type<sc_vector_subcore>, window_params = [{transform_indices = #map}, {transform_indices = #map}]} {
    %mul3A = arith.constant 16 : i32
    %mul3A_0 = arith.muli %arg0, %mul3A : i32
    %add3A = arith.addi %mul3A_0, %arg1 : i32
    %broadcast_in_dim3A = arith.constant 0.000000e+00 : f32
    %broadcast_in_dim3A_1 = vector.broadcast %broadcast_in_dim3A : f32 to vector<16xf32>
    %broadcast_in_dim3A_2 = arith.constant 1.000000e+00 : f32
    %broadcast_in_dim3A_3 = vector.broadcast %broadcast_in_dim3A_2 : f32 to vector<16xf32>
    %broadcast_in_dim3A_4 = arith.constant 10112 : i32
    %broadcast_in_dim3A_5 = vector.broadcast %broadcast_in_dim3A_4 : i32 to vector<16xi32>
    %scan3A = arith.constant 0 : i32
    %scan3A_6 = arith.constant 0 : i32
    %scan3A_7 = arith.constant 1264 : i32
    %scan3A_8 = arith.addi %scan3A_6, %scan3A_7 : i32
    %scan3A_9 = arith.constant 1 : i32
    scf.for %scan3A_23 = %scan3A_6 to %scan3A_8 step %scan3A_9  : i32 {
      %mul3A_24 = arith.constant 16 : i32
      %mul3A_25 = arith.muli %scan3A_23, %mul3A_24 : i32
      %swap3A = arith.index_cast %mul3A_25 : i32 to index
      %swap3A_26 = tpu.vector_load %arg4[%swap3A] {strides = array<i32>} : memref<20224xf32, #tpu.memory_space<vmem>>, vector<16xf32>,
      tpu.vector_store %arg4[%swap3A], %broadcast_in_dim3A_1 {strides = array<i32>} : memref<20224xf32, #tpu.memory_space<vmem>>, vector<16xf32>,
    }
    %scan3A_10 = arith.constant 1264 : i32
    %scan3A_11 = arith.constant 0 : i32
    %scan3A_12 = arith.constant 0 : i32
    %scan3A_13 = arith.constant 5 : i32
    %scan3A_14 = arith.addi %scan3A_12, %scan3A_13 : i32
    %scan3A_15 = arith.constant 1 : i32
    scf.for %scan3A_23 = %scan3A_12 to %scan3A_14 step %scan3A_15  : i32 {
      %mul3A_24 = arith.constant 10000 : i32
      %mul3A_25 = arith.muli %add3A, %mul3A_24 : i32
      %mul3A_26 = arith.constant 2000 : i32
      %mul3A_27 = arith.muli %scan3A_23, %mul3A_26 : i32
      %add3A_28 = arith.addi %mul3A_25, %mul3A_27 : i32
      "tpu.region"() ({
        %run_scoped3A = tpu.sem_alloc : memref<!tpu.dma_semaphore, #tpu.memory_space<semaphore_mem>>
        %dma_start3A = tpu.memref_slice %arg2[%add3A_28] : memref<640000xi32, #tpu.memory_space<hbm>> -> memref<2000xi32, #tpu.memory_space<hbm>>
        %dma_start3A_37 = tpu.memref_slice %arg2[%add3A_28] : memref<640000xi32, #tpu.memory_space<hbm>> -> memref<2000xi32, #tpu.memory_space<hbm>>
        tpu.enqueue_dma source(%dma_start3A_37 : memref<2000xi32, #tpu.memory_space<hbm>>) target(%arg5 : memref<2000xi32, #tpu.memory_space<vmem>>) target_semaphore(%run_scoped3A : memref<!tpu.dma_semaphore, #tpu.memory_space<semaphore_mem>>)
        %dma_wait3A = tpu.memref_slice %arg2[%add3A_28] : memref<640000xi32, #tpu.memory_space<hbm>> -> memref<2000xi32, #tpu.memory_space<hbm>>
        %dma_wait3A_38 = tpu.memref_slice %arg2[%add3A_28] : memref<640000xi32, #tpu.memory_space<hbm>> -> memref<2000xi32, #tpu.memory_space<hbm>>
        tpu.wait_dma2 semaphore(%run_scoped3A : memref<!tpu.dma_semaphore, #tpu.memory_space<semaphore_mem>>) src(%dma_wait3A_38 : memref<2000xi32, #tpu.memory_space<hbm>>) dst(%arg5 : memref<2000xi32, #tpu.memory_space<vmem>>)
        tpu.yield
      }) : () -> ()
      %add3A_29 = arith.constant 320000 : i32
      %add3A_30 = arith.addi %add3A_29, %add3A_28 : i32
      "tpu.region"() ({
        %run_scoped3A = tpu.sem_alloc : memref<!tpu.dma_semaphore, #tpu.memory_space<semaphore_mem>>
        %dma_start3A = tpu.memref_slice %arg2[%add3A_30] : memref<640000xi32, #tpu.memory_space<hbm>> -> memref<2000xi32, #tpu.memory_space<hbm>>
        %dma_start3A_37 = tpu.memref_slice %arg2[%add3A_30] : memref<640000xi32, #tpu.memory_space<hbm>> -> memref<2000xi32, #tpu.memory_space<hbm>>
        tpu.enqueue_dma source(%dma_start3A_37 : memref<2000xi32, #tpu.memory_space<hbm>>) target(%arg6 : memref<2000xi32, #tpu.memory_space<vmem>>) target_semaphore(%run_scoped3A : memref<!tpu.dma_semaphore, #tpu.memory_space<semaphore_mem>>)
        %dma_wait3A = tpu.memref_slice %arg2[%add3A_30] : memref<640000xi32, #tpu.memory_space<hbm>> -> memref<2000xi32, #tpu.memory_space<hbm>>
        %dma_wait3A_38 = tpu.memref_slice %arg2[%add3A_30] : memref<640000xi32, #tpu.memory_space<hbm>> -> memref<2000xi32, #tpu.memory_space<hbm>>
        tpu.wait_dma2 semaphore(%run_scoped3A : memref<!tpu.dma_semaphore, #tpu.memory_space<semaphore_mem>>) src(%dma_wait3A_38 : memref<2000xi32, #tpu.memory_space<hbm>>) dst(%arg6 : memref<2000xi32, #tpu.memory_space<vmem>>)
        tpu.yield
      }) : () -> ()
      %scan3A_31 = arith.constant 0 : i32
      %scan3A_32 = arith.constant 0 : i32
      %scan3A_33 = arith.constant 125 : i32
      %scan3A_34 = arith.addi %scan3A_32, %scan3A_33 : i32
      %scan3A_35 = arith.constant 1 : i32
      scf.for %scan3A_37 = %scan3A_32 to %scan3A_34 step %scan3A_35  : i32 {
        %mul3A_38 = arith.constant 16 : i32
        %mul3A_39 = arith.muli %scan3A_37, %mul3A_38 : i32
        %get3A = arith.index_cast %mul3A_39 : i32 to index
        %get3A_40 = tpu.vector_load %arg5[%get3A] {strides = array<i32>} : memref<2000xi32, #tpu.memory_space<vmem>>, vector<16xi32>,
        tpu.vector_store_idx %arg4[%get3A_40], %broadcast_in_dim3A_3 {add = true} : memref<20224xf32, #tpu.memory_space<vmem>>[vector<16xi32>], vector<16xf32>,
        %mul3A_41 = arith.constant 16 : i32
        %mul3A_42 = arith.muli %scan3A_37, %mul3A_41 : i32
        %get3A_43 = arith.index_cast %mul3A_42 : i32 to index
        %get3A_44 = tpu.vector_load %arg6[%get3A_43] {strides = array<i32>} : memref<2000xi32, #tpu.memory_space<vmem>>, vector<16xi32>,
        %add3A_45 = arith.addi %get3A_44, %broadcast_in_dim3A_5 : vector<16xi32>
        tpu.vector_store_idx %arg4[%add3A_45], %broadcast_in_dim3A_3 {add = true} : memref<20224xf32, #tpu.memory_space<vmem>>[vector<16xi32>], vector<16xf32>,
      }
      %scan3A_36 = arith.constant 125 : i32
    }
    %scan3A_16 = arith.constant 5 : i32
    %mul3A_17 = arith.constant 10112 : i32
    %mul3A_18 = arith.muli %add3A, %mul3A_17 : i32
    "tpu.region"() ({
      %run_scoped3A = tpu.sem_alloc : memref<!tpu.dma_semaphore, #tpu.memory_space<semaphore_mem>>
      %dma_start3A = arith.constant 0 : i32
      %dma_start3A_23 = tpu.memref_slice %arg4[%dma_start3A] : memref<20224xf32, #tpu.memory_space<vmem>> -> memref<10112xf32, #tpu.memory_space<vmem>>
      %dma_start3A_24 = tpu.memref_slice %arg3[%mul3A_18] : memref<647168xf32, #tpu.memory_space<hbm>> -> memref<10112xf32, #tpu.memory_space<hbm>>
      %dma_start3A_25 = tpu.memref_slice %arg3[%mul3A_18] : memref<647168xf32, #tpu.memory_space<hbm>> -> memref<10112xf32, #tpu.memory_space<hbm>>
      %dma_start3A_26 = arith.constant 0 : i32
      %dma_start3A_27 = tpu.memref_slice %arg4[%dma_start3A_26] : memref<20224xf32, #tpu.memory_space<vmem>> -> memref<10112xf32, #tpu.memory_space<vmem>>
      tpu.enqueue_dma source(%dma_start3A_27 : memref<10112xf32, #tpu.memory_space<vmem>>) target(%dma_start3A_25 : memref<10112xf32, #tpu.memory_space<hbm>>) target_semaphore(%run_scoped3A : memref<!tpu.dma_semaphore, #tpu.memory_space<semaphore_mem>>)
      %dma_wait3A = arith.constant 0 : i32
      %dma_wait3A_28 = tpu.memref_slice %arg4[%dma_wait3A] : memref<20224xf32, #tpu.memory_space<vmem>> -> memref<10112xf32, #tpu.memory_space<vmem>>
      %dma_wait3A_29 = tpu.memref_slice %arg3[%mul3A_18] : memref<647168xf32, #tpu.memory_space<hbm>> -> memref<10112xf32, #tpu.memory_space<hbm>>
      %dma_wait3A_30 = tpu.memref_slice %arg3[%mul3A_18] : memref<647168xf32, #tpu.memory_space<hbm>> -> memref<10112xf32, #tpu.memory_space<hbm>>
      %dma_wait3A_31 = arith.constant 0 : i32
      %dma_wait3A_32 = tpu.memref_slice %arg4[%dma_wait3A_31] : memref<20224xf32, #tpu.memory_space<vmem>> -> memref<10112xf32, #tpu.memory_space<vmem>>
      tpu.wait_dma2 semaphore(%run_scoped3A : memref<!tpu.dma_semaphore, #tpu.memory_space<semaphore_mem>>) src(%dma_wait3A_32 : memref<10112xf32, #tpu.memory_space<vmem>>) dst(%dma_wait3A_30 : memref<10112xf32, #tpu.memory_space<hbm>>)
      tpu.yield
    }) : () -> ()
    %add3A_19 = arith.constant 32 : i32
    %add3A_20 = arith.addi %add3A_19, %add3A : i32
    %mul3A_21 = arith.constant 10112 : i32
    %mul3A_22 = arith.muli %add3A_20, %mul3A_21 : i32
    "tpu.region"() ({
      %run_scoped3A = tpu.sem_alloc : memref<!tpu.dma_semaphore, #tpu.memory_space<semaphore_mem>>
      %dma_start3A = arith.constant 10112 : i32
      %dma_start3A_23 = tpu.memref_slice %arg4[%dma_start3A] : memref<20224xf32, #tpu.memory_space<vmem>> -> memref<10112xf32, #tpu.memory_space<vmem>>
      %dma_start3A_24 = tpu.memref_slice %arg3[%mul3A_22] : memref<647168xf32, #tpu.memory_space<hbm>> -> memref<10112xf32, #tpu.memory_space<hbm>>
      %dma_start3A_25 = tpu.memref_slice %arg3[%mul3A_22] : memref<647168xf32, #tpu.memory_space<hbm>> -> memref<10112xf32, #tpu.memory_space<hbm>>
      %dma_start3A_26 = arith.constant 10112 : i32
      %dma_start3A_27 = tpu.memref_slice %arg4[%dma_start3A_26] : memref<20224xf32, #tpu.memory_space<vmem>> -> memref<10112xf32, #tpu.memory_space<vmem>>
      tpu.enqueue_dma source(%dma_start3A_27 : memref<10112xf32, #tpu.memory_space<vmem>>) target(%dma_start3A_25 : memref<10112xf32, #tpu.memory_space<hbm>>) target_semaphore(%run_scoped3A : memref<!tpu.dma_semaphore, #tpu.memory_space<semaphore_mem>>)
      %dma_wait3A = arith.constant 10112 : i32
      %dma_wait3A_28 = tpu.memref_slice %arg4[%dma_wait3A] : memref<20224xf32, #tpu.memory_space<vmem>> -> memref<10112xf32, #tpu.memory_space<vmem>>
      %dma_wait3A_29 = tpu.memref_slice %arg3[%mul3A_22] : memref<647168xf32, #tpu.memory_space<hbm>> -> memref<10112xf32, #tpu.memory_space<hbm>>
      %dma_wait3A_30 = tpu.memref_slice %arg3[%mul3A_22] : memref<647168xf32, #tpu.memory_space<hbm>> -> memref<10112xf32, #tpu.memory_space<hbm>>
      %dma_wait3A_31 = arith.constant 10112 : i32
      %dma_wait3A_32 = tpu.memref_slice %arg4[%dma_wait3A_31] : memref<20224xf32, #tpu.memory_space<vmem>> -> memref<10112xf32, #tpu.memory_space<vmem>>
      tpu.wait_dma2 semaphore(%run_scoped3A : memref<!tpu.dma_semaphore, #tpu.memory_space<semaphore_mem>>) src(%dma_wait3A_32 : memref<10112xf32, #tpu.memory_space<vmem>>) dst(%dma_wait3A_30 : memref<10112xf32, #tpu.memory_space<hbm>>)
      tpu.yield
    }) : () -> ()
    return
  }
}

#map = affine_map<(d0, d1) -> (0, 0)>
#map1 = affine_map<(d0, d1) -> (0)>
module attributes {stable_mosaic.version = 14 : i64} {
  func.func @_edge_sc(%arg0: i32, %arg1: i32, %arg2: memref<10016x128xf32, #tpu.memory_space<hbm>>, %arg3: memref<668160xi32, #tpu.memory_space<hbm>>, %arg4: memref<10112x128xf32, #tpu.memory_space<hbm>>, %arg5: memref<20224x128xf32, #tpu.memory_space<hbm>>, %arg6: memref<10112x128xf32, #tpu.memory_space<vmem_shared>>, %arg7: memref<120xi32, #tpu.memory_space<vmem>>, %arg8: memref<120xi32, #tpu.memory_space<vmem>>, %arg9: memref<120xi32, #tpu.memory_space<vmem>>, %arg10: memref<120xi32, #tpu.memory_space<vmem>>, %arg11: memref<120xi32, #tpu.memory_space<vmem>>, %arg12: memref<120xi32, #tpu.memory_space<vmem>>, %arg13: memref<120x128xf32, #tpu.memory_space<vmem>>, %arg14: memref<120x128xf32, #tpu.memory_space<vmem>>, %arg15: memref<120x128xf32, #tpu.memory_space<vmem>>, %arg16: memref<!tpu.dma_semaphore, #tpu.memory_space<semaphore_mem>>, %arg17: memref<!tpu.dma_semaphore, #tpu.memory_space<semaphore_mem>>, %arg18: memref<!tpu.dma_semaphore, #tpu.memory_space<semaphore_mem>>, %arg19: memref<!tpu.dma_semaphore, #tpu.memory_space<semaphore_mem>>, %arg20: memref<!tpu.dma_semaphore, #tpu.memory_space<semaphore_mem>>, %arg21: memref<!tpu.dma_semaphore, #tpu.memory_space<semaphore_mem>>, %arg22: memref<!tpu.dma_semaphore, #tpu.memory_space<semaphore_mem>>, %arg23: memref<!tpu.dma_semaphore, #tpu.memory_space<semaphore_mem>>, %arg24: memref<!tpu.dma_semaphore, #tpu.memory_space<semaphore_mem>>, %arg25: memref<!tpu.dma_semaphore, #tpu.memory_space<semaphore_mem>>, %arg26: memref<!tpu.dma_semaphore, #tpu.memory_space<semaphore_mem>>, %arg27: memref<!tpu.dma_semaphore, #tpu.memory_space<semaphore_mem>>) attributes {dimension_semantics = [#tpu.dimension_semantics<core_parallel>, #tpu.dimension_semantics<subcore_parallel>], iteration_bounds = array<i64: 2, 16>, scalar_prefetch = 0 : i64, scratch_operands = 22 : i64, tpu.core_type = #tpu.core_type<sc_vector_subcore>, window_params = [{transform_indices = #map}, {transform_indices = #map1}, {transform_indices = #map}, {transform_indices = #map}]} {
    %mul3A = arith.constant 16 : i32
    %mul3A_0 = arith.muli %arg0, %mul3A : i32
    %add3A = arith.addi %mul3A_0, %arg1 : i32
    %mul3A_1 = arith.constant 10440 : i32
    %mul3A_2 = arith.muli %add3A, %mul3A_1 : i32
    %mul3A_3 = arith.constant 632 : i32
    %mul3A_4 = arith.muli %arg1, %mul3A_3 : i32
    %mul3A_5 = arith.constant 632 : i32
    %mul3A_6 = arith.muli %arg1, %mul3A_5 : i32
    "tpu.region"() ({
      %run_scoped3A = tpu.sem_alloc : memref<!tpu.dma_semaphore, #tpu.memory_space<semaphore_mem>>
      %dma_start3A_62 = arith.constant 0 : i32
      %dma_start3A_63 = tpu.memref_slice %arg6[%mul3A_6, %dma_start3A_62] : memref<10112x128xf32, #tpu.memory_space<vmem_shared>> -> memref<632x128xf32, #tpu.memory_space<vmem_shared>>
      %dma_start3A_64 = arith.constant 0 : i32
      %dma_start3A_65 = tpu.memref_slice %arg4[%mul3A_4, %dma_start3A_64] : memref<10112x128xf32, #tpu.memory_space<hbm>> -> memref<632x128xf32, #tpu.memory_space<hbm>>
      tpu.enqueue_dma source(%dma_start3A_65 : memref<632x128xf32, #tpu.memory_space<hbm>>) target(%dma_start3A_63 : memref<632x128xf32, #tpu.memory_space<vmem_shared>>) target_semaphore(%run_scoped3A : memref<!tpu.dma_semaphore, #tpu.memory_space<semaphore_mem>>)
      %dma_wait3A_66 = arith.constant 0 : i32
      %dma_wait3A_67 = tpu.memref_slice %arg6[%mul3A_6, %dma_wait3A_66] : memref<10112x128xf32, #tpu.memory_space<vmem_shared>> -> memref<632x128xf32, #tpu.memory_space<vmem_shared>>
      %dma_wait3A_68 = arith.constant 0 : i32
      %dma_wait3A_69 = tpu.memref_slice %arg4[%mul3A_4, %dma_wait3A_68] : memref<10112x128xf32, #tpu.memory_space<hbm>> -> memref<632x128xf32, #tpu.memory_space<hbm>>
      tpu.wait_dma2 semaphore(%run_scoped3A : memref<!tpu.dma_semaphore, #tpu.memory_space<semaphore_mem>>) src(%dma_wait3A_69 : memref<632x128xf32, #tpu.memory_space<hbm>>) dst(%dma_wait3A_67 : memref<632x128xf32, #tpu.memory_space<vmem_shared>>)
      tpu.yield
    }) : () -> ()
    %barrier3A = arith.constant 0 : index
    tpu.barrier barrier_id(%barrier3A)
    %add3A_7 = arith.constant 0 : i32
    %add3A_8 = arith.addi %mul3A_2, %add3A_7 : i32
    %dma_start3A = tpu.memref_slice %arg3[%add3A_8] : memref<668160xi32, #tpu.memory_space<hbm>> -> memref<120xi32, #tpu.memory_space<hbm>>
    %dma_start3A_9 = tpu.memref_slice %arg3[%add3A_8] : memref<668160xi32, #tpu.memory_space<hbm>> -> memref<120xi32, #tpu.memory_space<hbm>>
    tpu.enqueue_dma source(%dma_start3A_9 : memref<120xi32, #tpu.memory_space<hbm>>) target(%arg7 : memref<120xi32, #tpu.memory_space<vmem>>) target_semaphore(%arg16 : memref<!tpu.dma_semaphore, #tpu.memory_space<semaphore_mem>>)
    %add3A_10 = arith.constant 120 : i32
    %add3A_11 = arith.addi %mul3A_2, %add3A_10 : i32
    %dma_start3A_12 = tpu.memref_slice %arg3[%add3A_11] : memref<668160xi32, #tpu.memory_space<hbm>> -> memref<120xi32, #tpu.memory_space<hbm>>
    %dma_start3A_13 = tpu.memref_slice %arg3[%add3A_11] : memref<668160xi32, #tpu.memory_space<hbm>> -> memref<120xi32, #tpu.memory_space<hbm>>
    tpu.enqueue_dma source(%dma_start3A_13 : memref<120xi32, #tpu.memory_space<hbm>>) target(%arg8 : memref<120xi32, #tpu.memory_space<vmem>>) target_semaphore(%arg17 : memref<!tpu.dma_semaphore, #tpu.memory_space<semaphore_mem>>)
    %add3A_14 = arith.constant 240 : i32
    %add3A_15 = arith.addi %mul3A_2, %add3A_14 : i32
    %dma_start3A_16 = tpu.memref_slice %arg3[%add3A_15] : memref<668160xi32, #tpu.memory_space<hbm>> -> memref<120xi32, #tpu.memory_space<hbm>>
    %dma_start3A_17 = tpu.memref_slice %arg3[%add3A_15] : memref<668160xi32, #tpu.memory_space<hbm>> -> memref<120xi32, #tpu.memory_space<hbm>>
    tpu.enqueue_dma source(%dma_start3A_17 : memref<120xi32, #tpu.memory_space<hbm>>) target(%arg9 : memref<120xi32, #tpu.memory_space<vmem>>) target_semaphore(%arg18 : memref<!tpu.dma_semaphore, #tpu.memory_space<semaphore_mem>>)
    %add3A_18 = arith.constant 334080 : i32
    %add3A_19 = arith.addi %add3A_18, %mul3A_2 : i32
    %add3A_20 = arith.constant 0 : i32
    %add3A_21 = arith.addi %add3A_19, %add3A_20 : i32
    %dma_start3A_22 = tpu.memref_slice %arg3[%add3A_21] : memref<668160xi32, #tpu.memory_space<hbm>> -> memref<120xi32, #tpu.memory_space<hbm>>
    %dma_start3A_23 = tpu.memref_slice %arg3[%add3A_21] : memref<668160xi32, #tpu.memory_space<hbm>> -> memref<120xi32, #tpu.memory_space<hbm>>
    tpu.enqueue_dma source(%dma_start3A_23 : memref<120xi32, #tpu.memory_space<hbm>>) target(%arg10 : memref<120xi32, #tpu.memory_space<vmem>>) target_semaphore(%arg19 : memref<!tpu.dma_semaphore, #tpu.memory_space<semaphore_mem>>)
    %add3A_24 = arith.constant 334080 : i32
    %add3A_25 = arith.addi %add3A_24, %mul3A_2 : i32
    %add3A_26 = arith.constant 120 : i32
    %add3A_27 = arith.addi %add3A_25, %add3A_26 : i32
    %dma_start3A_28 = tpu.memref_slice %arg3[%add3A_27] : memref<668160xi32, #tpu.memory_space<hbm>> -> memref<120xi32, #tpu.memory_space<hbm>>
    %dma_start3A_29 = tpu.memref_slice %arg3[%add3A_27] : memref<668160xi32, #tpu.memory_space<hbm>> -> memref<120xi32, #tpu.memory_space<hbm>>
    tpu.enqueue_dma source(%dma_start3A_29 : memref<120xi32, #tpu.memory_space<hbm>>) target(%arg11 : memref<120xi32, #tpu.memory_space<vmem>>) target_semaphore(%arg20 : memref<!tpu.dma_semaphore, #tpu.memory_space<semaphore_mem>>)
    %dma_wait3A = arith.constant 0 : i32
    %dma_wait3A_30 = tpu.memref_slice %arg3[%dma_wait3A] : memref<668160xi32, #tpu.memory_space<hbm>> -> memref<120xi32, #tpu.memory_space<hbm>>
    %dma_wait3A_31 = arith.constant 0 : i32
    %dma_wait3A_32 = tpu.memref_slice %arg3[%dma_wait3A_31] : memref<668160xi32, #tpu.memory_space<hbm>> -> memref<120xi32, #tpu.memory_space<hbm>>
    tpu.wait_dma2 semaphore(%arg16 : memref<!tpu.dma_semaphore, #tpu.memory_space<semaphore_mem>>) src(%dma_wait3A_32 : memref<120xi32, #tpu.memory_space<hbm>>) dst(%arg7 : memref<120xi32, #tpu.memory_space<vmem>>)
    %dma_start3A_33 = arith.constant 0 : i32
    %dma_start3A_34 = arith.constant 0 : i32
    %dma_start3A_35 = tpu.memref_slice %arg2[%dma_start3A_33, %dma_start3A_34] : memref<10016x128xf32, #tpu.memory_space<hbm>> -> memref<10016x128xf32, #tpu.memory_space<hbm>>
    tpu.enqueue_indirect_dma source(%dma_start3A_35 : memref<10016x128xf32, #tpu.memory_space<hbm>>) target(%arg13 : memref<120x128xf32, #tpu.memory_space<vmem>>) offsets(%arg7 : memref<120xi32, #tpu.memory_space<vmem>>) semaphore(%arg22 : memref<!tpu.dma_semaphore, #tpu.memory_space<semaphore_mem>>)
    %dma_wait3A_36 = arith.constant 0 : i32
    %dma_wait3A_37 = tpu.memref_slice %arg3[%dma_wait3A_36] : memref<668160xi32, #tpu.memory_space<hbm>> -> memref<120xi32, #tpu.memory_space<hbm>>
    %dma_wait3A_38 = arith.constant 0 : i32
    %dma_wait3A_39 = tpu.memref_slice %arg3[%dma_wait3A_38] : memref<668160xi32, #tpu.memory_space<hbm>> -> memref<120xi32, #tpu.memory_space<hbm>>
    tpu.wait_dma2 semaphore(%arg17 : memref<!tpu.dma_semaphore, #tpu.memory_space<semaphore_mem>>) src(%dma_wait3A_39 : memref<120xi32, #tpu.memory_space<hbm>>) dst(%arg8 : memref<120xi32, #tpu.memory_space<vmem>>)
    %dma_start3A_40 = arith.constant 0 : i32
    %dma_start3A_41 = arith.constant 0 : i32
    %dma_start3A_42 = tpu.memref_slice %arg2[%dma_start3A_40, %dma_start3A_41] : memref<10016x128xf32, #tpu.memory_space<hbm>> -> memref<10016x128xf32, #tpu.memory_space<hbm>>
    tpu.enqueue_indirect_dma source(%dma_start3A_42 : memref<10016x128xf32, #tpu.memory_space<hbm>>) target(%arg14 : memref<120x128xf32, #tpu.memory_space<vmem>>) offsets(%arg8 : memref<120xi32, #tpu.memory_space<vmem>>) semaphore(%arg23 : memref<!tpu.dma_semaphore, #tpu.memory_space<semaphore_mem>>)
    %scan3A = arith.constant 0 : i32
    %scan3A_43 = arith.constant 0 : i32
    %scan3A_44 = arith.constant 29 : i32
    %scan3A_45 = arith.addi %scan3A_43, %scan3A_44 : i32
    %scan3A_46 = arith.constant 1 : i32
    scf.for %scan3A_62 = %scan3A_43 to %scan3A_45 step %scan3A_46  : i32 {
      %mul3A_63 = arith.constant 3 : i32
      %mul3A_64 = arith.muli %mul3A_63, %scan3A_62 : i32
      %add3A_65 = arith.constant 0 : i32
      %add3A_66 = arith.addi %mul3A_64, %add3A_65 : i32
      %dma_wait3A_67 = arith.constant 0 : i32
      %dma_wait3A_68 = arith.constant 0 : i32
      %dma_wait3A_69 = tpu.memref_slice %arg2[%dma_wait3A_67, %dma_wait3A_68] : memref<10016x128xf32, #tpu.memory_space<hbm>> -> memref<120x128xf32, #tpu.memory_space<hbm>>
      %dma_wait3A_70 = arith.constant 0 : i32
      %dma_wait3A_71 = arith.constant 0 : i32
      %dma_wait3A_72 = tpu.memref_slice %arg2[%dma_wait3A_70, %dma_wait3A_71] : memref<10016x128xf32, #tpu.memory_space<hbm>> -> memref<120x128xf32, #tpu.memory_space<hbm>>
      tpu.wait_dma2 semaphore(%arg22 : memref<!tpu.dma_semaphore, #tpu.memory_space<semaphore_mem>>) src(%dma_wait3A_72 : memref<120x128xf32, #tpu.memory_space<hbm>>) dst(%arg13 : memref<120x128xf32, #tpu.memory_space<vmem>>)
      %add3A_73 = arith.constant 3 : i32
      %add3A_74 = arith.addi %add3A_66, %add3A_73 : i32
      %lt3A = arith.constant 87 : i32
      %lt3A_75 = arith.cmpi slt, %add3A_74, %lt3A : i32
      %convert_element_type3A = arith.extui %lt3A_75 : i1 to i32
      %cond3A = arith.constant 0 : i32
      %cond3A_76 = arith.cmpi ne, %convert_element_type3A, %cond3A : i32
      scf.if %cond3A_76 {
        %add3A_167 = arith.constant 3 : i32
        %add3A_168 = arith.addi %add3A_66, %add3A_167 : i32
        %mul3A_169 = arith.constant 120 : i32
        %mul3A_170 = arith.muli %add3A_168, %mul3A_169 : i32
        %add3A_171 = arith.addi %mul3A_2, %mul3A_170 : i32
        %dma_start3A_172 = tpu.memref_slice %arg3[%add3A_171] : memref<668160xi32, #tpu.memory_space<hbm>> -> memref<120xi32, #tpu.memory_space<hbm>>
        %dma_start3A_173 = tpu.memref_slice %arg3[%add3A_171] : memref<668160xi32, #tpu.memory_space<hbm>> -> memref<120xi32, #tpu.memory_space<hbm>>
        tpu.enqueue_dma source(%dma_start3A_173 : memref<120xi32, #tpu.memory_space<hbm>>) target(%arg7 : memref<120xi32, #tpu.memory_space<vmem>>) target_semaphore(%arg16 : memref<!tpu.dma_semaphore, #tpu.memory_space<semaphore_mem>>)
      } else {
      }
      %dma_wait3A_77 = arith.constant 0 : i32
      %dma_wait3A_78 = tpu.memref_slice %arg3[%dma_wait3A_77] : memref<668160xi32, #tpu.memory_space<hbm>> -> memref<120xi32, #tpu.memory_space<hbm>>
      %dma_wait3A_79 = arith.constant 0 : i32
      %dma_wait3A_80 = tpu.memref_slice %arg3[%dma_wait3A_79] : memref<668160xi32, #tpu.memory_space<hbm>> -> memref<120xi32, #tpu.memory_space<hbm>>
      tpu.wait_dma2 semaphore(%arg19 : memref<!tpu.dma_semaphore, #tpu.memory_space<semaphore_mem>>) src(%dma_wait3A_80 : memref<120xi32, #tpu.memory_space<hbm>>) dst(%arg10 : memref<120xi32, #tpu.memory_space<vmem>>)
      %dma_start3A_81 = arith.constant 0 : i32
      %dma_start3A_82 = arith.constant 0 : i32
      %dma_start3A_83 = tpu.memref_slice %arg6[%dma_start3A_81, %dma_start3A_82] : memref<10112x128xf32, #tpu.memory_space<vmem_shared>> -> memref<10112x128xf32, #tpu.memory_space<vmem_shared>>
      tpu.enqueue_indirect_dma source(%arg13 : memref<120x128xf32, #tpu.memory_space<vmem>>) target(%dma_start3A_83 : memref<10112x128xf32, #tpu.memory_space<vmem_shared>>) offsets(%arg10 : memref<120xi32, #tpu.memory_space<vmem>>) semaphore(%arg25 : memref<!tpu.dma_semaphore, #tpu.memory_space<semaphore_mem>>) {add = true}
      %gt3A = arith.constant 0 : i32
      %gt3A_84 = arith.cmpi sgt, %add3A_66, %gt3A : i32
      %convert_element_type3A_85 = arith.extui %gt3A_84 : i1 to i32
      %cond3A_86 = arith.constant 0 : i32
      %cond3A_87 = arith.cmpi ne, %convert_element_type3A_85, %cond3A_86 : i32
      scf.if %cond3A_87 {
        %dma_wait3A_167 = arith.constant 0 : i32
        %dma_wait3A_168 = arith.constant 0 : i32
        %dma_wait3A_169 = tpu.memref_slice %arg2[%dma_wait3A_167, %dma_wait3A_168] : memref<10016x128xf32, #tpu.memory_space<hbm>> -> memref<120x128xf32, #tpu.memory_space<hbm>>
        %dma_wait3A_170 = arith.constant 0 : i32
        %dma_wait3A_171 = arith.constant 0 : i32
        %dma_wait3A_172 = tpu.memref_slice %arg2[%dma_wait3A_170, %dma_wait3A_171] : memref<10016x128xf32, #tpu.memory_space<hbm>> -> memref<120x128xf32, #tpu.memory_space<hbm>>
        tpu.wait_dma2 semaphore(%arg27 : memref<!tpu.dma_semaphore, #tpu.memory_space<semaphore_mem>>) src(%dma_wait3A_172 : memref<120x128xf32, #tpu.memory_space<hbm>>) dst(%arg15 : memref<120x128xf32, #tpu.memory_space<vmem>>)
      } else {
      }
      %add3A_88 = arith.constant 2 : i32
      %add3A_89 = arith.addi %add3A_66, %add3A_88 : i32
      %lt3A_90 = arith.constant 87 : i32
      %lt3A_91 = arith.cmpi slt, %add3A_89, %lt3A_90 : i32
      %convert_element_type3A_92 = arith.extui %lt3A_91 : i1 to i32
      %cond3A_93 = arith.constant 0 : i32
      %cond3A_94 = arith.cmpi ne, %convert_element_type3A_92, %cond3A_93 : i32
      scf.if %cond3A_94 {
        %add3A_167 = arith.constant 2 : i32
        %add3A_168 = arith.addi %add3A_66, %add3A_167 : i32
        %add3A_169 = arith.constant 334080 : i32
        %add3A_170 = arith.addi %add3A_169, %mul3A_2 : i32
        %mul3A_171 = arith.constant 120 : i32
        %mul3A_172 = arith.muli %add3A_168, %mul3A_171 : i32
        %add3A_173 = arith.addi %add3A_170, %mul3A_172 : i32
        %dma_start3A_174 = tpu.memref_slice %arg3[%add3A_173] : memref<668160xi32, #tpu.memory_space<hbm>> -> memref<120xi32, #tpu.memory_space<hbm>>
        %dma_start3A_175 = tpu.memref_slice %arg3[%add3A_173] : memref<668160xi32, #tpu.memory_space<hbm>> -> memref<120xi32, #tpu.memory_space<hbm>>
        tpu.enqueue_dma source(%dma_start3A_175 : memref<120xi32, #tpu.memory_space<hbm>>) target(%arg12 : memref<120xi32, #tpu.memory_space<vmem>>) target_semaphore(%arg21 : memref<!tpu.dma_semaphore, #tpu.memory_space<semaphore_mem>>)
        %dma_wait3A_176 = arith.constant 0 : i32
        %dma_wait3A_177 = tpu.memref_slice %arg3[%dma_wait3A_176] : memref<668160xi32, #tpu.memory_space<hbm>> -> memref<120xi32, #tpu.memory_space<hbm>>
        %dma_wait3A_178 = arith.constant 0 : i32
        %dma_wait3A_179 = tpu.memref_slice %arg3[%dma_wait3A_178] : memref<668160xi32, #tpu.memory_space<hbm>> -> memref<120xi32, #tpu.memory_space<hbm>>
        tpu.wait_dma2 semaphore(%arg18 : memref<!tpu.dma_semaphore, #tpu.memory_space<semaphore_mem>>) src(%dma_wait3A_179 : memref<120xi32, #tpu.memory_space<hbm>>) dst(%arg9 : memref<120xi32, #tpu.memory_space<vmem>>)
        %dma_start3A_180 = arith.constant 0 : i32
        %dma_start3A_181 = arith.constant 0 : i32
        %dma_start3A_182 = tpu.memref_slice %arg2[%dma_start3A_180, %dma_start3A_181] : memref<10016x128xf32, #tpu.memory_space<hbm>> -> memref<10016x128xf32, #tpu.memory_space<hbm>>
        tpu.enqueue_indirect_dma source(%dma_start3A_182 : memref<10016x128xf32, #tpu.memory_space<hbm>>) target(%arg15 : memref<120x128xf32, #tpu.memory_space<vmem>>) offsets(%arg9 : memref<120xi32, #tpu.memory_space<vmem>>) semaphore(%arg24 : memref<!tpu.dma_semaphore, #tpu.memory_space<semaphore_mem>>)
      } else {
      }
      %mul3A_95 = arith.constant 3 : i32
      %mul3A_96 = arith.muli %mul3A_95, %scan3A_62 : i32
      %add3A_97 = arith.constant 1 : i32
      %add3A_98 = arith.addi %mul3A_96, %add3A_97 : i32
      %dma_wait3A_99 = arith.constant 0 : i32
      %dma_wait3A_100 = arith.constant 0 : i32
      %dma_wait3A_101 = tpu.memref_slice %arg2[%dma_wait3A_99, %dma_wait3A_100] : memref<10016x128xf32, #tpu.memory_space<hbm>> -> memref<120x128xf32, #tpu.memory_space<hbm>>
      %dma_wait3A_102 = arith.constant 0 : i32
      %dma_wait3A_103 = arith.constant 0 : i32
      %dma_wait3A_104 = tpu.memref_slice %arg2[%dma_wait3A_102, %dma_wait3A_103] : memref<10016x128xf32, #tpu.memory_space<hbm>> -> memref<120x128xf32, #tpu.memory_space<hbm>>
      tpu.wait_dma2 semaphore(%arg23 : memref<!tpu.dma_semaphore, #tpu.memory_space<semaphore_mem>>) src(%dma_wait3A_104 : memref<120x128xf32, #tpu.memory_space<hbm>>) dst(%arg14 : memref<120x128xf32, #tpu.memory_space<vmem>>)
      %add3A_105 = arith.constant 3 : i32
      %add3A_106 = arith.addi %add3A_98, %add3A_105 : i32
      %lt3A_107 = arith.constant 87 : i32
      %lt3A_108 = arith.cmpi slt, %add3A_106, %lt3A_107 : i32
      %convert_element_type3A_109 = arith.extui %lt3A_108 : i1 to i32
      %cond3A_110 = arith.constant 0 : i32
      %cond3A_111 = arith.cmpi ne, %convert_element_type3A_109, %cond3A_110 : i32
      scf.if %cond3A_111 {
        %add3A_167 = arith.constant 3 : i32
        %add3A_168 = arith.addi %add3A_98, %add3A_167 : i32
        %mul3A_169 = arith.constant 120 : i32
        %mul3A_170 = arith.muli %add3A_168, %mul3A_169 : i32
        %add3A_171 = arith.addi %mul3A_2, %mul3A_170 : i32
        %dma_start3A_172 = tpu.memref_slice %arg3[%add3A_171] : memref<668160xi32, #tpu.memory_space<hbm>> -> memref<120xi32, #tpu.memory_space<hbm>>
        %dma_start3A_173 = tpu.memref_slice %arg3[%add3A_171] : memref<668160xi32, #tpu.memory_space<hbm>> -> memref<120xi32, #tpu.memory_space<hbm>>
        tpu.enqueue_dma source(%dma_start3A_173 : memref<120xi32, #tpu.memory_space<hbm>>) target(%arg8 : memref<120xi32, #tpu.memory_space<vmem>>) target_semaphore(%arg17 : memref<!tpu.dma_semaphore, #tpu.memory_space<semaphore_mem>>)
      } else {
      }
      %dma_wait3A_112 = arith.constant 0 : i32
      %dma_wait3A_113 = tpu.memref_slice %arg3[%dma_wait3A_112] : memref<668160xi32, #tpu.memory_space<hbm>> -> memref<120xi32, #tpu.memory_space<hbm>>
      %dma_wait3A_114 = arith.constant 0 : i32
      %dma_wait3A_115 = tpu.memref_slice %arg3[%dma_wait3A_114] : memref<668160xi32, #tpu.memory_space<hbm>> -> memref<120xi32, #tpu.memory_space<hbm>>
      tpu.wait_dma2 semaphore(%arg20 : memref<!tpu.dma_semaphore, #tpu.memory_space<semaphore_mem>>) src(%dma_wait3A_115 : memref<120xi32, #tpu.memory_space<hbm>>) dst(%arg11 : memref<120xi32, #tpu.memory_space<vmem>>)
      %dma_start3A_116 = arith.constant 0 : i32
      %dma_start3A_117 = arith.constant 0 : i32
      %dma_start3A_118 = tpu.memref_slice %arg6[%dma_start3A_116, %dma_start3A_117] : memref<10112x128xf32, #tpu.memory_space<vmem_shared>> -> memref<10112x128xf32, #tpu.memory_space<vmem_shared>>
      tpu.enqueue_indirect_dma source(%arg14 : memref<120x128xf32, #tpu.memory_space<vmem>>) target(%dma_start3A_118 : memref<10112x128xf32, #tpu.memory_space<vmem_shared>>) offsets(%arg11 : memref<120xi32, #tpu.memory_space<vmem>>) semaphore(%arg26 : memref<!tpu.dma_semaphore, #tpu.memory_space<semaphore_mem>>) {add = true}
      %gt3A_119 = arith.constant 0 : i32
      %gt3A_120 = arith.cmpi sgt, %add3A_98, %gt3A_119 : i32
      %convert_element_type3A_121 = arith.extui %gt3A_120 : i1 to i32
      %cond3A_122 = arith.constant 0 : i32
      %cond3A_123 = arith.cmpi ne, %convert_element_type3A_121, %cond3A_122 : i32
      scf.if %cond3A_123 {
        %dma_wait3A_167 = arith.constant 0 : i32
        %dma_wait3A_168 = arith.constant 0 : i32
        %dma_wait3A_169 = tpu.memref_slice %arg2[%dma_wait3A_167, %dma_wait3A_168] : memref<10016x128xf32, #tpu.memory_space<hbm>> -> memref<120x128xf32, #tpu.memory_space<hbm>>
        %dma_wait3A_170 = arith.constant 0 : i32
        %dma_wait3A_171 = arith.constant 0 : i32
        %dma_wait3A_172 = tpu.memref_slice %arg2[%dma_wait3A_170, %dma_wait3A_171] : memref<10016x128xf32, #tpu.memory_space<hbm>> -> memref<120x128xf32, #tpu.memory_space<hbm>>
        tpu.wait_dma2 semaphore(%arg25 : memref<!tpu.dma_semaphore, #tpu.memory_space<semaphore_mem>>) src(%dma_wait3A_172 : memref<120x128xf32, #tpu.memory_space<hbm>>) dst(%arg13 : memref<120x128xf32, #tpu.memory_space<vmem>>)
      } else {
      }
      %add3A_124 = arith.constant 2 : i32
      %add3A_125 = arith.addi %add3A_98, %add3A_124 : i32
      %lt3A_126 = arith.constant 87 : i32
      %lt3A_127 = arith.cmpi slt, %add3A_125, %lt3A_126 : i32
      %convert_element_type3A_128 = arith.extui %lt3A_127 : i1 to i32
      %cond3A_129 = arith.constant 0 : i32
      %cond3A_130 = arith.cmpi ne, %convert_element_type3A_128, %cond3A_129 : i32
      scf.if %cond3A_130 {
        %add3A_167 = arith.constant 2 : i32
        %add3A_168 = arith.addi %add3A_98, %add3A_167 : i32
        %add3A_169 = arith.constant 334080 : i32
        %add3A_170 = arith.addi %add3A_169, %mul3A_2 : i32
        %mul3A_171 = arith.constant 120 : i32
        %mul3A_172 = arith.muli %add3A_168, %mul3A_171 : i32
        %add3A_173 = arith.addi %add3A_170, %mul3A_172 : i32
        %dma_start3A_174 = tpu.memref_slice %arg3[%add3A_173] : memref<668160xi32, #tpu.memory_space<hbm>> -> memref<120xi32, #tpu.memory_space<hbm>>
        %dma_start3A_175 = tpu.memref_slice %arg3[%add3A_173] : memref<668160xi32, #tpu.memory_space<hbm>> -> memref<120xi32, #tpu.memory_space<hbm>>
        tpu.enqueue_dma source(%dma_start3A_175 : memref<120xi32, #tpu.memory_space<hbm>>) target(%arg10 : memref<120xi32, #tpu.memory_space<vmem>>) target_semaphore(%arg19 : memref<!tpu.dma_semaphore, #tpu.memory_space<semaphore_mem>>)
        %dma_wait3A_176 = arith.constant 0 : i32
        %dma_wait3A_177 = tpu.memref_slice %arg3[%dma_wait3A_176] : memref<668160xi32, #tpu.memory_space<hbm>> -> memref<120xi32, #tpu.memory_space<hbm>>
        %dma_wait3A_178 = arith.constant 0 : i32
        %dma_wait3A_179 = tpu.memref_slice %arg3[%dma_wait3A_178] : memref<668160xi32, #tpu.memory_space<hbm>> -> memref<120xi32, #tpu.memory_space<hbm>>
        tpu.wait_dma2 semaphore(%arg16 : memref<!tpu.dma_semaphore, #tpu.memory_space<semaphore_mem>>) src(%dma_wait3A_179 : memref<120xi32, #tpu.memory_space<hbm>>) dst(%arg7 : memref<120xi32, #tpu.memory_space<vmem>>)
        %dma_start3A_180 = arith.constant 0 : i32
        %dma_start3A_181 = arith.constant 0 : i32
        %dma_start3A_182 = tpu.memref_slice %arg2[%dma_start3A_180, %dma_start3A_181] : memref<10016x128xf32, #tpu.memory_space<hbm>> -> memref<10016x128xf32, #tpu.memory_space<hbm>>
        tpu.enqueue_indirect_dma source(%dma_start3A_182 : memref<10016x128xf32, #tpu.memory_space<hbm>>) target(%arg13 : memref<120x128xf32, #tpu.memory_space<vmem>>) offsets(%arg7 : memref<120xi32, #tpu.memory_space<vmem>>) semaphore(%arg22 : memref<!tpu.dma_semaphore, #tpu.memory_space<semaphore_mem>>)
      } else {
      }
      %mul3A_131 = arith.constant 3 : i32
      %mul3A_132 = arith.muli %mul3A_131, %scan3A_62 : i32
      %add3A_133 = arith.constant 2 : i32
      %add3A_134 = arith.addi %mul3A_132, %add3A_133 : i32
      %dma_wait3A_135 = arith.constant 0 : i32
      %dma_wait3A_136 = arith.constant 0 : i32
      %dma_wait3A_137 = tpu.memref_slice %arg2[%dma_wait3A_135, %dma_wait3A_136] : memref<10016x128xf32, #tpu.memory_space<hbm>> -> memref<120x128xf32, #tpu.memory_space<hbm>>
      %dma_wait3A_138 = arith.constant 0 : i32
      %dma_wait3A_139 = arith.constant 0 : i32
      %dma_wait3A_140 = tpu.memref_slice %arg2[%dma_wait3A_138, %dma_wait3A_139] : memref<10016x128xf32, #tpu.memory_space<hbm>> -> memref<120x128xf32, #tpu.memory_space<hbm>>
      tpu.wait_dma2 semaphore(%arg24 : memref<!tpu.dma_semaphore, #tpu.memory_space<semaphore_mem>>) src(%dma_wait3A_140 : memref<120x128xf32, #tpu.memory_space<hbm>>) dst(%arg15 : memref<120x128xf32, #tpu.memory_space<vmem>>)
      %add3A_141 = arith.constant 3 : i32
      %add3A_142 = arith.addi %add3A_134, %add3A_141 : i32
      %lt3A_143 = arith.constant 87 : i32
      %lt3A_144 = arith.cmpi slt, %add3A_142, %lt3A_143 : i32
      %convert_element_type3A_145 = arith.extui %lt3A_144 : i1 to i32
      %cond3A_146 = arith.constant 0 : i32
      %cond3A_147 = arith.cmpi ne, %convert_element_type3A_145, %cond3A_146 : i32
      scf.if %cond3A_147 {
        %add3A_167 = arith.constant 3 : i32
        %add3A_168 = arith.addi %add3A_134, %add3A_167 : i32
        %mul3A_169 = arith.constant 120 : i32
        %mul3A_170 = arith.muli %add3A_168, %mul3A_169 : i32
        %add3A_171 = arith.addi %mul3A_2, %mul3A_170 : i32
        %dma_start3A_172 = tpu.memref_slice %arg3[%add3A_171] : memref<668160xi32, #tpu.memory_space<hbm>> -> memref<120xi32, #tpu.memory_space<hbm>>
        %dma_start3A_173 = tpu.memref_slice %arg3[%add3A_171] : memref<668160xi32, #tpu.memory_space<hbm>> -> memref<120xi32, #tpu.memory_space<hbm>>
        tpu.enqueue_dma source(%dma_start3A_173 : memref<120xi32, #tpu.memory_space<hbm>>) target(%arg9 : memref<120xi32, #tpu.memory_space<vmem>>) target_semaphore(%arg18 : memref<!tpu.dma_semaphore, #tpu.memory_space<semaphore_mem>>)
      } else {
      }
      %dma_wait3A_148 = arith.constant 0 : i32
      %dma_wait3A_149 = tpu.memref_slice %arg3[%dma_wait3A_148] : memref<668160xi32, #tpu.memory_space<hbm>> -> memref<120xi32, #tpu.memory_space<hbm>>
      %dma_wait3A_150 = arith.constant 0 : i32
      %dma_wait3A_151 = tpu.memref_slice %arg3[%dma_wait3A_150] : memref<668160xi32, #tpu.memory_space<hbm>> -> memref<120xi32, #tpu.memory_space<hbm>>
      tpu.wait_dma2 semaphore(%arg21 : memref<!tpu.dma_semaphore, #tpu.memory_space<semaphore_mem>>) src(%dma_wait3A_151 : memref<120xi32, #tpu.memory_space<hbm>>) dst(%arg12 : memref<120xi32, #tpu.memory_space<vmem>>)
      %dma_start3A_152 = arith.constant 0 : i32
      %dma_start3A_153 = arith.constant 0 : i32
      %dma_start3A_154 = tpu.memref_slice %arg6[%dma_start3A_152, %dma_start3A_153] : memref<10112x128xf32, #tpu.memory_space<vmem_shared>> -> memref<10112x128xf32, #tpu.memory_space<vmem_shared>>
      tpu.enqueue_indirect_dma source(%arg15 : memref<120x128xf32, #tpu.memory_space<vmem>>) target(%dma_start3A_154 : memref<10112x128xf32, #tpu.memory_space<vmem_shared>>) offsets(%arg12 : memref<120xi32, #tpu.memory_space<vmem>>) semaphore(%arg27 : memref<!tpu.dma_semaphore, #tpu.memory_space<semaphore_mem>>) {add = true}
      %gt3A_155 = arith.constant 0 : i32
      %gt3A_156 = arith.cmpi sgt, %add3A_134, %gt3A_155 : i32
      %convert_element_type3A_157 = arith.extui %gt3A_156 : i1 to i32
      %cond3A_158 = arith.constant 0 : i32
      %cond3A_159 = arith.cmpi ne, %convert_element_type3A_157, %cond3A_158 : i32
      scf.if %cond3A_159 {
        %dma_wait3A_167 = arith.constant 0 : i32
        %dma_wait3A_168 = arith.constant 0 : i32
        %dma_wait3A_169 = tpu.memref_slice %arg2[%dma_wait3A_167, %dma_wait3A_168] : memref<10016x128xf32, #tpu.memory_space<hbm>> -> memref<120x128xf32, #tpu.memory_space<hbm>>
        %dma_wait3A_170 = arith.constant 0 : i32
        %dma_wait3A_171 = arith.constant 0 : i32
        %dma_wait3A_172 = tpu.memref_slice %arg2[%dma_wait3A_170, %dma_wait3A_171] : memref<10016x128xf32, #tpu.memory_space<hbm>> -> memref<120x128xf32, #tpu.memory_space<hbm>>
        tpu.wait_dma2 semaphore(%arg26 : memref<!tpu.dma_semaphore, #tpu.memory_space<semaphore_mem>>) src(%dma_wait3A_172 : memref<120x128xf32, #tpu.memory_space<hbm>>) dst(%arg14 : memref<120x128xf32, #tpu.memory_space<vmem>>)
      } else {
      }
      %add3A_160 = arith.constant 2 : i32
      %add3A_161 = arith.addi %add3A_134, %add3A_160 : i32
      %lt3A_162 = arith.constant 87 : i32
      %lt3A_163 = arith.cmpi slt, %add3A_161, %lt3A_162 : i32
      %convert_element_type3A_164 = arith.extui %lt3A_163 : i1 to i32
      %cond3A_165 = arith.constant 0 : i32
      %cond3A_166 = arith.cmpi ne, %convert_element_type3A_164, %cond3A_165 : i32
      scf.if %cond3A_166 {
        %add3A_167 = arith.constant 2 : i32
        %add3A_168 = arith.addi %add3A_134, %add3A_167 : i32
        %add3A_169 = arith.constant 334080 : i32
        %add3A_170 = arith.addi %add3A_169, %mul3A_2 : i32
        %mul3A_171 = arith.constant 120 : i32
        %mul3A_172 = arith.muli %add3A_168, %mul3A_171 : i32
        %add3A_173 = arith.addi %add3A_170, %mul3A_172 : i32
        %dma_start3A_174 = tpu.memref_slice %arg3[%add3A_173] : memref<668160xi32, #tpu.memory_space<hbm>> -> memref<120xi32, #tpu.memory_space<hbm>>
        %dma_start3A_175 = tpu.memref_slice %arg3[%add3A_173] : memref<668160xi32, #tpu.memory_space<hbm>> -> memref<120xi32, #tpu.memory_space<hbm>>
        tpu.enqueue_dma source(%dma_start3A_175 : memref<120xi32, #tpu.memory_space<hbm>>) target(%arg11 : memref<120xi32, #tpu.memory_space<vmem>>) target_semaphore(%arg20 : memref<!tpu.dma_semaphore, #tpu.memory_space<semaphore_mem>>)
        %dma_wait3A_176 = arith.constant 0 : i32
        %dma_wait3A_177 = tpu.memref_slice %arg3[%dma_wait3A_176] : memref<668160xi32, #tpu.memory_space<hbm>> -> memref<120xi32, #tpu.memory_space<hbm>>
        %dma_wait3A_178 = arith.constant 0 : i32
        %dma_wait3A_179 = tpu.memref_slice %arg3[%dma_wait3A_178] : memref<668160xi32, #tpu.memory_space<hbm>> -> memref<120xi32, #tpu.memory_space<hbm>>
        tpu.wait_dma2 semaphore(%arg17 : memref<!tpu.dma_semaphore, #tpu.memory_space<semaphore_mem>>) src(%dma_wait3A_179 : memref<120xi32, #tpu.memory_space<hbm>>) dst(%arg8 : memref<120xi32, #tpu.memory_space<vmem>>)
        %dma_start3A_180 = arith.constant 0 : i32
        %dma_start3A_181 = arith.constant 0 : i32
        %dma_start3A_182 = tpu.memref_slice %arg2[%dma_start3A_180, %dma_start3A_181] : memref<10016x128xf32, #tpu.memory_space<hbm>> -> memref<10016x128xf32, #tpu.memory_space<hbm>>
        tpu.enqueue_indirect_dma source(%dma_start3A_182 : memref<10016x128xf32, #tpu.memory_space<hbm>>) target(%arg14 : memref<120x128xf32, #tpu.memory_space<vmem>>) offsets(%arg8 : memref<120xi32, #tpu.memory_space<vmem>>) semaphore(%arg23 : memref<!tpu.dma_semaphore, #tpu.memory_space<semaphore_mem>>)
      } else {
      }
    }
    %scan3A_47 = arith.constant 29 : i32
    %dma_wait3A_48 = arith.constant 0 : i32
    %dma_wait3A_49 = arith.constant 0 : i32
    %dma_wait3A_50 = tpu.memref_slice %arg2[%dma_wait3A_48, %dma_wait3A_49] : memref<10016x128xf32, #tpu.memory_space<hbm>> -> memref<120x128xf32, #tpu.memory_space<hbm>>
    %dma_wait3A_51 = arith.constant 0 : i32
    %dma_wait3A_52 = arith.constant 0 : i32
    %dma_wait3A_53 = tpu.memref_slice %arg2[%dma_wait3A_51, %dma_wait3A_52] : memref<10016x128xf32, #tpu.memory_space<hbm>> -> memref<120x128xf32, #tpu.memory_space<hbm>>
    tpu.wait_dma2 semaphore(%arg27 : memref<!tpu.dma_semaphore, #tpu.memory_space<semaphore_mem>>) src(%dma_wait3A_53 : memref<120x128xf32, #tpu.memory_space<hbm>>) dst(%arg15 : memref<120x128xf32, #tpu.memory_space<vmem>>)
    %barrier3A_54 = arith.constant 0 : index
    tpu.barrier barrier_id(%barrier3A_54)
    %mul3A_55 = arith.constant 632 : i32
    %mul3A_56 = arith.muli %arg1, %mul3A_55 : i32
    %mul3A_57 = arith.constant 10112 : i32
    %mul3A_58 = arith.muli %arg0, %mul3A_57 : i32
    %mul3A_59 = arith.constant 632 : i32
    %mul3A_60 = arith.muli %arg1, %mul3A_59 : i32
    %add3A_61 = arith.addi %mul3A_58, %mul3A_60 : i32
    "tpu.region"() ({
      %run_scoped3A = tpu.sem_alloc : memref<!tpu.dma_semaphore, #tpu.memory_space<semaphore_mem>>
      %dma_start3A_62 = arith.constant 0 : i32
      %dma_start3A_63 = tpu.memref_slice %arg5[%add3A_61, %dma_start3A_62] : memref<20224x128xf32, #tpu.memory_space<hbm>> -> memref<632x128xf32, #tpu.memory_space<hbm>>
      %dma_start3A_64 = arith.constant 0 : i32
      %dma_start3A_65 = tpu.memref_slice %arg6[%mul3A_56, %dma_start3A_64] : memref<10112x128xf32, #tpu.memory_space<vmem_shared>> -> memref<632x128xf32, #tpu.memory_space<vmem_shared>>
      tpu.enqueue_dma source(%dma_start3A_65 : memref<632x128xf32, #tpu.memory_space<vmem_shared>>) target(%dma_start3A_63 : memref<632x128xf32, #tpu.memory_space<hbm>>) target_semaphore(%run_scoped3A : memref<!tpu.dma_semaphore, #tpu.memory_space<semaphore_mem>>)
      %dma_wait3A_66 = arith.constant 0 : i32
      %dma_wait3A_67 = tpu.memref_slice %arg5[%add3A_61, %dma_wait3A_66] : memref<20224x128xf32, #tpu.memory_space<hbm>> -> memref<632x128xf32, #tpu.memory_space<hbm>>
      %dma_wait3A_68 = arith.constant 0 : i32
      %dma_wait3A_69 = tpu.memref_slice %arg6[%mul3A_56, %dma_wait3A_68] : memref<10112x128xf32, #tpu.memory_space<vmem_shared>> -> memref<632x128xf32, #tpu.memory_space<vmem_shared>>
      tpu.wait_dma2 semaphore(%run_scoped3A : memref<!tpu.dma_semaphore, #tpu.memory_space<semaphore_mem>>) src(%dma_wait3A_69 : memref<632x128xf32, #tpu.memory_space<vmem_shared>>) dst(%dma_wait3A_67 : memref<632x128xf32, #tpu.memory_space<hbm>>)
      tpu.yield
    }) : () -> ()
    return
  }
}

#map = affine_map<(d0, d1) -> (0, 0)>
#map1 = affine_map<(d0, d1) -> (0)>
module attributes {stable_mosaic.version = 14 : i64} {
  func.func @_edge_sc(%arg0: i32, %arg1: i32, %arg2: memref<10016x128xf32, #tpu.memory_space<hbm>>, %arg3: memref<668160xi32, #tpu.memory_space<hbm>>, %arg4: memref<10112x128xf32, #tpu.memory_space<hbm>>, %arg5: memref<20224x128xf32, #tpu.memory_space<hbm>>, %arg6: memref<10112x128xf32, #tpu.memory_space<vmem_shared>>, %arg7: memref<120xi32, #tpu.memory_space<vmem>>, %arg8: memref<120xi32, #tpu.memory_space<vmem>>, %arg9: memref<120xi32, #tpu.memory_space<vmem>>, %arg10: memref<120xi32, #tpu.memory_space<vmem>>, %arg11: memref<120xi32, #tpu.memory_space<vmem>>, %arg12: memref<120xi32, #tpu.memory_space<vmem>>, %arg13: memref<120x128xf32, #tpu.memory_space<vmem>>, %arg14: memref<120x128xf32, #tpu.memory_space<vmem>>, %arg15: memref<120x128xf32, #tpu.memory_space<vmem>>, %arg16: memref<!tpu.dma_semaphore, #tpu.memory_space<semaphore_mem>>, %arg17: memref<!tpu.dma_semaphore, #tpu.memory_space<semaphore_mem>>, %arg18: memref<!tpu.dma_semaphore, #tpu.memory_space<semaphore_mem>>, %arg19: memref<!tpu.dma_semaphore, #tpu.memory_space<semaphore_mem>>, %arg20: memref<!tpu.dma_semaphore, #tpu.memory_space<semaphore_mem>>, %arg21: memref<!tpu.dma_semaphore, #tpu.memory_space<semaphore_mem>>, %arg22: memref<!tpu.dma_semaphore, #tpu.memory_space<semaphore_mem>>, %arg23: memref<!tpu.dma_semaphore, #tpu.memory_space<semaphore_mem>>, %arg24: memref<!tpu.dma_semaphore, #tpu.memory_space<semaphore_mem>>, %arg25: memref<!tpu.dma_semaphore, #tpu.memory_space<semaphore_mem>>, %arg26: memref<!tpu.dma_semaphore, #tpu.memory_space<semaphore_mem>>, %arg27: memref<!tpu.dma_semaphore, #tpu.memory_space<semaphore_mem>>) attributes {dimension_semantics = [#tpu.dimension_semantics<core_parallel>, #tpu.dimension_semantics<subcore_parallel>], iteration_bounds = array<i64: 2, 16>, scalar_prefetch = 0 : i64, scratch_operands = 22 : i64, tpu.core_type = #tpu.core_type<sc_vector_subcore>, window_params = [{transform_indices = #map}, {transform_indices = #map1}, {transform_indices = #map}, {transform_indices = #map}]} {
    %mul3A = arith.constant 16 : i32
    %mul3A_0 = arith.muli %arg0, %mul3A : i32
    %add3A = arith.addi %mul3A_0, %arg1 : i32
    %mul3A_1 = arith.constant 10440 : i32
    %mul3A_2 = arith.muli %add3A, %mul3A_1 : i32
    %mul3A_3 = arith.constant 632 : i32
    %mul3A_4 = arith.muli %arg1, %mul3A_3 : i32
    %mul3A_5 = arith.constant 632 : i32
    %mul3A_6 = arith.muli %arg1, %mul3A_5 : i32
    "tpu.region"() ({
      %run_scoped3A = tpu.sem_alloc : memref<!tpu.dma_semaphore, #tpu.memory_space<semaphore_mem>>
      %dma_start3A_62 = arith.constant 0 : i32
      %dma_start3A_63 = tpu.memref_slice %arg6[%mul3A_6, %dma_start3A_62] : memref<10112x128xf32, #tpu.memory_space<vmem_shared>> -> memref<632x128xf32, #tpu.memory_space<vmem_shared>>
      %dma_start3A_64 = arith.constant 0 : i32
      %dma_start3A_65 = tpu.memref_slice %arg4[%mul3A_4, %dma_start3A_64] : memref<10112x128xf32, #tpu.memory_space<hbm>> -> memref<632x128xf32, #tpu.memory_space<hbm>>
      tpu.enqueue_dma source(%dma_start3A_65 : memref<632x128xf32, #tpu.memory_space<hbm>>) target(%dma_start3A_63 : memref<632x128xf32, #tpu.memory_space<vmem_shared>>) target_semaphore(%run_scoped3A : memref<!tpu.dma_semaphore, #tpu.memory_space<semaphore_mem>>)
      %dma_wait3A_66 = arith.constant 0 : i32
      %dma_wait3A_67 = tpu.memref_slice %arg6[%mul3A_6, %dma_wait3A_66] : memref<10112x128xf32, #tpu.memory_space<vmem_shared>> -> memref<632x128xf32, #tpu.memory_space<vmem_shared>>
      %dma_wait3A_68 = arith.constant 0 : i32
      %dma_wait3A_69 = tpu.memref_slice %arg4[%mul3A_4, %dma_wait3A_68] : memref<10112x128xf32, #tpu.memory_space<hbm>> -> memref<632x128xf32, #tpu.memory_space<hbm>>
      tpu.wait_dma2 semaphore(%run_scoped3A : memref<!tpu.dma_semaphore, #tpu.memory_space<semaphore_mem>>) src(%dma_wait3A_69 : memref<632x128xf32, #tpu.memory_space<hbm>>) dst(%dma_wait3A_67 : memref<632x128xf32, #tpu.memory_space<vmem_shared>>)
      tpu.yield
    }) : () -> ()
    %barrier3A = arith.constant 0 : index
    tpu.barrier barrier_id(%barrier3A)
    %add3A_7 = arith.constant 0 : i32
    %add3A_8 = arith.addi %mul3A_2, %add3A_7 : i32
    %dma_start3A = tpu.memref_slice %arg3[%add3A_8] : memref<668160xi32, #tpu.memory_space<hbm>> -> memref<120xi32, #tpu.memory_space<hbm>>
    %dma_start3A_9 = tpu.memref_slice %arg3[%add3A_8] : memref<668160xi32, #tpu.memory_space<hbm>> -> memref<120xi32, #tpu.memory_space<hbm>>
    tpu.enqueue_dma source(%dma_start3A_9 : memref<120xi32, #tpu.memory_space<hbm>>) target(%arg7 : memref<120xi32, #tpu.memory_space<vmem>>) target_semaphore(%arg16 : memref<!tpu.dma_semaphore, #tpu.memory_space<semaphore_mem>>)
    %add3A_10 = arith.constant 120 : i32
    %add3A_11 = arith.addi %mul3A_2, %add3A_10 : i32
    %dma_start3A_12 = tpu.memref_slice %arg3[%add3A_11] : memref<668160xi32, #tpu.memory_space<hbm>> -> memref<120xi32, #tpu.memory_space<hbm>>
    %dma_start3A_13 = tpu.memref_slice %arg3[%add3A_11] : memref<668160xi32, #tpu.memory_space<hbm>> -> memref<120xi32, #tpu.memory_space<hbm>>
    tpu.enqueue_dma source(%dma_start3A_13 : memref<120xi32, #tpu.memory_space<hbm>>) target(%arg8 : memref<120xi32, #tpu.memory_space<vmem>>) target_semaphore(%arg17 : memref<!tpu.dma_semaphore, #tpu.memory_space<semaphore_mem>>)
    %add3A_14 = arith.constant 240 : i32
    %add3A_15 = arith.addi %mul3A_2, %add3A_14 : i32
    %dma_start3A_16 = tpu.memref_slice %arg3[%add3A_15] : memref<668160xi32, #tpu.memory_space<hbm>> -> memref<120xi32, #tpu.memory_space<hbm>>
    %dma_start3A_17 = tpu.memref_slice %arg3[%add3A_15] : memref<668160xi32, #tpu.memory_space<hbm>> -> memref<120xi32, #tpu.memory_space<hbm>>
    tpu.enqueue_dma source(%dma_start3A_17 : memref<120xi32, #tpu.memory_space<hbm>>) target(%arg9 : memref<120xi32, #tpu.memory_space<vmem>>) target_semaphore(%arg18 : memref<!tpu.dma_semaphore, #tpu.memory_space<semaphore_mem>>)
    %add3A_18 = arith.constant 334080 : i32
    %add3A_19 = arith.addi %add3A_18, %mul3A_2 : i32
    %add3A_20 = arith.constant 0 : i32
    %add3A_21 = arith.addi %add3A_19, %add3A_20 : i32
    %dma_start3A_22 = tpu.memref_slice %arg3[%add3A_21] : memref<668160xi32, #tpu.memory_space<hbm>> -> memref<120xi32, #tpu.memory_space<hbm>>
    %dma_start3A_23 = tpu.memref_slice %arg3[%add3A_21] : memref<668160xi32, #tpu.memory_space<hbm>> -> memref<120xi32, #tpu.memory_space<hbm>>
    tpu.enqueue_dma source(%dma_start3A_23 : memref<120xi32, #tpu.memory_space<hbm>>) target(%arg10 : memref<120xi32, #tpu.memory_space<vmem>>) target_semaphore(%arg19 : memref<!tpu.dma_semaphore, #tpu.memory_space<semaphore_mem>>)
    %add3A_24 = arith.constant 334080 : i32
    %add3A_25 = arith.addi %add3A_24, %mul3A_2 : i32
    %add3A_26 = arith.constant 120 : i32
    %add3A_27 = arith.addi %add3A_25, %add3A_26 : i32
    %dma_start3A_28 = tpu.memref_slice %arg3[%add3A_27] : memref<668160xi32, #tpu.memory_space<hbm>> -> memref<120xi32, #tpu.memory_space<hbm>>
    %dma_start3A_29 = tpu.memref_slice %arg3[%add3A_27] : memref<668160xi32, #tpu.memory_space<hbm>> -> memref<120xi32, #tpu.memory_space<hbm>>
    tpu.enqueue_dma source(%dma_start3A_29 : memref<120xi32, #tpu.memory_space<hbm>>) target(%arg11 : memref<120xi32, #tpu.memory_space<vmem>>) target_semaphore(%arg20 : memref<!tpu.dma_semaphore, #tpu.memory_space<semaphore_mem>>)
    %dma_wait3A = arith.constant 0 : i32
    %dma_wait3A_30 = tpu.memref_slice %arg3[%dma_wait3A] : memref<668160xi32, #tpu.memory_space<hbm>> -> memref<120xi32, #tpu.memory_space<hbm>>
    %dma_wait3A_31 = arith.constant 0 : i32
    %dma_wait3A_32 = tpu.memref_slice %arg3[%dma_wait3A_31] : memref<668160xi32, #tpu.memory_space<hbm>> -> memref<120xi32, #tpu.memory_space<hbm>>
    tpu.wait_dma2 semaphore(%arg16 : memref<!tpu.dma_semaphore, #tpu.memory_space<semaphore_mem>>) src(%dma_wait3A_32 : memref<120xi32, #tpu.memory_space<hbm>>) dst(%arg7 : memref<120xi32, #tpu.memory_space<vmem>>)
    %dma_start3A_33 = arith.constant 0 : i32
    %dma_start3A_34 = arith.constant 0 : i32
    %dma_start3A_35 = tpu.memref_slice %arg2[%dma_start3A_33, %dma_start3A_34] : memref<10016x128xf32, #tpu.memory_space<hbm>> -> memref<10016x128xf32, #tpu.memory_space<hbm>>
    tpu.enqueue_indirect_dma source(%dma_start3A_35 : memref<10016x128xf32, #tpu.memory_space<hbm>>) target(%arg13 : memref<120x128xf32, #tpu.memory_space<vmem>>) offsets(%arg7 : memref<120xi32, #tpu.memory_space<vmem>>) semaphore(%arg22 : memref<!tpu.dma_semaphore, #tpu.memory_space<semaphore_mem>>)
    %dma_wait3A_36 = arith.constant 0 : i32
    %dma_wait3A_37 = tpu.memref_slice %arg3[%dma_wait3A_36] : memref<668160xi32, #tpu.memory_space<hbm>> -> memref<120xi32, #tpu.memory_space<hbm>>
    %dma_wait3A_38 = arith.constant 0 : i32
    %dma_wait3A_39 = tpu.memref_slice %arg3[%dma_wait3A_38] : memref<668160xi32, #tpu.memory_space<hbm>> -> memref<120xi32, #tpu.memory_space<hbm>>
    tpu.wait_dma2 semaphore(%arg17 : memref<!tpu.dma_semaphore, #tpu.memory_space<semaphore_mem>>) src(%dma_wait3A_39 : memref<120xi32, #tpu.memory_space<hbm>>) dst(%arg8 : memref<120xi32, #tpu.memory_space<vmem>>)
    %dma_start3A_40 = arith.constant 0 : i32
    %dma_start3A_41 = arith.constant 0 : i32
    %dma_start3A_42 = tpu.memref_slice %arg2[%dma_start3A_40, %dma_start3A_41] : memref<10016x128xf32, #tpu.memory_space<hbm>> -> memref<10016x128xf32, #tpu.memory_space<hbm>>
    tpu.enqueue_indirect_dma source(%dma_start3A_42 : memref<10016x128xf32, #tpu.memory_space<hbm>>) target(%arg14 : memref<120x128xf32, #tpu.memory_space<vmem>>) offsets(%arg8 : memref<120xi32, #tpu.memory_space<vmem>>) semaphore(%arg23 : memref<!tpu.dma_semaphore, #tpu.memory_space<semaphore_mem>>)
    %scan3A = arith.constant 0 : i32
    %scan3A_43 = arith.constant 0 : i32
    %scan3A_44 = arith.constant 29 : i32
    %scan3A_45 = arith.addi %scan3A_43, %scan3A_44 : i32
    %scan3A_46 = arith.constant 1 : i32
    scf.for %scan3A_62 = %scan3A_43 to %scan3A_45 step %scan3A_46  : i32 {
      %mul3A_63 = arith.constant 3 : i32
      %mul3A_64 = arith.muli %mul3A_63, %scan3A_62 : i32
      %add3A_65 = arith.constant 0 : i32
      %add3A_66 = arith.addi %mul3A_64, %add3A_65 : i32
      %dma_wait3A_67 = arith.constant 0 : i32
      %dma_wait3A_68 = arith.constant 0 : i32
      %dma_wait3A_69 = tpu.memref_slice %arg2[%dma_wait3A_67, %dma_wait3A_68] : memref<10016x128xf32, #tpu.memory_space<hbm>> -> memref<120x128xf32, #tpu.memory_space<hbm>>
      %dma_wait3A_70 = arith.constant 0 : i32
      %dma_wait3A_71 = arith.constant 0 : i32
      %dma_wait3A_72 = tpu.memref_slice %arg2[%dma_wait3A_70, %dma_wait3A_71] : memref<10016x128xf32, #tpu.memory_space<hbm>> -> memref<120x128xf32, #tpu.memory_space<hbm>>
      tpu.wait_dma2 semaphore(%arg22 : memref<!tpu.dma_semaphore, #tpu.memory_space<semaphore_mem>>) src(%dma_wait3A_72 : memref<120x128xf32, #tpu.memory_space<hbm>>) dst(%arg13 : memref<120x128xf32, #tpu.memory_space<vmem>>)
      %add3A_73 = arith.constant 3 : i32
      %add3A_74 = arith.addi %add3A_66, %add3A_73 : i32
      %lt3A = arith.constant 87 : i32
      %lt3A_75 = arith.cmpi slt, %add3A_74, %lt3A : i32
      %convert_element_type3A = arith.extui %lt3A_75 : i1 to i32
      %cond3A = arith.constant 0 : i32
      %cond3A_76 = arith.cmpi ne, %convert_element_type3A, %cond3A : i32
      scf.if %cond3A_76 {
        %add3A_167 = arith.constant 3 : i32
        %add3A_168 = arith.addi %add3A_66, %add3A_167 : i32
        %mul3A_169 = arith.constant 120 : i32
        %mul3A_170 = arith.muli %add3A_168, %mul3A_169 : i32
        %add3A_171 = arith.addi %mul3A_2, %mul3A_170 : i32
        %dma_start3A_172 = tpu.memref_slice %arg3[%add3A_171] : memref<668160xi32, #tpu.memory_space<hbm>> -> memref<120xi32, #tpu.memory_space<hbm>>
        %dma_start3A_173 = tpu.memref_slice %arg3[%add3A_171] : memref<668160xi32, #tpu.memory_space<hbm>> -> memref<120xi32, #tpu.memory_space<hbm>>
        tpu.enqueue_dma source(%dma_start3A_173 : memref<120xi32, #tpu.memory_space<hbm>>) target(%arg7 : memref<120xi32, #tpu.memory_space<vmem>>) target_semaphore(%arg16 : memref<!tpu.dma_semaphore, #tpu.memory_space<semaphore_mem>>)
      } else {
      }
      %dma_wait3A_77 = arith.constant 0 : i32
      %dma_wait3A_78 = tpu.memref_slice %arg3[%dma_wait3A_77] : memref<668160xi32, #tpu.memory_space<hbm>> -> memref<120xi32, #tpu.memory_space<hbm>>
      %dma_wait3A_79 = arith.constant 0 : i32
      %dma_wait3A_80 = tpu.memref_slice %arg3[%dma_wait3A_79] : memref<668160xi32, #tpu.memory_space<hbm>> -> memref<120xi32, #tpu.memory_space<hbm>>
      tpu.wait_dma2 semaphore(%arg19 : memref<!tpu.dma_semaphore, #tpu.memory_space<semaphore_mem>>) src(%dma_wait3A_80 : memref<120xi32, #tpu.memory_space<hbm>>) dst(%arg10 : memref<120xi32, #tpu.memory_space<vmem>>)
      %dma_start3A_81 = arith.constant 0 : i32
      %dma_start3A_82 = arith.constant 0 : i32
      %dma_start3A_83 = tpu.memref_slice %arg6[%dma_start3A_81, %dma_start3A_82] : memref<10112x128xf32, #tpu.memory_space<vmem_shared>> -> memref<10112x128xf32, #tpu.memory_space<vmem_shared>>
      tpu.enqueue_indirect_dma source(%arg13 : memref<120x128xf32, #tpu.memory_space<vmem>>) target(%dma_start3A_83 : memref<10112x128xf32, #tpu.memory_space<vmem_shared>>) offsets(%arg10 : memref<120xi32, #tpu.memory_space<vmem>>) semaphore(%arg25 : memref<!tpu.dma_semaphore, #tpu.memory_space<semaphore_mem>>) {add = true}
      %gt3A = arith.constant 0 : i32
      %gt3A_84 = arith.cmpi sgt, %add3A_66, %gt3A : i32
      %convert_element_type3A_85 = arith.extui %gt3A_84 : i1 to i32
      %cond3A_86 = arith.constant 0 : i32
      %cond3A_87 = arith.cmpi ne, %convert_element_type3A_85, %cond3A_86 : i32
      scf.if %cond3A_87 {
        %dma_wait3A_167 = arith.constant 0 : i32
        %dma_wait3A_168 = arith.constant 0 : i32
        %dma_wait3A_169 = tpu.memref_slice %arg2[%dma_wait3A_167, %dma_wait3A_168] : memref<10016x128xf32, #tpu.memory_space<hbm>> -> memref<120x128xf32, #tpu.memory_space<hbm>>
        %dma_wait3A_170 = arith.constant 0 : i32
        %dma_wait3A_171 = arith.constant 0 : i32
        %dma_wait3A_172 = tpu.memref_slice %arg2[%dma_wait3A_170, %dma_wait3A_171] : memref<10016x128xf32, #tpu.memory_space<hbm>> -> memref<120x128xf32, #tpu.memory_space<hbm>>
        tpu.wait_dma2 semaphore(%arg27 : memref<!tpu.dma_semaphore, #tpu.memory_space<semaphore_mem>>) src(%dma_wait3A_172 : memref<120x128xf32, #tpu.memory_space<hbm>>) dst(%arg15 : memref<120x128xf32, #tpu.memory_space<vmem>>)
      } else {
      }
      %add3A_88 = arith.constant 2 : i32
      %add3A_89 = arith.addi %add3A_66, %add3A_88 : i32
      %lt3A_90 = arith.constant 87 : i32
      %lt3A_91 = arith.cmpi slt, %add3A_89, %lt3A_90 : i32
      %convert_element_type3A_92 = arith.extui %lt3A_91 : i1 to i32
      %cond3A_93 = arith.constant 0 : i32
      %cond3A_94 = arith.cmpi ne, %convert_element_type3A_92, %cond3A_93 : i32
      scf.if %cond3A_94 {
        %add3A_167 = arith.constant 2 : i32
        %add3A_168 = arith.addi %add3A_66, %add3A_167 : i32
        %add3A_169 = arith.constant 334080 : i32
        %add3A_170 = arith.addi %add3A_169, %mul3A_2 : i32
        %mul3A_171 = arith.constant 120 : i32
        %mul3A_172 = arith.muli %add3A_168, %mul3A_171 : i32
        %add3A_173 = arith.addi %add3A_170, %mul3A_172 : i32
        %dma_start3A_174 = tpu.memref_slice %arg3[%add3A_173] : memref<668160xi32, #tpu.memory_space<hbm>> -> memref<120xi32, #tpu.memory_space<hbm>>
        %dma_start3A_175 = tpu.memref_slice %arg3[%add3A_173] : memref<668160xi32, #tpu.memory_space<hbm>> -> memref<120xi32, #tpu.memory_space<hbm>>
        tpu.enqueue_dma source(%dma_start3A_175 : memref<120xi32, #tpu.memory_space<hbm>>) target(%arg12 : memref<120xi32, #tpu.memory_space<vmem>>) target_semaphore(%arg21 : memref<!tpu.dma_semaphore, #tpu.memory_space<semaphore_mem>>)
        %dma_wait3A_176 = arith.constant 0 : i32
        %dma_wait3A_177 = tpu.memref_slice %arg3[%dma_wait3A_176] : memref<668160xi32, #tpu.memory_space<hbm>> -> memref<120xi32, #tpu.memory_space<hbm>>
        %dma_wait3A_178 = arith.constant 0 : i32
        %dma_wait3A_179 = tpu.memref_slice %arg3[%dma_wait3A_178] : memref<668160xi32, #tpu.memory_space<hbm>> -> memref<120xi32, #tpu.memory_space<hbm>>
        tpu.wait_dma2 semaphore(%arg18 : memref<!tpu.dma_semaphore, #tpu.memory_space<semaphore_mem>>) src(%dma_wait3A_179 : memref<120xi32, #tpu.memory_space<hbm>>) dst(%arg9 : memref<120xi32, #tpu.memory_space<vmem>>)
        %dma_start3A_180 = arith.constant 0 : i32
        %dma_start3A_181 = arith.constant 0 : i32
        %dma_start3A_182 = tpu.memref_slice %arg2[%dma_start3A_180, %dma_start3A_181] : memref<10016x128xf32, #tpu.memory_space<hbm>> -> memref<10016x128xf32, #tpu.memory_space<hbm>>
        tpu.enqueue_indirect_dma source(%dma_start3A_182 : memref<10016x128xf32, #tpu.memory_space<hbm>>) target(%arg15 : memref<120x128xf32, #tpu.memory_space<vmem>>) offsets(%arg9 : memref<120xi32, #tpu.memory_space<vmem>>) semaphore(%arg24 : memref<!tpu.dma_semaphore, #tpu.memory_space<semaphore_mem>>)
      } else {
      }
      %mul3A_95 = arith.constant 3 : i32
      %mul3A_96 = arith.muli %mul3A_95, %scan3A_62 : i32
      %add3A_97 = arith.constant 1 : i32
      %add3A_98 = arith.addi %mul3A_96, %add3A_97 : i32
      %dma_wait3A_99 = arith.constant 0 : i32
      %dma_wait3A_100 = arith.constant 0 : i32
      %dma_wait3A_101 = tpu.memref_slice %arg2[%dma_wait3A_99, %dma_wait3A_100] : memref<10016x128xf32, #tpu.memory_space<hbm>> -> memref<120x128xf32, #tpu.memory_space<hbm>>
      %dma_wait3A_102 = arith.constant 0 : i32
      %dma_wait3A_103 = arith.constant 0 : i32
      %dma_wait3A_104 = tpu.memref_slice %arg2[%dma_wait3A_102, %dma_wait3A_103] : memref<10016x128xf32, #tpu.memory_space<hbm>> -> memref<120x128xf32, #tpu.memory_space<hbm>>
      tpu.wait_dma2 semaphore(%arg23 : memref<!tpu.dma_semaphore, #tpu.memory_space<semaphore_mem>>) src(%dma_wait3A_104 : memref<120x128xf32, #tpu.memory_space<hbm>>) dst(%arg14 : memref<120x128xf32, #tpu.memory_space<vmem>>)
      %add3A_105 = arith.constant 3 : i32
      %add3A_106 = arith.addi %add3A_98, %add3A_105 : i32
      %lt3A_107 = arith.constant 87 : i32
      %lt3A_108 = arith.cmpi slt, %add3A_106, %lt3A_107 : i32
      %convert_element_type3A_109 = arith.extui %lt3A_108 : i1 to i32
      %cond3A_110 = arith.constant 0 : i32
      %cond3A_111 = arith.cmpi ne, %convert_element_type3A_109, %cond3A_110 : i32
      scf.if %cond3A_111 {
        %add3A_167 = arith.constant 3 : i32
        %add3A_168 = arith.addi %add3A_98, %add3A_167 : i32
        %mul3A_169 = arith.constant 120 : i32
        %mul3A_170 = arith.muli %add3A_168, %mul3A_169 : i32
        %add3A_171 = arith.addi %mul3A_2, %mul3A_170 : i32
        %dma_start3A_172 = tpu.memref_slice %arg3[%add3A_171] : memref<668160xi32, #tpu.memory_space<hbm>> -> memref<120xi32, #tpu.memory_space<hbm>>
        %dma_start3A_173 = tpu.memref_slice %arg3[%add3A_171] : memref<668160xi32, #tpu.memory_space<hbm>> -> memref<120xi32, #tpu.memory_space<hbm>>
        tpu.enqueue_dma source(%dma_start3A_173 : memref<120xi32, #tpu.memory_space<hbm>>) target(%arg8 : memref<120xi32, #tpu.memory_space<vmem>>) target_semaphore(%arg17 : memref<!tpu.dma_semaphore, #tpu.memory_space<semaphore_mem>>)
      } else {
      }
      %dma_wait3A_112 = arith.constant 0 : i32
      %dma_wait3A_113 = tpu.memref_slice %arg3[%dma_wait3A_112] : memref<668160xi32, #tpu.memory_space<hbm>> -> memref<120xi32, #tpu.memory_space<hbm>>
      %dma_wait3A_114 = arith.constant 0 : i32
      %dma_wait3A_115 = tpu.memref_slice %arg3[%dma_wait3A_114] : memref<668160xi32, #tpu.memory_space<hbm>> -> memref<120xi32, #tpu.memory_space<hbm>>
      tpu.wait_dma2 semaphore(%arg20 : memref<!tpu.dma_semaphore, #tpu.memory_space<semaphore_mem>>) src(%dma_wait3A_115 : memref<120xi32, #tpu.memory_space<hbm>>) dst(%arg11 : memref<120xi32, #tpu.memory_space<vmem>>)
      %dma_start3A_116 = arith.constant 0 : i32
      %dma_start3A_117 = arith.constant 0 : i32
      %dma_start3A_118 = tpu.memref_slice %arg6[%dma_start3A_116, %dma_start3A_117] : memref<10112x128xf32, #tpu.memory_space<vmem_shared>> -> memref<10112x128xf32, #tpu.memory_space<vmem_shared>>
      tpu.enqueue_indirect_dma source(%arg14 : memref<120x128xf32, #tpu.memory_space<vmem>>) target(%dma_start3A_118 : memref<10112x128xf32, #tpu.memory_space<vmem_shared>>) offsets(%arg11 : memref<120xi32, #tpu.memory_space<vmem>>) semaphore(%arg26 : memref<!tpu.dma_semaphore, #tpu.memory_space<semaphore_mem>>) {add = true}
      %gt3A_119 = arith.constant 0 : i32
      %gt3A_120 = arith.cmpi sgt, %add3A_98, %gt3A_119 : i32
      %convert_element_type3A_121 = arith.extui %gt3A_120 : i1 to i32
      %cond3A_122 = arith.constant 0 : i32
      %cond3A_123 = arith.cmpi ne, %convert_element_type3A_121, %cond3A_122 : i32
      scf.if %cond3A_123 {
        %dma_wait3A_167 = arith.constant 0 : i32
        %dma_wait3A_168 = arith.constant 0 : i32
        %dma_wait3A_169 = tpu.memref_slice %arg2[%dma_wait3A_167, %dma_wait3A_168] : memref<10016x128xf32, #tpu.memory_space<hbm>> -> memref<120x128xf32, #tpu.memory_space<hbm>>
        %dma_wait3A_170 = arith.constant 0 : i32
        %dma_wait3A_171 = arith.constant 0 : i32
        %dma_wait3A_172 = tpu.memref_slice %arg2[%dma_wait3A_170, %dma_wait3A_171] : memref<10016x128xf32, #tpu.memory_space<hbm>> -> memref<120x128xf32, #tpu.memory_space<hbm>>
        tpu.wait_dma2 semaphore(%arg25 : memref<!tpu.dma_semaphore, #tpu.memory_space<semaphore_mem>>) src(%dma_wait3A_172 : memref<120x128xf32, #tpu.memory_space<hbm>>) dst(%arg13 : memref<120x128xf32, #tpu.memory_space<vmem>>)
      } else {
      }
      %add3A_124 = arith.constant 2 : i32
      %add3A_125 = arith.addi %add3A_98, %add3A_124 : i32
      %lt3A_126 = arith.constant 87 : i32
      %lt3A_127 = arith.cmpi slt, %add3A_125, %lt3A_126 : i32
      %convert_element_type3A_128 = arith.extui %lt3A_127 : i1 to i32
      %cond3A_129 = arith.constant 0 : i32
      %cond3A_130 = arith.cmpi ne, %convert_element_type3A_128, %cond3A_129 : i32
      scf.if %cond3A_130 {
        %add3A_167 = arith.constant 2 : i32
        %add3A_168 = arith.addi %add3A_98, %add3A_167 : i32
        %add3A_169 = arith.constant 334080 : i32
        %add3A_170 = arith.addi %add3A_169, %mul3A_2 : i32
        %mul3A_171 = arith.constant 120 : i32
        %mul3A_172 = arith.muli %add3A_168, %mul3A_171 : i32
        %add3A_173 = arith.addi %add3A_170, %mul3A_172 : i32
        %dma_start3A_174 = tpu.memref_slice %arg3[%add3A_173] : memref<668160xi32, #tpu.memory_space<hbm>> -> memref<120xi32, #tpu.memory_space<hbm>>
        %dma_start3A_175 = tpu.memref_slice %arg3[%add3A_173] : memref<668160xi32, #tpu.memory_space<hbm>> -> memref<120xi32, #tpu.memory_space<hbm>>
        tpu.enqueue_dma source(%dma_start3A_175 : memref<120xi32, #tpu.memory_space<hbm>>) target(%arg10 : memref<120xi32, #tpu.memory_space<vmem>>) target_semaphore(%arg19 : memref<!tpu.dma_semaphore, #tpu.memory_space<semaphore_mem>>)
        %dma_wait3A_176 = arith.constant 0 : i32
        %dma_wait3A_177 = tpu.memref_slice %arg3[%dma_wait3A_176] : memref<668160xi32, #tpu.memory_space<hbm>> -> memref<120xi32, #tpu.memory_space<hbm>>
        %dma_wait3A_178 = arith.constant 0 : i32
        %dma_wait3A_179 = tpu.memref_slice %arg3[%dma_wait3A_178] : memref<668160xi32, #tpu.memory_space<hbm>> -> memref<120xi32, #tpu.memory_space<hbm>>
        tpu.wait_dma2 semaphore(%arg16 : memref<!tpu.dma_semaphore, #tpu.memory_space<semaphore_mem>>) src(%dma_wait3A_179 : memref<120xi32, #tpu.memory_space<hbm>>) dst(%arg7 : memref<120xi32, #tpu.memory_space<vmem>>)
        %dma_start3A_180 = arith.constant 0 : i32
        %dma_start3A_181 = arith.constant 0 : i32
        %dma_start3A_182 = tpu.memref_slice %arg2[%dma_start3A_180, %dma_start3A_181] : memref<10016x128xf32, #tpu.memory_space<hbm>> -> memref<10016x128xf32, #tpu.memory_space<hbm>>
        tpu.enqueue_indirect_dma source(%dma_start3A_182 : memref<10016x128xf32, #tpu.memory_space<hbm>>) target(%arg13 : memref<120x128xf32, #tpu.memory_space<vmem>>) offsets(%arg7 : memref<120xi32, #tpu.memory_space<vmem>>) semaphore(%arg22 : memref<!tpu.dma_semaphore, #tpu.memory_space<semaphore_mem>>)
      } else {
      }
      %mul3A_131 = arith.constant 3 : i32
      %mul3A_132 = arith.muli %mul3A_131, %scan3A_62 : i32
      %add3A_133 = arith.constant 2 : i32
      %add3A_134 = arith.addi %mul3A_132, %add3A_133 : i32
      %dma_wait3A_135 = arith.constant 0 : i32
      %dma_wait3A_136 = arith.constant 0 : i32
      %dma_wait3A_137 = tpu.memref_slice %arg2[%dma_wait3A_135, %dma_wait3A_136] : memref<10016x128xf32, #tpu.memory_space<hbm>> -> memref<120x128xf32, #tpu.memory_space<hbm>>
      %dma_wait3A_138 = arith.constant 0 : i32
      %dma_wait3A_139 = arith.constant 0 : i32
      %dma_wait3A_140 = tpu.memref_slice %arg2[%dma_wait3A_138, %dma_wait3A_139] : memref<10016x128xf32, #tpu.memory_space<hbm>> -> memref<120x128xf32, #tpu.memory_space<hbm>>
      tpu.wait_dma2 semaphore(%arg24 : memref<!tpu.dma_semaphore, #tpu.memory_space<semaphore_mem>>) src(%dma_wait3A_140 : memref<120x128xf32, #tpu.memory_space<hbm>>) dst(%arg15 : memref<120x128xf32, #tpu.memory_space<vmem>>)
      %add3A_141 = arith.constant 3 : i32
      %add3A_142 = arith.addi %add3A_134, %add3A_141 : i32
      %lt3A_143 = arith.constant 87 : i32
      %lt3A_144 = arith.cmpi slt, %add3A_142, %lt3A_143 : i32
      %convert_element_type3A_145 = arith.extui %lt3A_144 : i1 to i32
      %cond3A_146 = arith.constant 0 : i32
      %cond3A_147 = arith.cmpi ne, %convert_element_type3A_145, %cond3A_146 : i32
      scf.if %cond3A_147 {
        %add3A_167 = arith.constant 3 : i32
        %add3A_168 = arith.addi %add3A_134, %add3A_167 : i32
        %mul3A_169 = arith.constant 120 : i32
        %mul3A_170 = arith.muli %add3A_168, %mul3A_169 : i32
        %add3A_171 = arith.addi %mul3A_2, %mul3A_170 : i32
        %dma_start3A_172 = tpu.memref_slice %arg3[%add3A_171] : memref<668160xi32, #tpu.memory_space<hbm>> -> memref<120xi32, #tpu.memory_space<hbm>>
        %dma_start3A_173 = tpu.memref_slice %arg3[%add3A_171] : memref<668160xi32, #tpu.memory_space<hbm>> -> memref<120xi32, #tpu.memory_space<hbm>>
        tpu.enqueue_dma source(%dma_start3A_173 : memref<120xi32, #tpu.memory_space<hbm>>) target(%arg9 : memref<120xi32, #tpu.memory_space<vmem>>) target_semaphore(%arg18 : memref<!tpu.dma_semaphore, #tpu.memory_space<semaphore_mem>>)
      } else {
      }
      %dma_wait3A_148 = arith.constant 0 : i32
      %dma_wait3A_149 = tpu.memref_slice %arg3[%dma_wait3A_148] : memref<668160xi32, #tpu.memory_space<hbm>> -> memref<120xi32, #tpu.memory_space<hbm>>
      %dma_wait3A_150 = arith.constant 0 : i32
      %dma_wait3A_151 = tpu.memref_slice %arg3[%dma_wait3A_150] : memref<668160xi32, #tpu.memory_space<hbm>> -> memref<120xi32, #tpu.memory_space<hbm>>
      tpu.wait_dma2 semaphore(%arg21 : memref<!tpu.dma_semaphore, #tpu.memory_space<semaphore_mem>>) src(%dma_wait3A_151 : memref<120xi32, #tpu.memory_space<hbm>>) dst(%arg12 : memref<120xi32, #tpu.memory_space<vmem>>)
      %dma_start3A_152 = arith.constant 0 : i32
      %dma_start3A_153 = arith.constant 0 : i32
      %dma_start3A_154 = tpu.memref_slice %arg6[%dma_start3A_152, %dma_start3A_153] : memref<10112x128xf32, #tpu.memory_space<vmem_shared>> -> memref<10112x128xf32, #tpu.memory_space<vmem_shared>>
      tpu.enqueue_indirect_dma source(%arg15 : memref<120x128xf32, #tpu.memory_space<vmem>>) target(%dma_start3A_154 : memref<10112x128xf32, #tpu.memory_space<vmem_shared>>) offsets(%arg12 : memref<120xi32, #tpu.memory_space<vmem>>) semaphore(%arg27 : memref<!tpu.dma_semaphore, #tpu.memory_space<semaphore_mem>>) {add = true}
      %gt3A_155 = arith.constant 0 : i32
      %gt3A_156 = arith.cmpi sgt, %add3A_134, %gt3A_155 : i32
      %convert_element_type3A_157 = arith.extui %gt3A_156 : i1 to i32
      %cond3A_158 = arith.constant 0 : i32
      %cond3A_159 = arith.cmpi ne, %convert_element_type3A_157, %cond3A_158 : i32
      scf.if %cond3A_159 {
        %dma_wait3A_167 = arith.constant 0 : i32
        %dma_wait3A_168 = arith.constant 0 : i32
        %dma_wait3A_169 = tpu.memref_slice %arg2[%dma_wait3A_167, %dma_wait3A_168] : memref<10016x128xf32, #tpu.memory_space<hbm>> -> memref<120x128xf32, #tpu.memory_space<hbm>>
        %dma_wait3A_170 = arith.constant 0 : i32
        %dma_wait3A_171 = arith.constant 0 : i32
        %dma_wait3A_172 = tpu.memref_slice %arg2[%dma_wait3A_170, %dma_wait3A_171] : memref<10016x128xf32, #tpu.memory_space<hbm>> -> memref<120x128xf32, #tpu.memory_space<hbm>>
        tpu.wait_dma2 semaphore(%arg26 : memref<!tpu.dma_semaphore, #tpu.memory_space<semaphore_mem>>) src(%dma_wait3A_172 : memref<120x128xf32, #tpu.memory_space<hbm>>) dst(%arg14 : memref<120x128xf32, #tpu.memory_space<vmem>>)
      } else {
      }
      %add3A_160 = arith.constant 2 : i32
      %add3A_161 = arith.addi %add3A_134, %add3A_160 : i32
      %lt3A_162 = arith.constant 87 : i32
      %lt3A_163 = arith.cmpi slt, %add3A_161, %lt3A_162 : i32
      %convert_element_type3A_164 = arith.extui %lt3A_163 : i1 to i32
      %cond3A_165 = arith.constant 0 : i32
      %cond3A_166 = arith.cmpi ne, %convert_element_type3A_164, %cond3A_165 : i32
      scf.if %cond3A_166 {
        %add3A_167 = arith.constant 2 : i32
        %add3A_168 = arith.addi %add3A_134, %add3A_167 : i32
        %add3A_169 = arith.constant 334080 : i32
        %add3A_170 = arith.addi %add3A_169, %mul3A_2 : i32
        %mul3A_171 = arith.constant 120 : i32
        %mul3A_172 = arith.muli %add3A_168, %mul3A_171 : i32
        %add3A_173 = arith.addi %add3A_170, %mul3A_172 : i32
        %dma_start3A_174 = tpu.memref_slice %arg3[%add3A_173] : memref<668160xi32, #tpu.memory_space<hbm>> -> memref<120xi32, #tpu.memory_space<hbm>>
        %dma_start3A_175 = tpu.memref_slice %arg3[%add3A_173] : memref<668160xi32, #tpu.memory_space<hbm>> -> memref<120xi32, #tpu.memory_space<hbm>>
        tpu.enqueue_dma source(%dma_start3A_175 : memref<120xi32, #tpu.memory_space<hbm>>) target(%arg11 : memref<120xi32, #tpu.memory_space<vmem>>) target_semaphore(%arg20 : memref<!tpu.dma_semaphore, #tpu.memory_space<semaphore_mem>>)
        %dma_wait3A_176 = arith.constant 0 : i32
        %dma_wait3A_177 = tpu.memref_slice %arg3[%dma_wait3A_176] : memref<668160xi32, #tpu.memory_space<hbm>> -> memref<120xi32, #tpu.memory_space<hbm>>
        %dma_wait3A_178 = arith.constant 0 : i32
        %dma_wait3A_179 = tpu.memref_slice %arg3[%dma_wait3A_178] : memref<668160xi32, #tpu.memory_space<hbm>> -> memref<120xi32, #tpu.memory_space<hbm>>
        tpu.wait_dma2 semaphore(%arg17 : memref<!tpu.dma_semaphore, #tpu.memory_space<semaphore_mem>>) src(%dma_wait3A_179 : memref<120xi32, #tpu.memory_space<hbm>>) dst(%arg8 : memref<120xi32, #tpu.memory_space<vmem>>)
        %dma_start3A_180 = arith.constant 0 : i32
        %dma_start3A_181 = arith.constant 0 : i32
        %dma_start3A_182 = tpu.memref_slice %arg2[%dma_start3A_180, %dma_start3A_181] : memref<10016x128xf32, #tpu.memory_space<hbm>> -> memref<10016x128xf32, #tpu.memory_space<hbm>>
        tpu.enqueue_indirect_dma source(%dma_start3A_182 : memref<10016x128xf32, #tpu.memory_space<hbm>>) target(%arg14 : memref<120x128xf32, #tpu.memory_space<vmem>>) offsets(%arg8 : memref<120xi32, #tpu.memory_space<vmem>>) semaphore(%arg23 : memref<!tpu.dma_semaphore, #tpu.memory_space<semaphore_mem>>)
      } else {
      }
    }
    %scan3A_47 = arith.constant 29 : i32
    %dma_wait3A_48 = arith.constant 0 : i32
    %dma_wait3A_49 = arith.constant 0 : i32
    %dma_wait3A_50 = tpu.memref_slice %arg2[%dma_wait3A_48, %dma_wait3A_49] : memref<10016x128xf32, #tpu.memory_space<hbm>> -> memref<120x128xf32, #tpu.memory_space<hbm>>
    %dma_wait3A_51 = arith.constant 0 : i32
    %dma_wait3A_52 = arith.constant 0 : i32
    %dma_wait3A_53 = tpu.memref_slice %arg2[%dma_wait3A_51, %dma_wait3A_52] : memref<10016x128xf32, #tpu.memory_space<hbm>> -> memref<120x128xf32, #tpu.memory_space<hbm>>
    tpu.wait_dma2 semaphore(%arg27 : memref<!tpu.dma_semaphore, #tpu.memory_space<semaphore_mem>>) src(%dma_wait3A_53 : memref<120x128xf32, #tpu.memory_space<hbm>>) dst(%arg15 : memref<120x128xf32, #tpu.memory_space<vmem>>)
    %barrier3A_54 = arith.constant 0 : index
    tpu.barrier barrier_id(%barrier3A_54)
    %mul3A_55 = arith.constant 632 : i32
    %mul3A_56 = arith.muli %arg1, %mul3A_55 : i32
    %mul3A_57 = arith.constant 10112 : i32
    %mul3A_58 = arith.muli %arg0, %mul3A_57 : i32
    %mul3A_59 = arith.constant 632 : i32
    %mul3A_60 = arith.muli %arg1, %mul3A_59 : i32
    %add3A_61 = arith.addi %mul3A_58, %mul3A_60 : i32
    "tpu.region"() ({
      %run_scoped3A = tpu.sem_alloc : memref<!tpu.dma_semaphore, #tpu.memory_space<semaphore_mem>>
      %dma_start3A_62 = arith.constant 0 : i32
      %dma_start3A_63 = tpu.memref_slice %arg5[%add3A_61, %dma_start3A_62] : memref<20224x128xf32, #tpu.memory_space<hbm>> -> memref<632x128xf32, #tpu.memory_space<hbm>>
      %dma_start3A_64 = arith.constant 0 : i32
      %dma_start3A_65 = tpu.memref_slice %arg6[%mul3A_56, %dma_start3A_64] : memref<10112x128xf32, #tpu.memory_space<vmem_shared>> -> memref<632x128xf32, #tpu.memory_space<vmem_shared>>
      tpu.enqueue_dma source(%dma_start3A_65 : memref<632x128xf32, #tpu.memory_space<vmem_shared>>) target(%dma_start3A_63 : memref<632x128xf32, #tpu.memory_space<hbm>>) target_semaphore(%run_scoped3A : memref<!tpu.dma_semaphore, #tpu.memory_space<semaphore_mem>>)
      %dma_wait3A_66 = arith.constant 0 : i32
      %dma_wait3A_67 = tpu.memref_slice %arg5[%add3A_61, %dma_wait3A_66] : memref<20224x128xf32, #tpu.memory_space<hbm>> -> memref<632x128xf32, #tpu.memory_space<hbm>>
      %dma_wait3A_68 = arith.constant 0 : i32
      %dma_wait3A_69 = tpu.memref_slice %arg6[%mul3A_56, %dma_wait3A_68] : memref<10112x128xf32, #tpu.memory_space<vmem_shared>> -> memref<632x128xf32, #tpu.memory_space<vmem_shared>>
      tpu.wait_dma2 semaphore(%run_scoped3A : memref<!tpu.dma_semaphore, #tpu.memory_space<semaphore_mem>>) src(%dma_wait3A_69 : memref<632x128xf32, #tpu.memory_space<vmem_shared>>) dst(%dma_wait3A_67 : memref<632x128xf32, #tpu.memory_space<hbm>>)
      tpu.yield
    }) : () -> ()
    return
  }
}

#map = affine_map<(d0, d1) -> (0, 0)>
#map1 = affine_map<(d0, d1) -> (0)>
module attributes {stable_mosaic.version = 14 : i64} {
  func.func @_edge_sc(%arg0: i32, %arg1: i32, %arg2: memref<10016x128xf32, #tpu.memory_space<hbm>>, %arg3: memref<668160xi32, #tpu.memory_space<hbm>>, %arg4: memref<10112x128xf32, #tpu.memory_space<hbm>>, %arg5: memref<20224x128xf32, #tpu.memory_space<hbm>>, %arg6: memref<10112x128xf32, #tpu.memory_space<vmem_shared>>, %arg7: memref<120xi32, #tpu.memory_space<vmem>>, %arg8: memref<120xi32, #tpu.memory_space<vmem>>, %arg9: memref<120xi32, #tpu.memory_space<vmem>>, %arg10: memref<120xi32, #tpu.memory_space<vmem>>, %arg11: memref<120xi32, #tpu.memory_space<vmem>>, %arg12: memref<120xi32, #tpu.memory_space<vmem>>, %arg13: memref<120x128xf32, #tpu.memory_space<vmem>>, %arg14: memref<120x128xf32, #tpu.memory_space<vmem>>, %arg15: memref<120x128xf32, #tpu.memory_space<vmem>>, %arg16: memref<!tpu.dma_semaphore, #tpu.memory_space<semaphore_mem>>, %arg17: memref<!tpu.dma_semaphore, #tpu.memory_space<semaphore_mem>>, %arg18: memref<!tpu.dma_semaphore, #tpu.memory_space<semaphore_mem>>, %arg19: memref<!tpu.dma_semaphore, #tpu.memory_space<semaphore_mem>>, %arg20: memref<!tpu.dma_semaphore, #tpu.memory_space<semaphore_mem>>, %arg21: memref<!tpu.dma_semaphore, #tpu.memory_space<semaphore_mem>>, %arg22: memref<!tpu.dma_semaphore, #tpu.memory_space<semaphore_mem>>, %arg23: memref<!tpu.dma_semaphore, #tpu.memory_space<semaphore_mem>>, %arg24: memref<!tpu.dma_semaphore, #tpu.memory_space<semaphore_mem>>, %arg25: memref<!tpu.dma_semaphore, #tpu.memory_space<semaphore_mem>>, %arg26: memref<!tpu.dma_semaphore, #tpu.memory_space<semaphore_mem>>, %arg27: memref<!tpu.dma_semaphore, #tpu.memory_space<semaphore_mem>>) attributes {dimension_semantics = [#tpu.dimension_semantics<core_parallel>, #tpu.dimension_semantics<subcore_parallel>], iteration_bounds = array<i64: 2, 16>, scalar_prefetch = 0 : i64, scratch_operands = 22 : i64, tpu.core_type = #tpu.core_type<sc_vector_subcore>, window_params = [{transform_indices = #map}, {transform_indices = #map1}, {transform_indices = #map}, {transform_indices = #map}]} {
    %mul3A = arith.constant 16 : i32
    %mul3A_0 = arith.muli %arg0, %mul3A : i32
    %add3A = arith.addi %mul3A_0, %arg1 : i32
    %mul3A_1 = arith.constant 10440 : i32
    %mul3A_2 = arith.muli %add3A, %mul3A_1 : i32
    %mul3A_3 = arith.constant 632 : i32
    %mul3A_4 = arith.muli %arg1, %mul3A_3 : i32
    %mul3A_5 = arith.constant 632 : i32
    %mul3A_6 = arith.muli %arg1, %mul3A_5 : i32
    "tpu.region"() ({
      %run_scoped3A = tpu.sem_alloc : memref<!tpu.dma_semaphore, #tpu.memory_space<semaphore_mem>>
      %dma_start3A_62 = arith.constant 0 : i32
      %dma_start3A_63 = tpu.memref_slice %arg6[%mul3A_6, %dma_start3A_62] : memref<10112x128xf32, #tpu.memory_space<vmem_shared>> -> memref<632x128xf32, #tpu.memory_space<vmem_shared>>
      %dma_start3A_64 = arith.constant 0 : i32
      %dma_start3A_65 = tpu.memref_slice %arg4[%mul3A_4, %dma_start3A_64] : memref<10112x128xf32, #tpu.memory_space<hbm>> -> memref<632x128xf32, #tpu.memory_space<hbm>>
      tpu.enqueue_dma source(%dma_start3A_65 : memref<632x128xf32, #tpu.memory_space<hbm>>) target(%dma_start3A_63 : memref<632x128xf32, #tpu.memory_space<vmem_shared>>) target_semaphore(%run_scoped3A : memref<!tpu.dma_semaphore, #tpu.memory_space<semaphore_mem>>)
      %dma_wait3A_66 = arith.constant 0 : i32
      %dma_wait3A_67 = tpu.memref_slice %arg6[%mul3A_6, %dma_wait3A_66] : memref<10112x128xf32, #tpu.memory_space<vmem_shared>> -> memref<632x128xf32, #tpu.memory_space<vmem_shared>>
      %dma_wait3A_68 = arith.constant 0 : i32
      %dma_wait3A_69 = tpu.memref_slice %arg4[%mul3A_4, %dma_wait3A_68] : memref<10112x128xf32, #tpu.memory_space<hbm>> -> memref<632x128xf32, #tpu.memory_space<hbm>>
      tpu.wait_dma2 semaphore(%run_scoped3A : memref<!tpu.dma_semaphore, #tpu.memory_space<semaphore_mem>>) src(%dma_wait3A_69 : memref<632x128xf32, #tpu.memory_space<hbm>>) dst(%dma_wait3A_67 : memref<632x128xf32, #tpu.memory_space<vmem_shared>>)
      tpu.yield
    }) : () -> ()
    %barrier3A = arith.constant 0 : index
    tpu.barrier barrier_id(%barrier3A)
    %add3A_7 = arith.constant 0 : i32
    %add3A_8 = arith.addi %mul3A_2, %add3A_7 : i32
    %dma_start3A = tpu.memref_slice %arg3[%add3A_8] : memref<668160xi32, #tpu.memory_space<hbm>> -> memref<120xi32, #tpu.memory_space<hbm>>
    %dma_start3A_9 = tpu.memref_slice %arg3[%add3A_8] : memref<668160xi32, #tpu.memory_space<hbm>> -> memref<120xi32, #tpu.memory_space<hbm>>
    tpu.enqueue_dma source(%dma_start3A_9 : memref<120xi32, #tpu.memory_space<hbm>>) target(%arg7 : memref<120xi32, #tpu.memory_space<vmem>>) target_semaphore(%arg16 : memref<!tpu.dma_semaphore, #tpu.memory_space<semaphore_mem>>)
    %add3A_10 = arith.constant 120 : i32
    %add3A_11 = arith.addi %mul3A_2, %add3A_10 : i32
    %dma_start3A_12 = tpu.memref_slice %arg3[%add3A_11] : memref<668160xi32, #tpu.memory_space<hbm>> -> memref<120xi32, #tpu.memory_space<hbm>>
    %dma_start3A_13 = tpu.memref_slice %arg3[%add3A_11] : memref<668160xi32, #tpu.memory_space<hbm>> -> memref<120xi32, #tpu.memory_space<hbm>>
    tpu.enqueue_dma source(%dma_start3A_13 : memref<120xi32, #tpu.memory_space<hbm>>) target(%arg8 : memref<120xi32, #tpu.memory_space<vmem>>) target_semaphore(%arg17 : memref<!tpu.dma_semaphore, #tpu.memory_space<semaphore_mem>>)
    %add3A_14 = arith.constant 240 : i32
    %add3A_15 = arith.addi %mul3A_2, %add3A_14 : i32
    %dma_start3A_16 = tpu.memref_slice %arg3[%add3A_15] : memref<668160xi32, #tpu.memory_space<hbm>> -> memref<120xi32, #tpu.memory_space<hbm>>
    %dma_start3A_17 = tpu.memref_slice %arg3[%add3A_15] : memref<668160xi32, #tpu.memory_space<hbm>> -> memref<120xi32, #tpu.memory_space<hbm>>
    tpu.enqueue_dma source(%dma_start3A_17 : memref<120xi32, #tpu.memory_space<hbm>>) target(%arg9 : memref<120xi32, #tpu.memory_space<vmem>>) target_semaphore(%arg18 : memref<!tpu.dma_semaphore, #tpu.memory_space<semaphore_mem>>)
    %add3A_18 = arith.constant 334080 : i32
    %add3A_19 = arith.addi %add3A_18, %mul3A_2 : i32
    %add3A_20 = arith.constant 0 : i32
    %add3A_21 = arith.addi %add3A_19, %add3A_20 : i32
    %dma_start3A_22 = tpu.memref_slice %arg3[%add3A_21] : memref<668160xi32, #tpu.memory_space<hbm>> -> memref<120xi32, #tpu.memory_space<hbm>>
    %dma_start3A_23 = tpu.memref_slice %arg3[%add3A_21] : memref<668160xi32, #tpu.memory_space<hbm>> -> memref<120xi32, #tpu.memory_space<hbm>>
    tpu.enqueue_dma source(%dma_start3A_23 : memref<120xi32, #tpu.memory_space<hbm>>) target(%arg10 : memref<120xi32, #tpu.memory_space<vmem>>) target_semaphore(%arg19 : memref<!tpu.dma_semaphore, #tpu.memory_space<semaphore_mem>>)
    %add3A_24 = arith.constant 334080 : i32
    %add3A_25 = arith.addi %add3A_24, %mul3A_2 : i32
    %add3A_26 = arith.constant 120 : i32
    %add3A_27 = arith.addi %add3A_25, %add3A_26 : i32
    %dma_start3A_28 = tpu.memref_slice %arg3[%add3A_27] : memref<668160xi32, #tpu.memory_space<hbm>> -> memref<120xi32, #tpu.memory_space<hbm>>
    %dma_start3A_29 = tpu.memref_slice %arg3[%add3A_27] : memref<668160xi32, #tpu.memory_space<hbm>> -> memref<120xi32, #tpu.memory_space<hbm>>
    tpu.enqueue_dma source(%dma_start3A_29 : memref<120xi32, #tpu.memory_space<hbm>>) target(%arg11 : memref<120xi32, #tpu.memory_space<vmem>>) target_semaphore(%arg20 : memref<!tpu.dma_semaphore, #tpu.memory_space<semaphore_mem>>)
    %dma_wait3A = arith.constant 0 : i32
    %dma_wait3A_30 = tpu.memref_slice %arg3[%dma_wait3A] : memref<668160xi32, #tpu.memory_space<hbm>> -> memref<120xi32, #tpu.memory_space<hbm>>
    %dma_wait3A_31 = arith.constant 0 : i32
    %dma_wait3A_32 = tpu.memref_slice %arg3[%dma_wait3A_31] : memref<668160xi32, #tpu.memory_space<hbm>> -> memref<120xi32, #tpu.memory_space<hbm>>
    tpu.wait_dma2 semaphore(%arg16 : memref<!tpu.dma_semaphore, #tpu.memory_space<semaphore_mem>>) src(%dma_wait3A_32 : memref<120xi32, #tpu.memory_space<hbm>>) dst(%arg7 : memref<120xi32, #tpu.memory_space<vmem>>)
    %dma_start3A_33 = arith.constant 0 : i32
    %dma_start3A_34 = arith.constant 0 : i32
    %dma_start3A_35 = tpu.memref_slice %arg2[%dma_start3A_33, %dma_start3A_34] : memref<10016x128xf32, #tpu.memory_space<hbm>> -> memref<10016x128xf32, #tpu.memory_space<hbm>>
    tpu.enqueue_indirect_dma source(%dma_start3A_35 : memref<10016x128xf32, #tpu.memory_space<hbm>>) target(%arg13 : memref<120x128xf32, #tpu.memory_space<vmem>>) offsets(%arg7 : memref<120xi32, #tpu.memory_space<vmem>>) semaphore(%arg22 : memref<!tpu.dma_semaphore, #tpu.memory_space<semaphore_mem>>)
    %dma_wait3A_36 = arith.constant 0 : i32
    %dma_wait3A_37 = tpu.memref_slice %arg3[%dma_wait3A_36] : memref<668160xi32, #tpu.memory_space<hbm>> -> memref<120xi32, #tpu.memory_space<hbm>>
    %dma_wait3A_38 = arith.constant 0 : i32
    %dma_wait3A_39 = tpu.memref_slice %arg3[%dma_wait3A_38] : memref<668160xi32, #tpu.memory_space<hbm>> -> memref<120xi32, #tpu.memory_space<hbm>>
    tpu.wait_dma2 semaphore(%arg17 : memref<!tpu.dma_semaphore, #tpu.memory_space<semaphore_mem>>) src(%dma_wait3A_39 : memref<120xi32, #tpu.memory_space<hbm>>) dst(%arg8 : memref<120xi32, #tpu.memory_space<vmem>>)
    %dma_start3A_40 = arith.constant 0 : i32
    %dma_start3A_41 = arith.constant 0 : i32
    %dma_start3A_42 = tpu.memref_slice %arg2[%dma_start3A_40, %dma_start3A_41] : memref<10016x128xf32, #tpu.memory_space<hbm>> -> memref<10016x128xf32, #tpu.memory_space<hbm>>
    tpu.enqueue_indirect_dma source(%dma_start3A_42 : memref<10016x128xf32, #tpu.memory_space<hbm>>) target(%arg14 : memref<120x128xf32, #tpu.memory_space<vmem>>) offsets(%arg8 : memref<120xi32, #tpu.memory_space<vmem>>) semaphore(%arg23 : memref<!tpu.dma_semaphore, #tpu.memory_space<semaphore_mem>>)
    %scan3A = arith.constant 0 : i32
    %scan3A_43 = arith.constant 0 : i32
    %scan3A_44 = arith.constant 29 : i32
    %scan3A_45 = arith.addi %scan3A_43, %scan3A_44 : i32
    %scan3A_46 = arith.constant 1 : i32
    scf.for %scan3A_62 = %scan3A_43 to %scan3A_45 step %scan3A_46  : i32 {
      %mul3A_63 = arith.constant 3 : i32
      %mul3A_64 = arith.muli %mul3A_63, %scan3A_62 : i32
      %add3A_65 = arith.constant 0 : i32
      %add3A_66 = arith.addi %mul3A_64, %add3A_65 : i32
      %dma_wait3A_67 = arith.constant 0 : i32
      %dma_wait3A_68 = arith.constant 0 : i32
      %dma_wait3A_69 = tpu.memref_slice %arg2[%dma_wait3A_67, %dma_wait3A_68] : memref<10016x128xf32, #tpu.memory_space<hbm>> -> memref<120x128xf32, #tpu.memory_space<hbm>>
      %dma_wait3A_70 = arith.constant 0 : i32
      %dma_wait3A_71 = arith.constant 0 : i32
      %dma_wait3A_72 = tpu.memref_slice %arg2[%dma_wait3A_70, %dma_wait3A_71] : memref<10016x128xf32, #tpu.memory_space<hbm>> -> memref<120x128xf32, #tpu.memory_space<hbm>>
      tpu.wait_dma2 semaphore(%arg22 : memref<!tpu.dma_semaphore, #tpu.memory_space<semaphore_mem>>) src(%dma_wait3A_72 : memref<120x128xf32, #tpu.memory_space<hbm>>) dst(%arg13 : memref<120x128xf32, #tpu.memory_space<vmem>>)
      %add3A_73 = arith.constant 3 : i32
      %add3A_74 = arith.addi %add3A_66, %add3A_73 : i32
      %lt3A = arith.constant 87 : i32
      %lt3A_75 = arith.cmpi slt, %add3A_74, %lt3A : i32
      %convert_element_type3A = arith.extui %lt3A_75 : i1 to i32
      %cond3A = arith.constant 0 : i32
      %cond3A_76 = arith.cmpi ne, %convert_element_type3A, %cond3A : i32
      scf.if %cond3A_76 {
        %add3A_167 = arith.constant 3 : i32
        %add3A_168 = arith.addi %add3A_66, %add3A_167 : i32
        %mul3A_169 = arith.constant 120 : i32
        %mul3A_170 = arith.muli %add3A_168, %mul3A_169 : i32
        %add3A_171 = arith.addi %mul3A_2, %mul3A_170 : i32
        %dma_start3A_172 = tpu.memref_slice %arg3[%add3A_171] : memref<668160xi32, #tpu.memory_space<hbm>> -> memref<120xi32, #tpu.memory_space<hbm>>
        %dma_start3A_173 = tpu.memref_slice %arg3[%add3A_171] : memref<668160xi32, #tpu.memory_space<hbm>> -> memref<120xi32, #tpu.memory_space<hbm>>
        tpu.enqueue_dma source(%dma_start3A_173 : memref<120xi32, #tpu.memory_space<hbm>>) target(%arg7 : memref<120xi32, #tpu.memory_space<vmem>>) target_semaphore(%arg16 : memref<!tpu.dma_semaphore, #tpu.memory_space<semaphore_mem>>)
      } else {
      }
      %dma_wait3A_77 = arith.constant 0 : i32
      %dma_wait3A_78 = tpu.memref_slice %arg3[%dma_wait3A_77] : memref<668160xi32, #tpu.memory_space<hbm>> -> memref<120xi32, #tpu.memory_space<hbm>>
      %dma_wait3A_79 = arith.constant 0 : i32
      %dma_wait3A_80 = tpu.memref_slice %arg3[%dma_wait3A_79] : memref<668160xi32, #tpu.memory_space<hbm>> -> memref<120xi32, #tpu.memory_space<hbm>>
      tpu.wait_dma2 semaphore(%arg19 : memref<!tpu.dma_semaphore, #tpu.memory_space<semaphore_mem>>) src(%dma_wait3A_80 : memref<120xi32, #tpu.memory_space<hbm>>) dst(%arg10 : memref<120xi32, #tpu.memory_space<vmem>>)
      %dma_start3A_81 = arith.constant 0 : i32
      %dma_start3A_82 = arith.constant 0 : i32
      %dma_start3A_83 = tpu.memref_slice %arg6[%dma_start3A_81, %dma_start3A_82] : memref<10112x128xf32, #tpu.memory_space<vmem_shared>> -> memref<10112x128xf32, #tpu.memory_space<vmem_shared>>
      tpu.enqueue_indirect_dma source(%arg13 : memref<120x128xf32, #tpu.memory_space<vmem>>) target(%dma_start3A_83 : memref<10112x128xf32, #tpu.memory_space<vmem_shared>>) offsets(%arg10 : memref<120xi32, #tpu.memory_space<vmem>>) semaphore(%arg25 : memref<!tpu.dma_semaphore, #tpu.memory_space<semaphore_mem>>) {add = true}
      %gt3A = arith.constant 0 : i32
      %gt3A_84 = arith.cmpi sgt, %add3A_66, %gt3A : i32
      %convert_element_type3A_85 = arith.extui %gt3A_84 : i1 to i32
      %cond3A_86 = arith.constant 0 : i32
      %cond3A_87 = arith.cmpi ne, %convert_element_type3A_85, %cond3A_86 : i32
      scf.if %cond3A_87 {
        %dma_wait3A_167 = arith.constant 0 : i32
        %dma_wait3A_168 = arith.constant 0 : i32
        %dma_wait3A_169 = tpu.memref_slice %arg2[%dma_wait3A_167, %dma_wait3A_168] : memref<10016x128xf32, #tpu.memory_space<hbm>> -> memref<120x128xf32, #tpu.memory_space<hbm>>
        %dma_wait3A_170 = arith.constant 0 : i32
        %dma_wait3A_171 = arith.constant 0 : i32
        %dma_wait3A_172 = tpu.memref_slice %arg2[%dma_wait3A_170, %dma_wait3A_171] : memref<10016x128xf32, #tpu.memory_space<hbm>> -> memref<120x128xf32, #tpu.memory_space<hbm>>
        tpu.wait_dma2 semaphore(%arg27 : memref<!tpu.dma_semaphore, #tpu.memory_space<semaphore_mem>>) src(%dma_wait3A_172 : memref<120x128xf32, #tpu.memory_space<hbm>>) dst(%arg15 : memref<120x128xf32, #tpu.memory_space<vmem>>)
      } else {
      }
      %add3A_88 = arith.constant 2 : i32
      %add3A_89 = arith.addi %add3A_66, %add3A_88 : i32
      %lt3A_90 = arith.constant 87 : i32
      %lt3A_91 = arith.cmpi slt, %add3A_89, %lt3A_90 : i32
      %convert_element_type3A_92 = arith.extui %lt3A_91 : i1 to i32
      %cond3A_93 = arith.constant 0 : i32
      %cond3A_94 = arith.cmpi ne, %convert_element_type3A_92, %cond3A_93 : i32
      scf.if %cond3A_94 {
        %add3A_167 = arith.constant 2 : i32
        %add3A_168 = arith.addi %add3A_66, %add3A_167 : i32
        %add3A_169 = arith.constant 334080 : i32
        %add3A_170 = arith.addi %add3A_169, %mul3A_2 : i32
        %mul3A_171 = arith.constant 120 : i32
        %mul3A_172 = arith.muli %add3A_168, %mul3A_171 : i32
        %add3A_173 = arith.addi %add3A_170, %mul3A_172 : i32
        %dma_start3A_174 = tpu.memref_slice %arg3[%add3A_173] : memref<668160xi32, #tpu.memory_space<hbm>> -> memref<120xi32, #tpu.memory_space<hbm>>
        %dma_start3A_175 = tpu.memref_slice %arg3[%add3A_173] : memref<668160xi32, #tpu.memory_space<hbm>> -> memref<120xi32, #tpu.memory_space<hbm>>
        tpu.enqueue_dma source(%dma_start3A_175 : memref<120xi32, #tpu.memory_space<hbm>>) target(%arg12 : memref<120xi32, #tpu.memory_space<vmem>>) target_semaphore(%arg21 : memref<!tpu.dma_semaphore, #tpu.memory_space<semaphore_mem>>)
        %dma_wait3A_176 = arith.constant 0 : i32
        %dma_wait3A_177 = tpu.memref_slice %arg3[%dma_wait3A_176] : memref<668160xi32, #tpu.memory_space<hbm>> -> memref<120xi32, #tpu.memory_space<hbm>>
        %dma_wait3A_178 = arith.constant 0 : i32
        %dma_wait3A_179 = tpu.memref_slice %arg3[%dma_wait3A_178] : memref<668160xi32, #tpu.memory_space<hbm>> -> memref<120xi32, #tpu.memory_space<hbm>>
        tpu.wait_dma2 semaphore(%arg18 : memref<!tpu.dma_semaphore, #tpu.memory_space<semaphore_mem>>) src(%dma_wait3A_179 : memref<120xi32, #tpu.memory_space<hbm>>) dst(%arg9 : memref<120xi32, #tpu.memory_space<vmem>>)
        %dma_start3A_180 = arith.constant 0 : i32
        %dma_start3A_181 = arith.constant 0 : i32
        %dma_start3A_182 = tpu.memref_slice %arg2[%dma_start3A_180, %dma_start3A_181] : memref<10016x128xf32, #tpu.memory_space<hbm>> -> memref<10016x128xf32, #tpu.memory_space<hbm>>
        tpu.enqueue_indirect_dma source(%dma_start3A_182 : memref<10016x128xf32, #tpu.memory_space<hbm>>) target(%arg15 : memref<120x128xf32, #tpu.memory_space<vmem>>) offsets(%arg9 : memref<120xi32, #tpu.memory_space<vmem>>) semaphore(%arg24 : memref<!tpu.dma_semaphore, #tpu.memory_space<semaphore_mem>>)
      } else {
      }
      %mul3A_95 = arith.constant 3 : i32
      %mul3A_96 = arith.muli %mul3A_95, %scan3A_62 : i32
      %add3A_97 = arith.constant 1 : i32
      %add3A_98 = arith.addi %mul3A_96, %add3A_97 : i32
      %dma_wait3A_99 = arith.constant 0 : i32
      %dma_wait3A_100 = arith.constant 0 : i32
      %dma_wait3A_101 = tpu.memref_slice %arg2[%dma_wait3A_99, %dma_wait3A_100] : memref<10016x128xf32, #tpu.memory_space<hbm>> -> memref<120x128xf32, #tpu.memory_space<hbm>>
      %dma_wait3A_102 = arith.constant 0 : i32
      %dma_wait3A_103 = arith.constant 0 : i32
      %dma_wait3A_104 = tpu.memref_slice %arg2[%dma_wait3A_102, %dma_wait3A_103] : memref<10016x128xf32, #tpu.memory_space<hbm>> -> memref<120x128xf32, #tpu.memory_space<hbm>>
      tpu.wait_dma2 semaphore(%arg23 : memref<!tpu.dma_semaphore, #tpu.memory_space<semaphore_mem>>) src(%dma_wait3A_104 : memref<120x128xf32, #tpu.memory_space<hbm>>) dst(%arg14 : memref<120x128xf32, #tpu.memory_space<vmem>>)
      %add3A_105 = arith.constant 3 : i32
      %add3A_106 = arith.addi %add3A_98, %add3A_105 : i32
      %lt3A_107 = arith.constant 87 : i32
      %lt3A_108 = arith.cmpi slt, %add3A_106, %lt3A_107 : i32
      %convert_element_type3A_109 = arith.extui %lt3A_108 : i1 to i32
      %cond3A_110 = arith.constant 0 : i32
      %cond3A_111 = arith.cmpi ne, %convert_element_type3A_109, %cond3A_110 : i32
      scf.if %cond3A_111 {
        %add3A_167 = arith.constant 3 : i32
        %add3A_168 = arith.addi %add3A_98, %add3A_167 : i32
        %mul3A_169 = arith.constant 120 : i32
        %mul3A_170 = arith.muli %add3A_168, %mul3A_169 : i32
        %add3A_171 = arith.addi %mul3A_2, %mul3A_170 : i32
        %dma_start3A_172 = tpu.memref_slice %arg3[%add3A_171] : memref<668160xi32, #tpu.memory_space<hbm>> -> memref<120xi32, #tpu.memory_space<hbm>>
        %dma_start3A_173 = tpu.memref_slice %arg3[%add3A_171] : memref<668160xi32, #tpu.memory_space<hbm>> -> memref<120xi32, #tpu.memory_space<hbm>>
        tpu.enqueue_dma source(%dma_start3A_173 : memref<120xi32, #tpu.memory_space<hbm>>) target(%arg8 : memref<120xi32, #tpu.memory_space<vmem>>) target_semaphore(%arg17 : memref<!tpu.dma_semaphore, #tpu.memory_space<semaphore_mem>>)
      } else {
      }
      %dma_wait3A_112 = arith.constant 0 : i32
      %dma_wait3A_113 = tpu.memref_slice %arg3[%dma_wait3A_112] : memref<668160xi32, #tpu.memory_space<hbm>> -> memref<120xi32, #tpu.memory_space<hbm>>
      %dma_wait3A_114 = arith.constant 0 : i32
      %dma_wait3A_115 = tpu.memref_slice %arg3[%dma_wait3A_114] : memref<668160xi32, #tpu.memory_space<hbm>> -> memref<120xi32, #tpu.memory_space<hbm>>
      tpu.wait_dma2 semaphore(%arg20 : memref<!tpu.dma_semaphore, #tpu.memory_space<semaphore_mem>>) src(%dma_wait3A_115 : memref<120xi32, #tpu.memory_space<hbm>>) dst(%arg11 : memref<120xi32, #tpu.memory_space<vmem>>)
      %dma_start3A_116 = arith.constant 0 : i32
      %dma_start3A_117 = arith.constant 0 : i32
      %dma_start3A_118 = tpu.memref_slice %arg6[%dma_start3A_116, %dma_start3A_117] : memref<10112x128xf32, #tpu.memory_space<vmem_shared>> -> memref<10112x128xf32, #tpu.memory_space<vmem_shared>>
      tpu.enqueue_indirect_dma source(%arg14 : memref<120x128xf32, #tpu.memory_space<vmem>>) target(%dma_start3A_118 : memref<10112x128xf32, #tpu.memory_space<vmem_shared>>) offsets(%arg11 : memref<120xi32, #tpu.memory_space<vmem>>) semaphore(%arg26 : memref<!tpu.dma_semaphore, #tpu.memory_space<semaphore_mem>>) {add = true}
      %gt3A_119 = arith.constant 0 : i32
      %gt3A_120 = arith.cmpi sgt, %add3A_98, %gt3A_119 : i32
      %convert_element_type3A_121 = arith.extui %gt3A_120 : i1 to i32
      %cond3A_122 = arith.constant 0 : i32
      %cond3A_123 = arith.cmpi ne, %convert_element_type3A_121, %cond3A_122 : i32
      scf.if %cond3A_123 {
        %dma_wait3A_167 = arith.constant 0 : i32
        %dma_wait3A_168 = arith.constant 0 : i32
        %dma_wait3A_169 = tpu.memref_slice %arg2[%dma_wait3A_167, %dma_wait3A_168] : memref<10016x128xf32, #tpu.memory_space<hbm>> -> memref<120x128xf32, #tpu.memory_space<hbm>>
        %dma_wait3A_170 = arith.constant 0 : i32
        %dma_wait3A_171 = arith.constant 0 : i32
        %dma_wait3A_172 = tpu.memref_slice %arg2[%dma_wait3A_170, %dma_wait3A_171] : memref<10016x128xf32, #tpu.memory_space<hbm>> -> memref<120x128xf32, #tpu.memory_space<hbm>>
        tpu.wait_dma2 semaphore(%arg25 : memref<!tpu.dma_semaphore, #tpu.memory_space<semaphore_mem>>) src(%dma_wait3A_172 : memref<120x128xf32, #tpu.memory_space<hbm>>) dst(%arg13 : memref<120x128xf32, #tpu.memory_space<vmem>>)
      } else {
      }
      %add3A_124 = arith.constant 2 : i32
      %add3A_125 = arith.addi %add3A_98, %add3A_124 : i32
      %lt3A_126 = arith.constant 87 : i32
      %lt3A_127 = arith.cmpi slt, %add3A_125, %lt3A_126 : i32
      %convert_element_type3A_128 = arith.extui %lt3A_127 : i1 to i32
      %cond3A_129 = arith.constant 0 : i32
      %cond3A_130 = arith.cmpi ne, %convert_element_type3A_128, %cond3A_129 : i32
      scf.if %cond3A_130 {
        %add3A_167 = arith.constant 2 : i32
        %add3A_168 = arith.addi %add3A_98, %add3A_167 : i32
        %add3A_169 = arith.constant 334080 : i32
        %add3A_170 = arith.addi %add3A_169, %mul3A_2 : i32
        %mul3A_171 = arith.constant 120 : i32
        %mul3A_172 = arith.muli %add3A_168, %mul3A_171 : i32
        %add3A_173 = arith.addi %add3A_170, %mul3A_172 : i32
        %dma_start3A_174 = tpu.memref_slice %arg3[%add3A_173] : memref<668160xi32, #tpu.memory_space<hbm>> -> memref<120xi32, #tpu.memory_space<hbm>>
        %dma_start3A_175 = tpu.memref_slice %arg3[%add3A_173] : memref<668160xi32, #tpu.memory_space<hbm>> -> memref<120xi32, #tpu.memory_space<hbm>>
        tpu.enqueue_dma source(%dma_start3A_175 : memref<120xi32, #tpu.memory_space<hbm>>) target(%arg10 : memref<120xi32, #tpu.memory_space<vmem>>) target_semaphore(%arg19 : memref<!tpu.dma_semaphore, #tpu.memory_space<semaphore_mem>>)
        %dma_wait3A_176 = arith.constant 0 : i32
        %dma_wait3A_177 = tpu.memref_slice %arg3[%dma_wait3A_176] : memref<668160xi32, #tpu.memory_space<hbm>> -> memref<120xi32, #tpu.memory_space<hbm>>
        %dma_wait3A_178 = arith.constant 0 : i32
        %dma_wait3A_179 = tpu.memref_slice %arg3[%dma_wait3A_178] : memref<668160xi32, #tpu.memory_space<hbm>> -> memref<120xi32, #tpu.memory_space<hbm>>
        tpu.wait_dma2 semaphore(%arg16 : memref<!tpu.dma_semaphore, #tpu.memory_space<semaphore_mem>>) src(%dma_wait3A_179 : memref<120xi32, #tpu.memory_space<hbm>>) dst(%arg7 : memref<120xi32, #tpu.memory_space<vmem>>)
        %dma_start3A_180 = arith.constant 0 : i32
        %dma_start3A_181 = arith.constant 0 : i32
        %dma_start3A_182 = tpu.memref_slice %arg2[%dma_start3A_180, %dma_start3A_181] : memref<10016x128xf32, #tpu.memory_space<hbm>> -> memref<10016x128xf32, #tpu.memory_space<hbm>>
        tpu.enqueue_indirect_dma source(%dma_start3A_182 : memref<10016x128xf32, #tpu.memory_space<hbm>>) target(%arg13 : memref<120x128xf32, #tpu.memory_space<vmem>>) offsets(%arg7 : memref<120xi32, #tpu.memory_space<vmem>>) semaphore(%arg22 : memref<!tpu.dma_semaphore, #tpu.memory_space<semaphore_mem>>)
      } else {
      }
      %mul3A_131 = arith.constant 3 : i32
      %mul3A_132 = arith.muli %mul3A_131, %scan3A_62 : i32
      %add3A_133 = arith.constant 2 : i32
      %add3A_134 = arith.addi %mul3A_132, %add3A_133 : i32
      %dma_wait3A_135 = arith.constant 0 : i32
      %dma_wait3A_136 = arith.constant 0 : i32
      %dma_wait3A_137 = tpu.memref_slice %arg2[%dma_wait3A_135, %dma_wait3A_136] : memref<10016x128xf32, #tpu.memory_space<hbm>> -> memref<120x128xf32, #tpu.memory_space<hbm>>
      %dma_wait3A_138 = arith.constant 0 : i32
      %dma_wait3A_139 = arith.constant 0 : i32
      %dma_wait3A_140 = tpu.memref_slice %arg2[%dma_wait3A_138, %dma_wait3A_139] : memref<10016x128xf32, #tpu.memory_space<hbm>> -> memref<120x128xf32, #tpu.memory_space<hbm>>
      tpu.wait_dma2 semaphore(%arg24 : memref<!tpu.dma_semaphore, #tpu.memory_space<semaphore_mem>>) src(%dma_wait3A_140 : memref<120x128xf32, #tpu.memory_space<hbm>>) dst(%arg15 : memref<120x128xf32, #tpu.memory_space<vmem>>)
      %add3A_141 = arith.constant 3 : i32
      %add3A_142 = arith.addi %add3A_134, %add3A_141 : i32
      %lt3A_143 = arith.constant 87 : i32
      %lt3A_144 = arith.cmpi slt, %add3A_142, %lt3A_143 : i32
      %convert_element_type3A_145 = arith.extui %lt3A_144 : i1 to i32
      %cond3A_146 = arith.constant 0 : i32
      %cond3A_147 = arith.cmpi ne, %convert_element_type3A_145, %cond3A_146 : i32
      scf.if %cond3A_147 {
        %add3A_167 = arith.constant 3 : i32
        %add3A_168 = arith.addi %add3A_134, %add3A_167 : i32
        %mul3A_169 = arith.constant 120 : i32
        %mul3A_170 = arith.muli %add3A_168, %mul3A_169 : i32
        %add3A_171 = arith.addi %mul3A_2, %mul3A_170 : i32
        %dma_start3A_172 = tpu.memref_slice %arg3[%add3A_171] : memref<668160xi32, #tpu.memory_space<hbm>> -> memref<120xi32, #tpu.memory_space<hbm>>
        %dma_start3A_173 = tpu.memref_slice %arg3[%add3A_171] : memref<668160xi32, #tpu.memory_space<hbm>> -> memref<120xi32, #tpu.memory_space<hbm>>
        tpu.enqueue_dma source(%dma_start3A_173 : memref<120xi32, #tpu.memory_space<hbm>>) target(%arg9 : memref<120xi32, #tpu.memory_space<vmem>>) target_semaphore(%arg18 : memref<!tpu.dma_semaphore, #tpu.memory_space<semaphore_mem>>)
      } else {
      }
      %dma_wait3A_148 = arith.constant 0 : i32
      %dma_wait3A_149 = tpu.memref_slice %arg3[%dma_wait3A_148] : memref<668160xi32, #tpu.memory_space<hbm>> -> memref<120xi32, #tpu.memory_space<hbm>>
      %dma_wait3A_150 = arith.constant 0 : i32
      %dma_wait3A_151 = tpu.memref_slice %arg3[%dma_wait3A_150] : memref<668160xi32, #tpu.memory_space<hbm>> -> memref<120xi32, #tpu.memory_space<hbm>>
      tpu.wait_dma2 semaphore(%arg21 : memref<!tpu.dma_semaphore, #tpu.memory_space<semaphore_mem>>) src(%dma_wait3A_151 : memref<120xi32, #tpu.memory_space<hbm>>) dst(%arg12 : memref<120xi32, #tpu.memory_space<vmem>>)
      %dma_start3A_152 = arith.constant 0 : i32
      %dma_start3A_153 = arith.constant 0 : i32
      %dma_start3A_154 = tpu.memref_slice %arg6[%dma_start3A_152, %dma_start3A_153] : memref<10112x128xf32, #tpu.memory_space<vmem_shared>> -> memref<10112x128xf32, #tpu.memory_space<vmem_shared>>
      tpu.enqueue_indirect_dma source(%arg15 : memref<120x128xf32, #tpu.memory_space<vmem>>) target(%dma_start3A_154 : memref<10112x128xf32, #tpu.memory_space<vmem_shared>>) offsets(%arg12 : memref<120xi32, #tpu.memory_space<vmem>>) semaphore(%arg27 : memref<!tpu.dma_semaphore, #tpu.memory_space<semaphore_mem>>) {add = true}
      %gt3A_155 = arith.constant 0 : i32
      %gt3A_156 = arith.cmpi sgt, %add3A_134, %gt3A_155 : i32
      %convert_element_type3A_157 = arith.extui %gt3A_156 : i1 to i32
      %cond3A_158 = arith.constant 0 : i32
      %cond3A_159 = arith.cmpi ne, %convert_element_type3A_157, %cond3A_158 : i32
      scf.if %cond3A_159 {
        %dma_wait3A_167 = arith.constant 0 : i32
        %dma_wait3A_168 = arith.constant 0 : i32
        %dma_wait3A_169 = tpu.memref_slice %arg2[%dma_wait3A_167, %dma_wait3A_168] : memref<10016x128xf32, #tpu.memory_space<hbm>> -> memref<120x128xf32, #tpu.memory_space<hbm>>
        %dma_wait3A_170 = arith.constant 0 : i32
        %dma_wait3A_171 = arith.constant 0 : i32
        %dma_wait3A_172 = tpu.memref_slice %arg2[%dma_wait3A_170, %dma_wait3A_171] : memref<10016x128xf32, #tpu.memory_space<hbm>> -> memref<120x128xf32, #tpu.memory_space<hbm>>
        tpu.wait_dma2 semaphore(%arg26 : memref<!tpu.dma_semaphore, #tpu.memory_space<semaphore_mem>>) src(%dma_wait3A_172 : memref<120x128xf32, #tpu.memory_space<hbm>>) dst(%arg14 : memref<120x128xf32, #tpu.memory_space<vmem>>)
      } else {
      }
      %add3A_160 = arith.constant 2 : i32
      %add3A_161 = arith.addi %add3A_134, %add3A_160 : i32
      %lt3A_162 = arith.constant 87 : i32
      %lt3A_163 = arith.cmpi slt, %add3A_161, %lt3A_162 : i32
      %convert_element_type3A_164 = arith.extui %lt3A_163 : i1 to i32
      %cond3A_165 = arith.constant 0 : i32
      %cond3A_166 = arith.cmpi ne, %convert_element_type3A_164, %cond3A_165 : i32
      scf.if %cond3A_166 {
        %add3A_167 = arith.constant 2 : i32
        %add3A_168 = arith.addi %add3A_134, %add3A_167 : i32
        %add3A_169 = arith.constant 334080 : i32
        %add3A_170 = arith.addi %add3A_169, %mul3A_2 : i32
        %mul3A_171 = arith.constant 120 : i32
        %mul3A_172 = arith.muli %add3A_168, %mul3A_171 : i32
        %add3A_173 = arith.addi %add3A_170, %mul3A_172 : i32
        %dma_start3A_174 = tpu.memref_slice %arg3[%add3A_173] : memref<668160xi32, #tpu.memory_space<hbm>> -> memref<120xi32, #tpu.memory_space<hbm>>
        %dma_start3A_175 = tpu.memref_slice %arg3[%add3A_173] : memref<668160xi32, #tpu.memory_space<hbm>> -> memref<120xi32, #tpu.memory_space<hbm>>
        tpu.enqueue_dma source(%dma_start3A_175 : memref<120xi32, #tpu.memory_space<hbm>>) target(%arg11 : memref<120xi32, #tpu.memory_space<vmem>>) target_semaphore(%arg20 : memref<!tpu.dma_semaphore, #tpu.memory_space<semaphore_mem>>)
        %dma_wait3A_176 = arith.constant 0 : i32
        %dma_wait3A_177 = tpu.memref_slice %arg3[%dma_wait3A_176] : memref<668160xi32, #tpu.memory_space<hbm>> -> memref<120xi32, #tpu.memory_space<hbm>>
        %dma_wait3A_178 = arith.constant 0 : i32
        %dma_wait3A_179 = tpu.memref_slice %arg3[%dma_wait3A_178] : memref<668160xi32, #tpu.memory_space<hbm>> -> memref<120xi32, #tpu.memory_space<hbm>>
        tpu.wait_dma2 semaphore(%arg17 : memref<!tpu.dma_semaphore, #tpu.memory_space<semaphore_mem>>) src(%dma_wait3A_179 : memref<120xi32, #tpu.memory_space<hbm>>) dst(%arg8 : memref<120xi32, #tpu.memory_space<vmem>>)
        %dma_start3A_180 = arith.constant 0 : i32
        %dma_start3A_181 = arith.constant 0 : i32
        %dma_start3A_182 = tpu.memref_slice %arg2[%dma_start3A_180, %dma_start3A_181] : memref<10016x128xf32, #tpu.memory_space<hbm>> -> memref<10016x128xf32, #tpu.memory_space<hbm>>
        tpu.enqueue_indirect_dma source(%dma_start3A_182 : memref<10016x128xf32, #tpu.memory_space<hbm>>) target(%arg14 : memref<120x128xf32, #tpu.memory_space<vmem>>) offsets(%arg8 : memref<120xi32, #tpu.memory_space<vmem>>) semaphore(%arg23 : memref<!tpu.dma_semaphore, #tpu.memory_space<semaphore_mem>>)
      } else {
      }
    }
    %scan3A_47 = arith.constant 29 : i32
    %dma_wait3A_48 = arith.constant 0 : i32
    %dma_wait3A_49 = arith.constant 0 : i32
    %dma_wait3A_50 = tpu.memref_slice %arg2[%dma_wait3A_48, %dma_wait3A_49] : memref<10016x128xf32, #tpu.memory_space<hbm>> -> memref<120x128xf32, #tpu.memory_space<hbm>>
    %dma_wait3A_51 = arith.constant 0 : i32
    %dma_wait3A_52 = arith.constant 0 : i32
    %dma_wait3A_53 = tpu.memref_slice %arg2[%dma_wait3A_51, %dma_wait3A_52] : memref<10016x128xf32, #tpu.memory_space<hbm>> -> memref<120x128xf32, #tpu.memory_space<hbm>>
    tpu.wait_dma2 semaphore(%arg27 : memref<!tpu.dma_semaphore, #tpu.memory_space<semaphore_mem>>) src(%dma_wait3A_53 : memref<120x128xf32, #tpu.memory_space<hbm>>) dst(%arg15 : memref<120x128xf32, #tpu.memory_space<vmem>>)
    %barrier3A_54 = arith.constant 0 : index
    tpu.barrier barrier_id(%barrier3A_54)
    %mul3A_55 = arith.constant 632 : i32
    %mul3A_56 = arith.muli %arg1, %mul3A_55 : i32
    %mul3A_57 = arith.constant 10112 : i32
    %mul3A_58 = arith.muli %arg0, %mul3A_57 : i32
    %mul3A_59 = arith.constant 632 : i32
    %mul3A_60 = arith.muli %arg1, %mul3A_59 : i32
    %add3A_61 = arith.addi %mul3A_58, %mul3A_60 : i32
    "tpu.region"() ({
      %run_scoped3A = tpu.sem_alloc : memref<!tpu.dma_semaphore, #tpu.memory_space<semaphore_mem>>
      %dma_start3A_62 = arith.constant 0 : i32
      %dma_start3A_63 = tpu.memref_slice %arg5[%add3A_61, %dma_start3A_62] : memref<20224x128xf32, #tpu.memory_space<hbm>> -> memref<632x128xf32, #tpu.memory_space<hbm>>
      %dma_start3A_64 = arith.constant 0 : i32
      %dma_start3A_65 = tpu.memref_slice %arg6[%mul3A_56, %dma_start3A_64] : memref<10112x128xf32, #tpu.memory_space<vmem_shared>> -> memref<632x128xf32, #tpu.memory_space<vmem_shared>>
      tpu.enqueue_dma source(%dma_start3A_65 : memref<632x128xf32, #tpu.memory_space<vmem_shared>>) target(%dma_start3A_63 : memref<632x128xf32, #tpu.memory_space<hbm>>) target_semaphore(%run_scoped3A : memref<!tpu.dma_semaphore, #tpu.memory_space<semaphore_mem>>)
      %dma_wait3A_66 = arith.constant 0 : i32
      %dma_wait3A_67 = tpu.memref_slice %arg5[%add3A_61, %dma_wait3A_66] : memref<20224x128xf32, #tpu.memory_space<hbm>> -> memref<632x128xf32, #tpu.memory_space<hbm>>
      %dma_wait3A_68 = arith.constant 0 : i32
      %dma_wait3A_69 = tpu.memref_slice %arg6[%mul3A_56, %dma_wait3A_68] : memref<10112x128xf32, #tpu.memory_space<vmem_shared>> -> memref<632x128xf32, #tpu.memory_space<vmem_shared>>
      tpu.wait_dma2 semaphore(%run_scoped3A : memref<!tpu.dma_semaphore, #tpu.memory_space<semaphore_mem>>) src(%dma_wait3A_69 : memref<632x128xf32, #tpu.memory_space<vmem_shared>>) dst(%dma_wait3A_67 : memref<632x128xf32, #tpu.memory_space<hbm>>)
      tpu.yield
    }) : () -> ()
    return
  }
}

#map = affine_map<(d0, d1) -> (0, 0)>
#map1 = affine_map<(d0, d1) -> (0)>
module attributes {stable_mosaic.version = 14 : i64} {
  func.func @_edge_sc(%arg0: i32, %arg1: i32, %arg2: memref<10016x128xf32, #tpu.memory_space<hbm>>, %arg3: memref<668160xi32, #tpu.memory_space<hbm>>, %arg4: memref<10112x128xf32, #tpu.memory_space<hbm>>, %arg5: memref<20224x128xf32, #tpu.memory_space<hbm>>, %arg6: memref<10112x128xf32, #tpu.memory_space<vmem_shared>>, %arg7: memref<120xi32, #tpu.memory_space<vmem>>, %arg8: memref<120xi32, #tpu.memory_space<vmem>>, %arg9: memref<120xi32, #tpu.memory_space<vmem>>, %arg10: memref<120xi32, #tpu.memory_space<vmem>>, %arg11: memref<120xi32, #tpu.memory_space<vmem>>, %arg12: memref<120xi32, #tpu.memory_space<vmem>>, %arg13: memref<120x128xf32, #tpu.memory_space<vmem>>, %arg14: memref<120x128xf32, #tpu.memory_space<vmem>>, %arg15: memref<120x128xf32, #tpu.memory_space<vmem>>, %arg16: memref<!tpu.dma_semaphore, #tpu.memory_space<semaphore_mem>>, %arg17: memref<!tpu.dma_semaphore, #tpu.memory_space<semaphore_mem>>, %arg18: memref<!tpu.dma_semaphore, #tpu.memory_space<semaphore_mem>>, %arg19: memref<!tpu.dma_semaphore, #tpu.memory_space<semaphore_mem>>, %arg20: memref<!tpu.dma_semaphore, #tpu.memory_space<semaphore_mem>>, %arg21: memref<!tpu.dma_semaphore, #tpu.memory_space<semaphore_mem>>, %arg22: memref<!tpu.dma_semaphore, #tpu.memory_space<semaphore_mem>>, %arg23: memref<!tpu.dma_semaphore, #tpu.memory_space<semaphore_mem>>, %arg24: memref<!tpu.dma_semaphore, #tpu.memory_space<semaphore_mem>>, %arg25: memref<!tpu.dma_semaphore, #tpu.memory_space<semaphore_mem>>, %arg26: memref<!tpu.dma_semaphore, #tpu.memory_space<semaphore_mem>>, %arg27: memref<!tpu.dma_semaphore, #tpu.memory_space<semaphore_mem>>) attributes {dimension_semantics = [#tpu.dimension_semantics<core_parallel>, #tpu.dimension_semantics<subcore_parallel>], iteration_bounds = array<i64: 2, 16>, scalar_prefetch = 0 : i64, scratch_operands = 22 : i64, tpu.core_type = #tpu.core_type<sc_vector_subcore>, window_params = [{transform_indices = #map}, {transform_indices = #map1}, {transform_indices = #map}, {transform_indices = #map}]} {
    %mul3A = arith.constant 16 : i32
    %mul3A_0 = arith.muli %arg0, %mul3A : i32
    %add3A = arith.addi %mul3A_0, %arg1 : i32
    %mul3A_1 = arith.constant 10440 : i32
    %mul3A_2 = arith.muli %add3A, %mul3A_1 : i32
    %mul3A_3 = arith.constant 632 : i32
    %mul3A_4 = arith.muli %arg1, %mul3A_3 : i32
    %mul3A_5 = arith.constant 632 : i32
    %mul3A_6 = arith.muli %arg1, %mul3A_5 : i32
    "tpu.region"() ({
      %run_scoped3A = tpu.sem_alloc : memref<!tpu.dma_semaphore, #tpu.memory_space<semaphore_mem>>
      %dma_start3A_62 = arith.constant 0 : i32
      %dma_start3A_63 = tpu.memref_slice %arg6[%mul3A_6, %dma_start3A_62] : memref<10112x128xf32, #tpu.memory_space<vmem_shared>> -> memref<632x128xf32, #tpu.memory_space<vmem_shared>>
      %dma_start3A_64 = arith.constant 0 : i32
      %dma_start3A_65 = tpu.memref_slice %arg4[%mul3A_4, %dma_start3A_64] : memref<10112x128xf32, #tpu.memory_space<hbm>> -> memref<632x128xf32, #tpu.memory_space<hbm>>
      tpu.enqueue_dma source(%dma_start3A_65 : memref<632x128xf32, #tpu.memory_space<hbm>>) target(%dma_start3A_63 : memref<632x128xf32, #tpu.memory_space<vmem_shared>>) target_semaphore(%run_scoped3A : memref<!tpu.dma_semaphore, #tpu.memory_space<semaphore_mem>>)
      %dma_wait3A_66 = arith.constant 0 : i32
      %dma_wait3A_67 = tpu.memref_slice %arg6[%mul3A_6, %dma_wait3A_66] : memref<10112x128xf32, #tpu.memory_space<vmem_shared>> -> memref<632x128xf32, #tpu.memory_space<vmem_shared>>
      %dma_wait3A_68 = arith.constant 0 : i32
      %dma_wait3A_69 = tpu.memref_slice %arg4[%mul3A_4, %dma_wait3A_68] : memref<10112x128xf32, #tpu.memory_space<hbm>> -> memref<632x128xf32, #tpu.memory_space<hbm>>
      tpu.wait_dma2 semaphore(%run_scoped3A : memref<!tpu.dma_semaphore, #tpu.memory_space<semaphore_mem>>) src(%dma_wait3A_69 : memref<632x128xf32, #tpu.memory_space<hbm>>) dst(%dma_wait3A_67 : memref<632x128xf32, #tpu.memory_space<vmem_shared>>)
      tpu.yield
    }) : () -> ()
    %barrier3A = arith.constant 0 : index
    tpu.barrier barrier_id(%barrier3A)
    %add3A_7 = arith.constant 0 : i32
    %add3A_8 = arith.addi %mul3A_2, %add3A_7 : i32
    %dma_start3A = tpu.memref_slice %arg3[%add3A_8] : memref<668160xi32, #tpu.memory_space<hbm>> -> memref<120xi32, #tpu.memory_space<hbm>>
    %dma_start3A_9 = tpu.memref_slice %arg3[%add3A_8] : memref<668160xi32, #tpu.memory_space<hbm>> -> memref<120xi32, #tpu.memory_space<hbm>>
    tpu.enqueue_dma source(%dma_start3A_9 : memref<120xi32, #tpu.memory_space<hbm>>) target(%arg7 : memref<120xi32, #tpu.memory_space<vmem>>) target_semaphore(%arg16 : memref<!tpu.dma_semaphore, #tpu.memory_space<semaphore_mem>>)
    %add3A_10 = arith.constant 120 : i32
    %add3A_11 = arith.addi %mul3A_2, %add3A_10 : i32
    %dma_start3A_12 = tpu.memref_slice %arg3[%add3A_11] : memref<668160xi32, #tpu.memory_space<hbm>> -> memref<120xi32, #tpu.memory_space<hbm>>
    %dma_start3A_13 = tpu.memref_slice %arg3[%add3A_11] : memref<668160xi32, #tpu.memory_space<hbm>> -> memref<120xi32, #tpu.memory_space<hbm>>
    tpu.enqueue_dma source(%dma_start3A_13 : memref<120xi32, #tpu.memory_space<hbm>>) target(%arg8 : memref<120xi32, #tpu.memory_space<vmem>>) target_semaphore(%arg17 : memref<!tpu.dma_semaphore, #tpu.memory_space<semaphore_mem>>)
    %add3A_14 = arith.constant 240 : i32
    %add3A_15 = arith.addi %mul3A_2, %add3A_14 : i32
    %dma_start3A_16 = tpu.memref_slice %arg3[%add3A_15] : memref<668160xi32, #tpu.memory_space<hbm>> -> memref<120xi32, #tpu.memory_space<hbm>>
    %dma_start3A_17 = tpu.memref_slice %arg3[%add3A_15] : memref<668160xi32, #tpu.memory_space<hbm>> -> memref<120xi32, #tpu.memory_space<hbm>>
    tpu.enqueue_dma source(%dma_start3A_17 : memref<120xi32, #tpu.memory_space<hbm>>) target(%arg9 : memref<120xi32, #tpu.memory_space<vmem>>) target_semaphore(%arg18 : memref<!tpu.dma_semaphore, #tpu.memory_space<semaphore_mem>>)
    %add3A_18 = arith.constant 334080 : i32
    %add3A_19 = arith.addi %add3A_18, %mul3A_2 : i32
    %add3A_20 = arith.constant 0 : i32
    %add3A_21 = arith.addi %add3A_19, %add3A_20 : i32
    %dma_start3A_22 = tpu.memref_slice %arg3[%add3A_21] : memref<668160xi32, #tpu.memory_space<hbm>> -> memref<120xi32, #tpu.memory_space<hbm>>
    %dma_start3A_23 = tpu.memref_slice %arg3[%add3A_21] : memref<668160xi32, #tpu.memory_space<hbm>> -> memref<120xi32, #tpu.memory_space<hbm>>
    tpu.enqueue_dma source(%dma_start3A_23 : memref<120xi32, #tpu.memory_space<hbm>>) target(%arg10 : memref<120xi32, #tpu.memory_space<vmem>>) target_semaphore(%arg19 : memref<!tpu.dma_semaphore, #tpu.memory_space<semaphore_mem>>)
    %add3A_24 = arith.constant 334080 : i32
    %add3A_25 = arith.addi %add3A_24, %mul3A_2 : i32
    %add3A_26 = arith.constant 120 : i32
    %add3A_27 = arith.addi %add3A_25, %add3A_26 : i32
    %dma_start3A_28 = tpu.memref_slice %arg3[%add3A_27] : memref<668160xi32, #tpu.memory_space<hbm>> -> memref<120xi32, #tpu.memory_space<hbm>>
    %dma_start3A_29 = tpu.memref_slice %arg3[%add3A_27] : memref<668160xi32, #tpu.memory_space<hbm>> -> memref<120xi32, #tpu.memory_space<hbm>>
    tpu.enqueue_dma source(%dma_start3A_29 : memref<120xi32, #tpu.memory_space<hbm>>) target(%arg11 : memref<120xi32, #tpu.memory_space<vmem>>) target_semaphore(%arg20 : memref<!tpu.dma_semaphore, #tpu.memory_space<semaphore_mem>>)
    %dma_wait3A = arith.constant 0 : i32
    %dma_wait3A_30 = tpu.memref_slice %arg3[%dma_wait3A] : memref<668160xi32, #tpu.memory_space<hbm>> -> memref<120xi32, #tpu.memory_space<hbm>>
    %dma_wait3A_31 = arith.constant 0 : i32
    %dma_wait3A_32 = tpu.memref_slice %arg3[%dma_wait3A_31] : memref<668160xi32, #tpu.memory_space<hbm>> -> memref<120xi32, #tpu.memory_space<hbm>>
    tpu.wait_dma2 semaphore(%arg16 : memref<!tpu.dma_semaphore, #tpu.memory_space<semaphore_mem>>) src(%dma_wait3A_32 : memref<120xi32, #tpu.memory_space<hbm>>) dst(%arg7 : memref<120xi32, #tpu.memory_space<vmem>>)
    %dma_start3A_33 = arith.constant 0 : i32
    %dma_start3A_34 = arith.constant 0 : i32
    %dma_start3A_35 = tpu.memref_slice %arg2[%dma_start3A_33, %dma_start3A_34] : memref<10016x128xf32, #tpu.memory_space<hbm>> -> memref<10016x128xf32, #tpu.memory_space<hbm>>
    tpu.enqueue_indirect_dma source(%dma_start3A_35 : memref<10016x128xf32, #tpu.memory_space<hbm>>) target(%arg13 : memref<120x128xf32, #tpu.memory_space<vmem>>) offsets(%arg7 : memref<120xi32, #tpu.memory_space<vmem>>) semaphore(%arg22 : memref<!tpu.dma_semaphore, #tpu.memory_space<semaphore_mem>>)
    %dma_wait3A_36 = arith.constant 0 : i32
    %dma_wait3A_37 = tpu.memref_slice %arg3[%dma_wait3A_36] : memref<668160xi32, #tpu.memory_space<hbm>> -> memref<120xi32, #tpu.memory_space<hbm>>
    %dma_wait3A_38 = arith.constant 0 : i32
    %dma_wait3A_39 = tpu.memref_slice %arg3[%dma_wait3A_38] : memref<668160xi32, #tpu.memory_space<hbm>> -> memref<120xi32, #tpu.memory_space<hbm>>
    tpu.wait_dma2 semaphore(%arg17 : memref<!tpu.dma_semaphore, #tpu.memory_space<semaphore_mem>>) src(%dma_wait3A_39 : memref<120xi32, #tpu.memory_space<hbm>>) dst(%arg8 : memref<120xi32, #tpu.memory_space<vmem>>)
    %dma_start3A_40 = arith.constant 0 : i32
    %dma_start3A_41 = arith.constant 0 : i32
    %dma_start3A_42 = tpu.memref_slice %arg2[%dma_start3A_40, %dma_start3A_41] : memref<10016x128xf32, #tpu.memory_space<hbm>> -> memref<10016x128xf32, #tpu.memory_space<hbm>>
    tpu.enqueue_indirect_dma source(%dma_start3A_42 : memref<10016x128xf32, #tpu.memory_space<hbm>>) target(%arg14 : memref<120x128xf32, #tpu.memory_space<vmem>>) offsets(%arg8 : memref<120xi32, #tpu.memory_space<vmem>>) semaphore(%arg23 : memref<!tpu.dma_semaphore, #tpu.memory_space<semaphore_mem>>)
    %scan3A = arith.constant 0 : i32
    %scan3A_43 = arith.constant 0 : i32
    %scan3A_44 = arith.constant 29 : i32
    %scan3A_45 = arith.addi %scan3A_43, %scan3A_44 : i32
    %scan3A_46 = arith.constant 1 : i32
    scf.for %scan3A_62 = %scan3A_43 to %scan3A_45 step %scan3A_46  : i32 {
      %mul3A_63 = arith.constant 3 : i32
      %mul3A_64 = arith.muli %mul3A_63, %scan3A_62 : i32
      %add3A_65 = arith.constant 0 : i32
      %add3A_66 = arith.addi %mul3A_64, %add3A_65 : i32
      %dma_wait3A_67 = arith.constant 0 : i32
      %dma_wait3A_68 = arith.constant 0 : i32
      %dma_wait3A_69 = tpu.memref_slice %arg2[%dma_wait3A_67, %dma_wait3A_68] : memref<10016x128xf32, #tpu.memory_space<hbm>> -> memref<120x128xf32, #tpu.memory_space<hbm>>
      %dma_wait3A_70 = arith.constant 0 : i32
      %dma_wait3A_71 = arith.constant 0 : i32
      %dma_wait3A_72 = tpu.memref_slice %arg2[%dma_wait3A_70, %dma_wait3A_71] : memref<10016x128xf32, #tpu.memory_space<hbm>> -> memref<120x128xf32, #tpu.memory_space<hbm>>
      tpu.wait_dma2 semaphore(%arg22 : memref<!tpu.dma_semaphore, #tpu.memory_space<semaphore_mem>>) src(%dma_wait3A_72 : memref<120x128xf32, #tpu.memory_space<hbm>>) dst(%arg13 : memref<120x128xf32, #tpu.memory_space<vmem>>)
      %add3A_73 = arith.constant 3 : i32
      %add3A_74 = arith.addi %add3A_66, %add3A_73 : i32
      %lt3A = arith.constant 87 : i32
      %lt3A_75 = arith.cmpi slt, %add3A_74, %lt3A : i32
      %convert_element_type3A = arith.extui %lt3A_75 : i1 to i32
      %cond3A = arith.constant 0 : i32
      %cond3A_76 = arith.cmpi ne, %convert_element_type3A, %cond3A : i32
      scf.if %cond3A_76 {
        %add3A_167 = arith.constant 3 : i32
        %add3A_168 = arith.addi %add3A_66, %add3A_167 : i32
        %mul3A_169 = arith.constant 120 : i32
        %mul3A_170 = arith.muli %add3A_168, %mul3A_169 : i32
        %add3A_171 = arith.addi %mul3A_2, %mul3A_170 : i32
        %dma_start3A_172 = tpu.memref_slice %arg3[%add3A_171] : memref<668160xi32, #tpu.memory_space<hbm>> -> memref<120xi32, #tpu.memory_space<hbm>>
        %dma_start3A_173 = tpu.memref_slice %arg3[%add3A_171] : memref<668160xi32, #tpu.memory_space<hbm>> -> memref<120xi32, #tpu.memory_space<hbm>>
        tpu.enqueue_dma source(%dma_start3A_173 : memref<120xi32, #tpu.memory_space<hbm>>) target(%arg7 : memref<120xi32, #tpu.memory_space<vmem>>) target_semaphore(%arg16 : memref<!tpu.dma_semaphore, #tpu.memory_space<semaphore_mem>>)
      } else {
      }
      %dma_wait3A_77 = arith.constant 0 : i32
      %dma_wait3A_78 = tpu.memref_slice %arg3[%dma_wait3A_77] : memref<668160xi32, #tpu.memory_space<hbm>> -> memref<120xi32, #tpu.memory_space<hbm>>
      %dma_wait3A_79 = arith.constant 0 : i32
      %dma_wait3A_80 = tpu.memref_slice %arg3[%dma_wait3A_79] : memref<668160xi32, #tpu.memory_space<hbm>> -> memref<120xi32, #tpu.memory_space<hbm>>
      tpu.wait_dma2 semaphore(%arg19 : memref<!tpu.dma_semaphore, #tpu.memory_space<semaphore_mem>>) src(%dma_wait3A_80 : memref<120xi32, #tpu.memory_space<hbm>>) dst(%arg10 : memref<120xi32, #tpu.memory_space<vmem>>)
      %dma_start3A_81 = arith.constant 0 : i32
      %dma_start3A_82 = arith.constant 0 : i32
      %dma_start3A_83 = tpu.memref_slice %arg6[%dma_start3A_81, %dma_start3A_82] : memref<10112x128xf32, #tpu.memory_space<vmem_shared>> -> memref<10112x128xf32, #tpu.memory_space<vmem_shared>>
      tpu.enqueue_indirect_dma source(%arg13 : memref<120x128xf32, #tpu.memory_space<vmem>>) target(%dma_start3A_83 : memref<10112x128xf32, #tpu.memory_space<vmem_shared>>) offsets(%arg10 : memref<120xi32, #tpu.memory_space<vmem>>) semaphore(%arg25 : memref<!tpu.dma_semaphore, #tpu.memory_space<semaphore_mem>>) {add = true}
      %gt3A = arith.constant 0 : i32
      %gt3A_84 = arith.cmpi sgt, %add3A_66, %gt3A : i32
      %convert_element_type3A_85 = arith.extui %gt3A_84 : i1 to i32
      %cond3A_86 = arith.constant 0 : i32
      %cond3A_87 = arith.cmpi ne, %convert_element_type3A_85, %cond3A_86 : i32
      scf.if %cond3A_87 {
        %dma_wait3A_167 = arith.constant 0 : i32
        %dma_wait3A_168 = arith.constant 0 : i32
        %dma_wait3A_169 = tpu.memref_slice %arg2[%dma_wait3A_167, %dma_wait3A_168] : memref<10016x128xf32, #tpu.memory_space<hbm>> -> memref<120x128xf32, #tpu.memory_space<hbm>>
        %dma_wait3A_170 = arith.constant 0 : i32
        %dma_wait3A_171 = arith.constant 0 : i32
        %dma_wait3A_172 = tpu.memref_slice %arg2[%dma_wait3A_170, %dma_wait3A_171] : memref<10016x128xf32, #tpu.memory_space<hbm>> -> memref<120x128xf32, #tpu.memory_space<hbm>>
        tpu.wait_dma2 semaphore(%arg27 : memref<!tpu.dma_semaphore, #tpu.memory_space<semaphore_mem>>) src(%dma_wait3A_172 : memref<120x128xf32, #tpu.memory_space<hbm>>) dst(%arg15 : memref<120x128xf32, #tpu.memory_space<vmem>>)
      } else {
      }
      %add3A_88 = arith.constant 2 : i32
      %add3A_89 = arith.addi %add3A_66, %add3A_88 : i32
      %lt3A_90 = arith.constant 87 : i32
      %lt3A_91 = arith.cmpi slt, %add3A_89, %lt3A_90 : i32
      %convert_element_type3A_92 = arith.extui %lt3A_91 : i1 to i32
      %cond3A_93 = arith.constant 0 : i32
      %cond3A_94 = arith.cmpi ne, %convert_element_type3A_92, %cond3A_93 : i32
      scf.if %cond3A_94 {
        %add3A_167 = arith.constant 2 : i32
        %add3A_168 = arith.addi %add3A_66, %add3A_167 : i32
        %add3A_169 = arith.constant 334080 : i32
        %add3A_170 = arith.addi %add3A_169, %mul3A_2 : i32
        %mul3A_171 = arith.constant 120 : i32
        %mul3A_172 = arith.muli %add3A_168, %mul3A_171 : i32
        %add3A_173 = arith.addi %add3A_170, %mul3A_172 : i32
        %dma_start3A_174 = tpu.memref_slice %arg3[%add3A_173] : memref<668160xi32, #tpu.memory_space<hbm>> -> memref<120xi32, #tpu.memory_space<hbm>>
        %dma_start3A_175 = tpu.memref_slice %arg3[%add3A_173] : memref<668160xi32, #tpu.memory_space<hbm>> -> memref<120xi32, #tpu.memory_space<hbm>>
        tpu.enqueue_dma source(%dma_start3A_175 : memref<120xi32, #tpu.memory_space<hbm>>) target(%arg12 : memref<120xi32, #tpu.memory_space<vmem>>) target_semaphore(%arg21 : memref<!tpu.dma_semaphore, #tpu.memory_space<semaphore_mem>>)
        %dma_wait3A_176 = arith.constant 0 : i32
        %dma_wait3A_177 = tpu.memref_slice %arg3[%dma_wait3A_176] : memref<668160xi32, #tpu.memory_space<hbm>> -> memref<120xi32, #tpu.memory_space<hbm>>
        %dma_wait3A_178 = arith.constant 0 : i32
        %dma_wait3A_179 = tpu.memref_slice %arg3[%dma_wait3A_178] : memref<668160xi32, #tpu.memory_space<hbm>> -> memref<120xi32, #tpu.memory_space<hbm>>
        tpu.wait_dma2 semaphore(%arg18 : memref<!tpu.dma_semaphore, #tpu.memory_space<semaphore_mem>>) src(%dma_wait3A_179 : memref<120xi32, #tpu.memory_space<hbm>>) dst(%arg9 : memref<120xi32, #tpu.memory_space<vmem>>)
        %dma_start3A_180 = arith.constant 0 : i32
        %dma_start3A_181 = arith.constant 0 : i32
        %dma_start3A_182 = tpu.memref_slice %arg2[%dma_start3A_180, %dma_start3A_181] : memref<10016x128xf32, #tpu.memory_space<hbm>> -> memref<10016x128xf32, #tpu.memory_space<hbm>>
        tpu.enqueue_indirect_dma source(%dma_start3A_182 : memref<10016x128xf32, #tpu.memory_space<hbm>>) target(%arg15 : memref<120x128xf32, #tpu.memory_space<vmem>>) offsets(%arg9 : memref<120xi32, #tpu.memory_space<vmem>>) semaphore(%arg24 : memref<!tpu.dma_semaphore, #tpu.memory_space<semaphore_mem>>)
      } else {
      }
      %mul3A_95 = arith.constant 3 : i32
      %mul3A_96 = arith.muli %mul3A_95, %scan3A_62 : i32
      %add3A_97 = arith.constant 1 : i32
      %add3A_98 = arith.addi %mul3A_96, %add3A_97 : i32
      %dma_wait3A_99 = arith.constant 0 : i32
      %dma_wait3A_100 = arith.constant 0 : i32
      %dma_wait3A_101 = tpu.memref_slice %arg2[%dma_wait3A_99, %dma_wait3A_100] : memref<10016x128xf32, #tpu.memory_space<hbm>> -> memref<120x128xf32, #tpu.memory_space<hbm>>
      %dma_wait3A_102 = arith.constant 0 : i32
      %dma_wait3A_103 = arith.constant 0 : i32
      %dma_wait3A_104 = tpu.memref_slice %arg2[%dma_wait3A_102, %dma_wait3A_103] : memref<10016x128xf32, #tpu.memory_space<hbm>> -> memref<120x128xf32, #tpu.memory_space<hbm>>
      tpu.wait_dma2 semaphore(%arg23 : memref<!tpu.dma_semaphore, #tpu.memory_space<semaphore_mem>>) src(%dma_wait3A_104 : memref<120x128xf32, #tpu.memory_space<hbm>>) dst(%arg14 : memref<120x128xf32, #tpu.memory_space<vmem>>)
      %add3A_105 = arith.constant 3 : i32
      %add3A_106 = arith.addi %add3A_98, %add3A_105 : i32
      %lt3A_107 = arith.constant 87 : i32
      %lt3A_108 = arith.cmpi slt, %add3A_106, %lt3A_107 : i32
      %convert_element_type3A_109 = arith.extui %lt3A_108 : i1 to i32
      %cond3A_110 = arith.constant 0 : i32
      %cond3A_111 = arith.cmpi ne, %convert_element_type3A_109, %cond3A_110 : i32
      scf.if %cond3A_111 {
        %add3A_167 = arith.constant 3 : i32
        %add3A_168 = arith.addi %add3A_98, %add3A_167 : i32
        %mul3A_169 = arith.constant 120 : i32
        %mul3A_170 = arith.muli %add3A_168, %mul3A_169 : i32
        %add3A_171 = arith.addi %mul3A_2, %mul3A_170 : i32
        %dma_start3A_172 = tpu.memref_slice %arg3[%add3A_171] : memref<668160xi32, #tpu.memory_space<hbm>> -> memref<120xi32, #tpu.memory_space<hbm>>
        %dma_start3A_173 = tpu.memref_slice %arg3[%add3A_171] : memref<668160xi32, #tpu.memory_space<hbm>> -> memref<120xi32, #tpu.memory_space<hbm>>
        tpu.enqueue_dma source(%dma_start3A_173 : memref<120xi32, #tpu.memory_space<hbm>>) target(%arg8 : memref<120xi32, #tpu.memory_space<vmem>>) target_semaphore(%arg17 : memref<!tpu.dma_semaphore, #tpu.memory_space<semaphore_mem>>)
      } else {
      }
      %dma_wait3A_112 = arith.constant 0 : i32
      %dma_wait3A_113 = tpu.memref_slice %arg3[%dma_wait3A_112] : memref<668160xi32, #tpu.memory_space<hbm>> -> memref<120xi32, #tpu.memory_space<hbm>>
      %dma_wait3A_114 = arith.constant 0 : i32
      %dma_wait3A_115 = tpu.memref_slice %arg3[%dma_wait3A_114] : memref<668160xi32, #tpu.memory_space<hbm>> -> memref<120xi32, #tpu.memory_space<hbm>>
      tpu.wait_dma2 semaphore(%arg20 : memref<!tpu.dma_semaphore, #tpu.memory_space<semaphore_mem>>) src(%dma_wait3A_115 : memref<120xi32, #tpu.memory_space<hbm>>) dst(%arg11 : memref<120xi32, #tpu.memory_space<vmem>>)
      %dma_start3A_116 = arith.constant 0 : i32
      %dma_start3A_117 = arith.constant 0 : i32
      %dma_start3A_118 = tpu.memref_slice %arg6[%dma_start3A_116, %dma_start3A_117] : memref<10112x128xf32, #tpu.memory_space<vmem_shared>> -> memref<10112x128xf32, #tpu.memory_space<vmem_shared>>
      tpu.enqueue_indirect_dma source(%arg14 : memref<120x128xf32, #tpu.memory_space<vmem>>) target(%dma_start3A_118 : memref<10112x128xf32, #tpu.memory_space<vmem_shared>>) offsets(%arg11 : memref<120xi32, #tpu.memory_space<vmem>>) semaphore(%arg26 : memref<!tpu.dma_semaphore, #tpu.memory_space<semaphore_mem>>) {add = true}
      %gt3A_119 = arith.constant 0 : i32
      %gt3A_120 = arith.cmpi sgt, %add3A_98, %gt3A_119 : i32
      %convert_element_type3A_121 = arith.extui %gt3A_120 : i1 to i32
      %cond3A_122 = arith.constant 0 : i32
      %cond3A_123 = arith.cmpi ne, %convert_element_type3A_121, %cond3A_122 : i32
      scf.if %cond3A_123 {
        %dma_wait3A_167 = arith.constant 0 : i32
        %dma_wait3A_168 = arith.constant 0 : i32
        %dma_wait3A_169 = tpu.memref_slice %arg2[%dma_wait3A_167, %dma_wait3A_168] : memref<10016x128xf32, #tpu.memory_space<hbm>> -> memref<120x128xf32, #tpu.memory_space<hbm>>
        %dma_wait3A_170 = arith.constant 0 : i32
        %dma_wait3A_171 = arith.constant 0 : i32
        %dma_wait3A_172 = tpu.memref_slice %arg2[%dma_wait3A_170, %dma_wait3A_171] : memref<10016x128xf32, #tpu.memory_space<hbm>> -> memref<120x128xf32, #tpu.memory_space<hbm>>
        tpu.wait_dma2 semaphore(%arg25 : memref<!tpu.dma_semaphore, #tpu.memory_space<semaphore_mem>>) src(%dma_wait3A_172 : memref<120x128xf32, #tpu.memory_space<hbm>>) dst(%arg13 : memref<120x128xf32, #tpu.memory_space<vmem>>)
      } else {
      }
      %add3A_124 = arith.constant 2 : i32
      %add3A_125 = arith.addi %add3A_98, %add3A_124 : i32
      %lt3A_126 = arith.constant 87 : i32
      %lt3A_127 = arith.cmpi slt, %add3A_125, %lt3A_126 : i32
      %convert_element_type3A_128 = arith.extui %lt3A_127 : i1 to i32
      %cond3A_129 = arith.constant 0 : i32
      %cond3A_130 = arith.cmpi ne, %convert_element_type3A_128, %cond3A_129 : i32
      scf.if %cond3A_130 {
        %add3A_167 = arith.constant 2 : i32
        %add3A_168 = arith.addi %add3A_98, %add3A_167 : i32
        %add3A_169 = arith.constant 334080 : i32
        %add3A_170 = arith.addi %add3A_169, %mul3A_2 : i32
        %mul3A_171 = arith.constant 120 : i32
        %mul3A_172 = arith.muli %add3A_168, %mul3A_171 : i32
        %add3A_173 = arith.addi %add3A_170, %mul3A_172 : i32
        %dma_start3A_174 = tpu.memref_slice %arg3[%add3A_173] : memref<668160xi32, #tpu.memory_space<hbm>> -> memref<120xi32, #tpu.memory_space<hbm>>
        %dma_start3A_175 = tpu.memref_slice %arg3[%add3A_173] : memref<668160xi32, #tpu.memory_space<hbm>> -> memref<120xi32, #tpu.memory_space<hbm>>
        tpu.enqueue_dma source(%dma_start3A_175 : memref<120xi32, #tpu.memory_space<hbm>>) target(%arg10 : memref<120xi32, #tpu.memory_space<vmem>>) target_semaphore(%arg19 : memref<!tpu.dma_semaphore, #tpu.memory_space<semaphore_mem>>)
        %dma_wait3A_176 = arith.constant 0 : i32
        %dma_wait3A_177 = tpu.memref_slice %arg3[%dma_wait3A_176] : memref<668160xi32, #tpu.memory_space<hbm>> -> memref<120xi32, #tpu.memory_space<hbm>>
        %dma_wait3A_178 = arith.constant 0 : i32
        %dma_wait3A_179 = tpu.memref_slice %arg3[%dma_wait3A_178] : memref<668160xi32, #tpu.memory_space<hbm>> -> memref<120xi32, #tpu.memory_space<hbm>>
        tpu.wait_dma2 semaphore(%arg16 : memref<!tpu.dma_semaphore, #tpu.memory_space<semaphore_mem>>) src(%dma_wait3A_179 : memref<120xi32, #tpu.memory_space<hbm>>) dst(%arg7 : memref<120xi32, #tpu.memory_space<vmem>>)
        %dma_start3A_180 = arith.constant 0 : i32
        %dma_start3A_181 = arith.constant 0 : i32
        %dma_start3A_182 = tpu.memref_slice %arg2[%dma_start3A_180, %dma_start3A_181] : memref<10016x128xf32, #tpu.memory_space<hbm>> -> memref<10016x128xf32, #tpu.memory_space<hbm>>
        tpu.enqueue_indirect_dma source(%dma_start3A_182 : memref<10016x128xf32, #tpu.memory_space<hbm>>) target(%arg13 : memref<120x128xf32, #tpu.memory_space<vmem>>) offsets(%arg7 : memref<120xi32, #tpu.memory_space<vmem>>) semaphore(%arg22 : memref<!tpu.dma_semaphore, #tpu.memory_space<semaphore_mem>>)
      } else {
      }
      %mul3A_131 = arith.constant 3 : i32
      %mul3A_132 = arith.muli %mul3A_131, %scan3A_62 : i32
      %add3A_133 = arith.constant 2 : i32
      %add3A_134 = arith.addi %mul3A_132, %add3A_133 : i32
      %dma_wait3A_135 = arith.constant 0 : i32
      %dma_wait3A_136 = arith.constant 0 : i32
      %dma_wait3A_137 = tpu.memref_slice %arg2[%dma_wait3A_135, %dma_wait3A_136] : memref<10016x128xf32, #tpu.memory_space<hbm>> -> memref<120x128xf32, #tpu.memory_space<hbm>>
      %dma_wait3A_138 = arith.constant 0 : i32
      %dma_wait3A_139 = arith.constant 0 : i32
      %dma_wait3A_140 = tpu.memref_slice %arg2[%dma_wait3A_138, %dma_wait3A_139] : memref<10016x128xf32, #tpu.memory_space<hbm>> -> memref<120x128xf32, #tpu.memory_space<hbm>>
      tpu.wait_dma2 semaphore(%arg24 : memref<!tpu.dma_semaphore, #tpu.memory_space<semaphore_mem>>) src(%dma_wait3A_140 : memref<120x128xf32, #tpu.memory_space<hbm>>) dst(%arg15 : memref<120x128xf32, #tpu.memory_space<vmem>>)
      %add3A_141 = arith.constant 3 : i32
      %add3A_142 = arith.addi %add3A_134, %add3A_141 : i32
      %lt3A_143 = arith.constant 87 : i32
      %lt3A_144 = arith.cmpi slt, %add3A_142, %lt3A_143 : i32
      %convert_element_type3A_145 = arith.extui %lt3A_144 : i1 to i32
      %cond3A_146 = arith.constant 0 : i32
      %cond3A_147 = arith.cmpi ne, %convert_element_type3A_145, %cond3A_146 : i32
      scf.if %cond3A_147 {
        %add3A_167 = arith.constant 3 : i32
        %add3A_168 = arith.addi %add3A_134, %add3A_167 : i32
        %mul3A_169 = arith.constant 120 : i32
        %mul3A_170 = arith.muli %add3A_168, %mul3A_169 : i32
        %add3A_171 = arith.addi %mul3A_2, %mul3A_170 : i32
        %dma_start3A_172 = tpu.memref_slice %arg3[%add3A_171] : memref<668160xi32, #tpu.memory_space<hbm>> -> memref<120xi32, #tpu.memory_space<hbm>>
        %dma_start3A_173 = tpu.memref_slice %arg3[%add3A_171] : memref<668160xi32, #tpu.memory_space<hbm>> -> memref<120xi32, #tpu.memory_space<hbm>>
        tpu.enqueue_dma source(%dma_start3A_173 : memref<120xi32, #tpu.memory_space<hbm>>) target(%arg9 : memref<120xi32, #tpu.memory_space<vmem>>) target_semaphore(%arg18 : memref<!tpu.dma_semaphore, #tpu.memory_space<semaphore_mem>>)
      } else {
      }
      %dma_wait3A_148 = arith.constant 0 : i32
      %dma_wait3A_149 = tpu.memref_slice %arg3[%dma_wait3A_148] : memref<668160xi32, #tpu.memory_space<hbm>> -> memref<120xi32, #tpu.memory_space<hbm>>
      %dma_wait3A_150 = arith.constant 0 : i32
      %dma_wait3A_151 = tpu.memref_slice %arg3[%dma_wait3A_150] : memref<668160xi32, #tpu.memory_space<hbm>> -> memref<120xi32, #tpu.memory_space<hbm>>
      tpu.wait_dma2 semaphore(%arg21 : memref<!tpu.dma_semaphore, #tpu.memory_space<semaphore_mem>>) src(%dma_wait3A_151 : memref<120xi32, #tpu.memory_space<hbm>>) dst(%arg12 : memref<120xi32, #tpu.memory_space<vmem>>)
      %dma_start3A_152 = arith.constant 0 : i32
      %dma_start3A_153 = arith.constant 0 : i32
      %dma_start3A_154 = tpu.memref_slice %arg6[%dma_start3A_152, %dma_start3A_153] : memref<10112x128xf32, #tpu.memory_space<vmem_shared>> -> memref<10112x128xf32, #tpu.memory_space<vmem_shared>>
      tpu.enqueue_indirect_dma source(%arg15 : memref<120x128xf32, #tpu.memory_space<vmem>>) target(%dma_start3A_154 : memref<10112x128xf32, #tpu.memory_space<vmem_shared>>) offsets(%arg12 : memref<120xi32, #tpu.memory_space<vmem>>) semaphore(%arg27 : memref<!tpu.dma_semaphore, #tpu.memory_space<semaphore_mem>>) {add = true}
      %gt3A_155 = arith.constant 0 : i32
      %gt3A_156 = arith.cmpi sgt, %add3A_134, %gt3A_155 : i32
      %convert_element_type3A_157 = arith.extui %gt3A_156 : i1 to i32
      %cond3A_158 = arith.constant 0 : i32
      %cond3A_159 = arith.cmpi ne, %convert_element_type3A_157, %cond3A_158 : i32
      scf.if %cond3A_159 {
        %dma_wait3A_167 = arith.constant 0 : i32
        %dma_wait3A_168 = arith.constant 0 : i32
        %dma_wait3A_169 = tpu.memref_slice %arg2[%dma_wait3A_167, %dma_wait3A_168] : memref<10016x128xf32, #tpu.memory_space<hbm>> -> memref<120x128xf32, #tpu.memory_space<hbm>>
        %dma_wait3A_170 = arith.constant 0 : i32
        %dma_wait3A_171 = arith.constant 0 : i32
        %dma_wait3A_172 = tpu.memref_slice %arg2[%dma_wait3A_170, %dma_wait3A_171] : memref<10016x128xf32, #tpu.memory_space<hbm>> -> memref<120x128xf32, #tpu.memory_space<hbm>>
        tpu.wait_dma2 semaphore(%arg26 : memref<!tpu.dma_semaphore, #tpu.memory_space<semaphore_mem>>) src(%dma_wait3A_172 : memref<120x128xf32, #tpu.memory_space<hbm>>) dst(%arg14 : memref<120x128xf32, #tpu.memory_space<vmem>>)
      } else {
      }
      %add3A_160 = arith.constant 2 : i32
      %add3A_161 = arith.addi %add3A_134, %add3A_160 : i32
      %lt3A_162 = arith.constant 87 : i32
      %lt3A_163 = arith.cmpi slt, %add3A_161, %lt3A_162 : i32
      %convert_element_type3A_164 = arith.extui %lt3A_163 : i1 to i32
      %cond3A_165 = arith.constant 0 : i32
      %cond3A_166 = arith.cmpi ne, %convert_element_type3A_164, %cond3A_165 : i32
      scf.if %cond3A_166 {
        %add3A_167 = arith.constant 2 : i32
        %add3A_168 = arith.addi %add3A_134, %add3A_167 : i32
        %add3A_169 = arith.constant 334080 : i32
        %add3A_170 = arith.addi %add3A_169, %mul3A_2 : i32
        %mul3A_171 = arith.constant 120 : i32
        %mul3A_172 = arith.muli %add3A_168, %mul3A_171 : i32
        %add3A_173 = arith.addi %add3A_170, %mul3A_172 : i32
        %dma_start3A_174 = tpu.memref_slice %arg3[%add3A_173] : memref<668160xi32, #tpu.memory_space<hbm>> -> memref<120xi32, #tpu.memory_space<hbm>>
        %dma_start3A_175 = tpu.memref_slice %arg3[%add3A_173] : memref<668160xi32, #tpu.memory_space<hbm>> -> memref<120xi32, #tpu.memory_space<hbm>>
        tpu.enqueue_dma source(%dma_start3A_175 : memref<120xi32, #tpu.memory_space<hbm>>) target(%arg11 : memref<120xi32, #tpu.memory_space<vmem>>) target_semaphore(%arg20 : memref<!tpu.dma_semaphore, #tpu.memory_space<semaphore_mem>>)
        %dma_wait3A_176 = arith.constant 0 : i32
        %dma_wait3A_177 = tpu.memref_slice %arg3[%dma_wait3A_176] : memref<668160xi32, #tpu.memory_space<hbm>> -> memref<120xi32, #tpu.memory_space<hbm>>
        %dma_wait3A_178 = arith.constant 0 : i32
        %dma_wait3A_179 = tpu.memref_slice %arg3[%dma_wait3A_178] : memref<668160xi32, #tpu.memory_space<hbm>> -> memref<120xi32, #tpu.memory_space<hbm>>
        tpu.wait_dma2 semaphore(%arg17 : memref<!tpu.dma_semaphore, #tpu.memory_space<semaphore_mem>>) src(%dma_wait3A_179 : memref<120xi32, #tpu.memory_space<hbm>>) dst(%arg8 : memref<120xi32, #tpu.memory_space<vmem>>)
        %dma_start3A_180 = arith.constant 0 : i32
        %dma_start3A_181 = arith.constant 0 : i32
        %dma_start3A_182 = tpu.memref_slice %arg2[%dma_start3A_180, %dma_start3A_181] : memref<10016x128xf32, #tpu.memory_space<hbm>> -> memref<10016x128xf32, #tpu.memory_space<hbm>>
        tpu.enqueue_indirect_dma source(%dma_start3A_182 : memref<10016x128xf32, #tpu.memory_space<hbm>>) target(%arg14 : memref<120x128xf32, #tpu.memory_space<vmem>>) offsets(%arg8 : memref<120xi32, #tpu.memory_space<vmem>>) semaphore(%arg23 : memref<!tpu.dma_semaphore, #tpu.memory_space<semaphore_mem>>)
      } else {
      }
    }
    %scan3A_47 = arith.constant 29 : i32
    %dma_wait3A_48 = arith.constant 0 : i32
    %dma_wait3A_49 = arith.constant 0 : i32
    %dma_wait3A_50 = tpu.memref_slice %arg2[%dma_wait3A_48, %dma_wait3A_49] : memref<10016x128xf32, #tpu.memory_space<hbm>> -> memref<120x128xf32, #tpu.memory_space<hbm>>
    %dma_wait3A_51 = arith.constant 0 : i32
    %dma_wait3A_52 = arith.constant 0 : i32
    %dma_wait3A_53 = tpu.memref_slice %arg2[%dma_wait3A_51, %dma_wait3A_52] : memref<10016x128xf32, #tpu.memory_space<hbm>> -> memref<120x128xf32, #tpu.memory_space<hbm>>
    tpu.wait_dma2 semaphore(%arg27 : memref<!tpu.dma_semaphore, #tpu.memory_space<semaphore_mem>>) src(%dma_wait3A_53 : memref<120x128xf32, #tpu.memory_space<hbm>>) dst(%arg15 : memref<120x128xf32, #tpu.memory_space<vmem>>)
    %barrier3A_54 = arith.constant 0 : index
    tpu.barrier barrier_id(%barrier3A_54)
    %mul3A_55 = arith.constant 632 : i32
    %mul3A_56 = arith.muli %arg1, %mul3A_55 : i32
    %mul3A_57 = arith.constant 10112 : i32
    %mul3A_58 = arith.muli %arg0, %mul3A_57 : i32
    %mul3A_59 = arith.constant 632 : i32
    %mul3A_60 = arith.muli %arg1, %mul3A_59 : i32
    %add3A_61 = arith.addi %mul3A_58, %mul3A_60 : i32
    "tpu.region"() ({
      %run_scoped3A = tpu.sem_alloc : memref<!tpu.dma_semaphore, #tpu.memory_space<semaphore_mem>>
      %dma_start3A_62 = arith.constant 0 : i32
      %dma_start3A_63 = tpu.memref_slice %arg5[%add3A_61, %dma_start3A_62] : memref<20224x128xf32, #tpu.memory_space<hbm>> -> memref<632x128xf32, #tpu.memory_space<hbm>>
      %dma_start3A_64 = arith.constant 0 : i32
      %dma_start3A_65 = tpu.memref_slice %arg6[%mul3A_56, %dma_start3A_64] : memref<10112x128xf32, #tpu.memory_space<vmem_shared>> -> memref<632x128xf32, #tpu.memory_space<vmem_shared>>
      tpu.enqueue_dma source(%dma_start3A_65 : memref<632x128xf32, #tpu.memory_space<vmem_shared>>) target(%dma_start3A_63 : memref<632x128xf32, #tpu.memory_space<hbm>>) target_semaphore(%run_scoped3A : memref<!tpu.dma_semaphore, #tpu.memory_space<semaphore_mem>>)
      %dma_wait3A_66 = arith.constant 0 : i32
      %dma_wait3A_67 = tpu.memref_slice %arg5[%add3A_61, %dma_wait3A_66] : memref<20224x128xf32, #tpu.memory_space<hbm>> -> memref<632x128xf32, #tpu.memory_space<hbm>>
      %dma_wait3A_68 = arith.constant 0 : i32
      %dma_wait3A_69 = tpu.memref_slice %arg6[%mul3A_56, %dma_wait3A_68] : memref<10112x128xf32, #tpu.memory_space<vmem_shared>> -> memref<632x128xf32, #tpu.memory_space<vmem_shared>>
      tpu.wait_dma2 semaphore(%run_scoped3A : memref<!tpu.dma_semaphore, #tpu.memory_space<semaphore_mem>>) src(%dma_wait3A_69 : memref<632x128xf32, #tpu.memory_space<vmem_shared>>) dst(%dma_wait3A_67 : memref<632x128xf32, #tpu.memory_space<hbm>>)
      tpu.yield
    }) : () -> ()
    return
  }
}

module attributes {stable_mosaic.version = 14 : i64} {
  func.func @_embed_body(%arg0: memref<10000x128xf32, #tpu.memory_space<vmem>>, %arg1: memref<128x128xf32, #tpu.memory_space<vmem>>, %arg2: memref<1x128xf32, #tpu.memory_space<vmem>>, %arg3: memref<64x10112xf32, #tpu.memory_space<vmem>>, %arg4: memref<64x2xf32, #tpu.memory_space<vmem>>, %arg5: memref<10000x128xf32, #tpu.memory_space<vmem>>, %arg6: memref<10016x128xf32, #tpu.memory_space<vmem>>, %arg7: memref<10000x1xf32, #tpu.memory_space<vmem>>, %arg8: memref<10000x1xf32, #tpu.memory_space<vmem>>) attributes {dimension_semantics = [], scalar_prefetch = 0 : i64, scratch_operands = 0 : i64, tpu.core_type = #tpu.core_type<tc>} {
    %get3A = arith.constant 0 : index
    %get3A_0 = arith.constant 0 : index
    %get3A_1 = vector.load %arg0[%get3A, %get3A_0] : memref<10000x128xf32, #tpu.memory_space<vmem>>, vector<10000x128xf32>
    %get3A_2 = arith.constant 0 : index
    %get3A_3 = arith.constant 0 : index
    %get3A_4 = vector.load %arg1[%get3A_2, %get3A_3] : memref<128x128xf32, #tpu.memory_space<vmem>>, vector<128x128xf32>
    %dot_general3A = arith.constant dense<0.000000e+00> : vector<10000x128xf32>
    %dot_general3A_5 = tpu.matmul %get3A_1, %get3A_4, %dot_general3A {dimension_numbers = #tpu.dot_dimension_numbers<[1], [0], [0], [1], [0, 0, 1, 1], [], []>, transpose_lhs_hint = false} : vector<10000x128xf32>, vector<128x128xf32>, vector<10000x128xf32> -> vector<10000x128xf32>
    %get3A_6 = arith.constant 0 : index
    %get3A_7 = arith.constant 0 : index
    %get3A_8 = vector.load %arg2[%get3A_6, %get3A_7] : memref<1x128xf32, #tpu.memory_space<vmem>>, vector<1x128xf32>
    %add3A = vector.broadcast %get3A_8 : vector<1x128xf32> to vector<10000x128xf32>
    %add3A_9 = arith.addf %dot_general3A_5, %add3A : vector<10000x128xf32>
    %get3A_10 = arith.constant 0 : index
    %get3A_11 = arith.constant 0 : index
    %get3A_12 = vector.load %arg3[%get3A_10, %get3A_11] : memref<64x10112xf32, #tpu.memory_space<vmem>>, vector<64x10112xf32>
    %get3A_13 = arith.constant 0 : index
    %get3A_14 = arith.constant 0 : index
    %get3A_15 = vector.load %arg4[%get3A_13, %get3A_14] : memref<64x2xf32, #tpu.memory_space<vmem>>, vector<64x2xf32>
    %dot_general3A_16 = arith.constant dense<0.000000e+00> : vector<10112x2xf32>
    %dot_general3A_17 = tpu.matmul %get3A_12, %get3A_15, %dot_general3A_16 {dimension_numbers = #tpu.dot_dimension_numbers<[0], [0], [1], [1], [0, 1, 1, 1], [], []>, transpose_lhs_hint = false} : vector<64x10112xf32>, vector<64x2xf32>, vector<10112x2xf32> -> vector<10112x2xf32>
    %slice3A = vector.extract_strided_slice %dot_general3A_17 {offsets = [0, 0], sizes = [10000, 1], strides = [1, 1]} : vector<10112x2xf32> to vector<10000x1xf32>
    %max3A = arith.constant 1.000000e+00 : f32
    %max3A_18 = vector.broadcast %max3A : f32 to vector<10000x1xf32>
    %max3A_19 = arith.maximumf %slice3A, %max3A_18 : vector<10000x1xf32>
    %rsqrt3A = math.rsqrt %max3A_19 : vector<10000x1xf32>
    %slice3A_20 = vector.extract_strided_slice %dot_general3A_17 {offsets = [0, 1], sizes = [10000, 1], strides = [1, 1]} : vector<10112x2xf32> to vector<10000x1xf32>
    %max3A_21 = arith.constant 1.000000e+00 : f32
    %max3A_22 = vector.broadcast %max3A_21 : f32 to vector<10000x1xf32>
    %max3A_23 = arith.maximumf %slice3A_20, %max3A_22 : vector<10000x1xf32>
    %rsqrt3A_24 = math.rsqrt %max3A_23 : vector<10000x1xf32>
    %swap3A = arith.constant 0 : index
    %swap3A_25 = arith.constant 0 : index
    %swap3A_26 = vector.load %arg5[%swap3A, %swap3A_25] : memref<10000x128xf32, #tpu.memory_space<vmem>>, vector<10000x128xf32>
    tpu.vector_store %arg5[%swap3A, %swap3A_25], %add3A_9 {strides = array<i32>} : memref<10000x128xf32, #tpu.memory_space<vmem>>, vector<10000x128xf32>,
    %mul3A = vector.broadcast %rsqrt3A : vector<10000x1xf32> to vector<10000x128xf32>
    %mul3A_27 = arith.mulf %add3A_9, %mul3A : vector<10000x128xf32>
    %swap3A_28 = arith.constant 0 : index
    %swap3A_29 = arith.constant 0 : index
    %swap3A_30 = vector.load %arg6[%swap3A_28, %swap3A_29] : memref<10016x128xf32, #tpu.memory_space<vmem>>, vector<10000x128xf32>
    tpu.vector_store %arg6[%swap3A_28, %swap3A_29], %mul3A_27 {strides = array<i32>} : memref<10016x128xf32, #tpu.memory_space<vmem>>, vector<10000x128xf32>,
    %broadcast_in_dim3A = arith.constant 0.000000e+00 : f32
    %broadcast_in_dim3A_31 = vector.broadcast %broadcast_in_dim3A : f32 to vector<16x128xf32>
    %swap3A_32 = arith.constant 10000 : index
    %swap3A_33 = arith.constant 0 : index
    %swap3A_34 = vector.load %arg6[%swap3A_32, %swap3A_33] : memref<10016x128xf32, #tpu.memory_space<vmem>>, vector<16x128xf32>
    tpu.vector_store %arg6[%swap3A_32, %swap3A_33], %broadcast_in_dim3A_31 {strides = array<i32>} : memref<10016x128xf32, #tpu.memory_space<vmem>>, vector<16x128xf32>,
    %swap3A_35 = arith.constant 0 : index
    %swap3A_36 = arith.constant 0 : index
    %swap3A_37 = vector.load %arg7[%swap3A_35, %swap3A_36] : memref<10000x1xf32, #tpu.memory_space<vmem>>, vector<10000x1xf32>
    tpu.vector_store %arg7[%swap3A_35, %swap3A_36], %rsqrt3A {strides = array<i32>} : memref<10000x1xf32, #tpu.memory_space<vmem>>, vector<10000x1xf32>,
    %swap3A_38 = arith.constant 0 : index
    %swap3A_39 = arith.constant 0 : index
    %swap3A_40 = vector.load %arg8[%swap3A_38, %swap3A_39] : memref<10000x1xf32, #tpu.memory_space<vmem>>, vector<10000x1xf32>
    tpu.vector_store %arg8[%swap3A_38, %swap3A_39], %rsqrt3A_24 {strides = array<i32>} : memref<10000x1xf32, #tpu.memory_space<vmem>>, vector<10000x1xf32>,
    return
  }
}

module attributes {stable_mosaic.version = 14 : i64} {
  func.func @_layer_body(%arg0: memref<2x10112x128xf32, #tpu.memory_space<vmem>>, %arg1: memref<10000x1xf32, #tpu.memory_space<vmem>>, %arg2: memref<10000x1xf32, #tpu.memory_space<vmem>>, %arg3: memref<128x128xf32, #tpu.memory_space<vmem>>, %arg4: memref<1x128xf32, #tpu.memory_space<vmem>>, %arg5: memref<1x128xf32, #tpu.memory_space<vmem>>, %arg6: memref<1x128xf32, #tpu.memory_space<vmem>>, %arg7: memref<10000x128xf32, #tpu.memory_space<vmem>>, %arg8: memref<10000x128xf32, #tpu.memory_space<vmem>>, %arg9: memref<10016x128xf32, #tpu.memory_space<vmem>>) attributes {dimension_semantics = [], scalar_prefetch = 0 : i64, scratch_operands = 0 : i64, tpu.core_type = #tpu.core_type<tc>} {
    %get3A = arith.constant 0 : index
    %get3A_0 = arith.constant 0 : index
    %get3A_1 = arith.constant 0 : index
    %get3A_2 = vector.load %arg0[%get3A, %get3A_0, %get3A_1] : memref<2x10112x128xf32, #tpu.memory_space<vmem>>, vector<2x10112x128xf32>
    %get3A_3 = arith.constant 0 : index
    %get3A_4 = arith.constant 0 : index
    %get3A_5 = vector.load %arg1[%get3A_3, %get3A_4] : memref<10000x1xf32, #tpu.memory_space<vmem>>, vector<10000x1xf32>
    %get3A_6 = arith.constant 0 : index
    %get3A_7 = arith.constant 0 : index
    %get3A_8 = vector.load %arg3[%get3A_6, %get3A_7] : memref<128x128xf32, #tpu.memory_space<vmem>>, vector<128x128xf32>
    %get3A_9 = arith.constant 0 : index
    %get3A_10 = arith.constant 0 : index
    %get3A_11 = vector.load %arg4[%get3A_9, %get3A_10] : memref<1x128xf32, #tpu.memory_space<vmem>>, vector<1x128xf32>
    %get3A_12 = arith.constant 0 : index
    %get3A_13 = arith.constant 0 : index
    %get3A_14 = vector.load %arg5[%get3A_12, %get3A_13] : memref<1x128xf32, #tpu.memory_space<vmem>>, vector<1x128xf32>
    %get3A_15 = arith.constant 0 : index
    %get3A_16 = arith.constant 0 : index
    %get3A_17 = vector.load %arg6[%get3A_15, %get3A_16] : memref<1x128xf32, #tpu.memory_space<vmem>>, vector<1x128xf32>
    %get3A_18 = arith.constant 0 : index
    %get3A_19 = arith.constant 0 : index
    %get3A_20 = vector.load %arg7[%get3A_18, %get3A_19] : memref<10000x128xf32, #tpu.memory_space<vmem>>, vector<10000x128xf32>
    %slice3A = vector.extract_strided_slice %get3A_2 {offsets = [0, 0, 0], sizes = [1, 10000, 128], strides = [1, 1, 1]} : vector<2x10112x128xf32> to vector<1x10000x128xf32>
    %squeeze3A = vector.shape_cast %slice3A : vector<1x10000x128xf32> to vector<10000x128xf32>
    %slice3A_21 = vector.extract_strided_slice %get3A_2 {offsets = [1, 0, 0], sizes = [1, 10000, 128], strides = [1, 1, 1]} : vector<2x10112x128xf32> to vector<1x10000x128xf32>
    %squeeze3A_22 = vector.shape_cast %slice3A_21 : vector<1x10000x128xf32> to vector<10000x128xf32>
    %add3A = arith.addf %squeeze3A, %squeeze3A_22 : vector<10000x128xf32>
    %mul3A = vector.broadcast %get3A_5 : vector<10000x1xf32> to vector<10000x128xf32>
    %mul3A_23 = arith.mulf %add3A, %mul3A : vector<10000x128xf32>
    %dot_general3A = arith.constant dense<0.000000e+00> : vector<10000x128xf32>
    %dot_general3A_24 = tpu.matmul %mul3A_23, %get3A_8, %dot_general3A {dimension_numbers = #tpu.dot_dimension_numbers<[1], [0], [0], [1], [0, 0, 1, 1], [], []>, transpose_lhs_hint = false} : vector<10000x128xf32>, vector<128x128xf32>, vector<10000x128xf32> -> vector<10000x128xf32>
    %add3A_25 = vector.broadcast %get3A_11 : vector<1x128xf32> to vector<10000x128xf32>
    %add3A_26 = arith.addf %dot_general3A_24, %add3A_25 : vector<10000x128xf32>
    %reduce_sum3A = arith.constant dense<0.000000e+00> : vector<128xf32>
    %reduce_sum3A_27 = vector.multi_reduction <add>, %add3A_26, %reduce_sum3A [0] : vector<10000x128xf32> to vector<128xf32>
    %broadcast_in_dim3A = vector.shape_cast %reduce_sum3A_27 : vector<128xf32> to vector<1x128xf32>
    %div3A = arith.constant 1.000000e+04 : f32
    %div3A_28 = vector.broadcast %div3A : f32 to vector<1x128xf32>
    %div3A_29 = arith.divf %broadcast_in_dim3A, %div3A_28 : vector<1x128xf32>
    %sub3A = vector.broadcast %div3A_29 : vector<1x128xf32> to vector<10000x128xf32>
    %sub3A_30 = arith.subf %add3A_26, %sub3A : vector<10000x128xf32>
    %mul3A_31 = arith.mulf %sub3A_30, %sub3A_30 : vector<10000x128xf32>
    %reduce_sum3A_32 = arith.constant dense<0.000000e+00> : vector<128xf32>
    %reduce_sum3A_33 = vector.multi_reduction <add>, %mul3A_31, %reduce_sum3A_32 [0] : vector<10000x128xf32> to vector<128xf32>
    %broadcast_in_dim3A_34 = vector.shape_cast %reduce_sum3A_33 : vector<128xf32> to vector<1x128xf32>
    %div3A_35 = arith.constant 1.000000e+04 : f32
    %div3A_36 = vector.broadcast %div3A_35 : f32 to vector<1x128xf32>
    %div3A_37 = arith.divf %broadcast_in_dim3A_34, %div3A_36 : vector<1x128xf32>
    %add3A_38 = arith.constant 9.99999974E-6 : f32
    %add3A_39 = vector.broadcast %add3A_38 : f32 to vector<1x128xf32>
    %add3A_40 = arith.addf %div3A_37, %add3A_39 : vector<1x128xf32>
    %rsqrt3A = math.rsqrt %add3A_40 : vector<1x128xf32>
    %mul3A_41 = vector.broadcast %rsqrt3A : vector<1x128xf32> to vector<10000x128xf32>
    %mul3A_42 = arith.mulf %sub3A_30, %mul3A_41 : vector<10000x128xf32>
    %mul3A_43 = vector.broadcast %get3A_14 : vector<1x128xf32> to vector<10000x128xf32>
    %mul3A_44 = arith.mulf %mul3A_42, %mul3A_43 : vector<10000x128xf32>
    %add3A_45 = vector.broadcast %get3A_17 : vector<1x128xf32> to vector<10000x128xf32>
    %add3A_46 = arith.addf %mul3A_44, %add3A_45 : vector<10000x128xf32>
    %max3A = arith.constant 0.000000e+00 : f32
    %max3A_47 = vector.broadcast %max3A : f32 to vector<10000x128xf32>
    %max3A_48 = arith.maximumf %add3A_46, %max3A_47 : vector<10000x128xf32>
    %add3A_49 = arith.addf %get3A_20, %max3A_48 : vector<10000x128xf32>
    %swap3A = arith.constant 0 : index
    %swap3A_50 = arith.constant 0 : index
    %swap3A_51 = vector.load %arg8[%swap3A, %swap3A_50] : memref<10000x128xf32, #tpu.memory_space<vmem>>, vector<10000x128xf32>
    tpu.vector_store %arg8[%swap3A, %swap3A_50], %add3A_49 {strides = array<i32>} : memref<10000x128xf32, #tpu.memory_space<vmem>>, vector<10000x128xf32>,
    %get3A_52 = arith.constant 0 : index
    %get3A_53 = arith.constant 0 : index
    %get3A_54 = vector.load %arg2[%get3A_52, %get3A_53] : memref<10000x1xf32, #tpu.memory_space<vmem>>, vector<10000x1xf32>
    %mul3A_55 = vector.broadcast %get3A_54 : vector<10000x1xf32> to vector<10000x128xf32>
    %mul3A_56 = arith.mulf %add3A_49, %mul3A_55 : vector<10000x128xf32>
    %swap3A_57 = arith.constant 0 : index
    %swap3A_58 = arith.constant 0 : index
    %swap3A_59 = vector.load %arg9[%swap3A_57, %swap3A_58] : memref<10016x128xf32, #tpu.memory_space<vmem>>, vector<10000x128xf32>
    tpu.vector_store %arg9[%swap3A_57, %swap3A_58], %mul3A_56 {strides = array<i32>} : memref<10016x128xf32, #tpu.memory_space<vmem>>, vector<10000x128xf32>,
    %broadcast_in_dim3A_60 = arith.constant 0.000000e+00 : f32
    %broadcast_in_dim3A_61 = vector.broadcast %broadcast_in_dim3A_60 : f32 to vector<16x128xf32>
    %swap3A_62 = arith.constant 10000 : index
    %swap3A_63 = arith.constant 0 : index
    %swap3A_64 = vector.load %arg9[%swap3A_62, %swap3A_63] : memref<10016x128xf32, #tpu.memory_space<vmem>>, vector<16x128xf32>
    tpu.vector_store %arg9[%swap3A_62, %swap3A_63], %broadcast_in_dim3A_61 {strides = array<i32>} : memref<10016x128xf32, #tpu.memory_space<vmem>>, vector<16x128xf32>,
    return
  }
}

module attributes {stable_mosaic.version = 14 : i64} {
  func.func @_final_body(%arg0: memref<2x10112x128xf32, #tpu.memory_space<vmem>>, %arg1: memref<10000x1xf32, #tpu.memory_space<vmem>>, %arg2: memref<128x128xf32, #tpu.memory_space<vmem>>, %arg3: memref<1x128xf32, #tpu.memory_space<vmem>>, %arg4: memref<1x128xf32, #tpu.memory_space<vmem>>, %arg5: memref<1x128xf32, #tpu.memory_space<vmem>>, %arg6: memref<10000x128xf32, #tpu.memory_space<vmem>>, %arg7: memref<128x64xf32, #tpu.memory_space<vmem>>, %arg8: memref<1x64xf32, #tpu.memory_space<vmem>>, %arg9: memref<64x32xf32, #tpu.memory_space<vmem>>, %arg10: memref<1x32xf32, #tpu.memory_space<vmem>>, %arg11: memref<32x7xf32, #tpu.memory_space<vmem>>, %arg12: memref<1x7xf32, #tpu.memory_space<vmem>>, %arg13: memref<10000x7xf32, #tpu.memory_space<vmem>>) attributes {dimension_semantics = [], scalar_prefetch = 0 : i64, scratch_operands = 0 : i64, tpu.core_type = #tpu.core_type<tc>} {
    %get3A = arith.constant 0 : index
    %get3A_0 = arith.constant 0 : index
    %get3A_1 = arith.constant 0 : index
    %get3A_2 = vector.load %arg0[%get3A, %get3A_0, %get3A_1] : memref<2x10112x128xf32, #tpu.memory_space<vmem>>, vector<2x10112x128xf32>
    %get3A_3 = arith.constant 0 : index
    %get3A_4 = arith.constant 0 : index
    %get3A_5 = vector.load %arg1[%get3A_3, %get3A_4] : memref<10000x1xf32, #tpu.memory_space<vmem>>, vector<10000x1xf32>
    %get3A_6 = arith.constant 0 : index
    %get3A_7 = arith.constant 0 : index
    %get3A_8 = vector.load %arg2[%get3A_6, %get3A_7] : memref<128x128xf32, #tpu.memory_space<vmem>>, vector<128x128xf32>
    %get3A_9 = arith.constant 0 : index
    %get3A_10 = arith.constant 0 : index
    %get3A_11 = vector.load %arg3[%get3A_9, %get3A_10] : memref<1x128xf32, #tpu.memory_space<vmem>>, vector<1x128xf32>
    %get3A_12 = arith.constant 0 : index
    %get3A_13 = arith.constant 0 : index
    %get3A_14 = vector.load %arg4[%get3A_12, %get3A_13] : memref<1x128xf32, #tpu.memory_space<vmem>>, vector<1x128xf32>
    %get3A_15 = arith.constant 0 : index
    %get3A_16 = arith.constant 0 : index
    %get3A_17 = vector.load %arg5[%get3A_15, %get3A_16] : memref<1x128xf32, #tpu.memory_space<vmem>>, vector<1x128xf32>
    %get3A_18 = arith.constant 0 : index
    %get3A_19 = arith.constant 0 : index
    %get3A_20 = vector.load %arg6[%get3A_18, %get3A_19] : memref<10000x128xf32, #tpu.memory_space<vmem>>, vector<10000x128xf32>
    %slice3A = vector.extract_strided_slice %get3A_2 {offsets = [0, 0, 0], sizes = [1, 10000, 128], strides = [1, 1, 1]} : vector<2x10112x128xf32> to vector<1x10000x128xf32>
    %squeeze3A = vector.shape_cast %slice3A : vector<1x10000x128xf32> to vector<10000x128xf32>
    %slice3A_21 = vector.extract_strided_slice %get3A_2 {offsets = [1, 0, 0], sizes = [1, 10000, 128], strides = [1, 1, 1]} : vector<2x10112x128xf32> to vector<1x10000x128xf32>
    %squeeze3A_22 = vector.shape_cast %slice3A_21 : vector<1x10000x128xf32> to vector<10000x128xf32>
    %add3A = arith.addf %squeeze3A, %squeeze3A_22 : vector<10000x128xf32>
    %mul3A = vector.broadcast %get3A_5 : vector<10000x1xf32> to vector<10000x128xf32>
    %mul3A_23 = arith.mulf %add3A, %mul3A : vector<10000x128xf32>
    %dot_general3A = arith.constant dense<0.000000e+00> : vector<10000x128xf32>
    %dot_general3A_24 = tpu.matmul %mul3A_23, %get3A_8, %dot_general3A {dimension_numbers = #tpu.dot_dimension_numbers<[1], [0], [0], [1], [0, 0, 1, 1], [], []>, transpose_lhs_hint = false} : vector<10000x128xf32>, vector<128x128xf32>, vector<10000x128xf32> -> vector<10000x128xf32>
    %add3A_25 = vector.broadcast %get3A_11 : vector<1x128xf32> to vector<10000x128xf32>
    %add3A_26 = arith.addf %dot_general3A_24, %add3A_25 : vector<10000x128xf32>
    %reduce_sum3A = arith.constant dense<0.000000e+00> : vector<128xf32>
    %reduce_sum3A_27 = vector.multi_reduction <add>, %add3A_26, %reduce_sum3A [0] : vector<10000x128xf32> to vector<128xf32>
    %broadcast_in_dim3A = vector.shape_cast %reduce_sum3A_27 : vector<128xf32> to vector<1x128xf32>
    %div3A = arith.constant 1.000000e+04 : f32
    %div3A_28 = vector.broadcast %div3A : f32 to vector<1x128xf32>
    %div3A_29 = arith.divf %broadcast_in_dim3A, %div3A_28 : vector<1x128xf32>
    %sub3A = vector.broadcast %div3A_29 : vector<1x128xf32> to vector<10000x128xf32>
    %sub3A_30 = arith.subf %add3A_26, %sub3A : vector<10000x128xf32>
    %mul3A_31 = arith.mulf %sub3A_30, %sub3A_30 : vector<10000x128xf32>
    %reduce_sum3A_32 = arith.constant dense<0.000000e+00> : vector<128xf32>
    %reduce_sum3A_33 = vector.multi_reduction <add>, %mul3A_31, %reduce_sum3A_32 [0] : vector<10000x128xf32> to vector<128xf32>
    %broadcast_in_dim3A_34 = vector.shape_cast %reduce_sum3A_33 : vector<128xf32> to vector<1x128xf32>
    %div3A_35 = arith.constant 1.000000e+04 : f32
    %div3A_36 = vector.broadcast %div3A_35 : f32 to vector<1x128xf32>
    %div3A_37 = arith.divf %broadcast_in_dim3A_34, %div3A_36 : vector<1x128xf32>
    %add3A_38 = arith.constant 9.99999974E-6 : f32
    %add3A_39 = vector.broadcast %add3A_38 : f32 to vector<1x128xf32>
    %add3A_40 = arith.addf %div3A_37, %add3A_39 : vector<1x128xf32>
    %rsqrt3A = math.rsqrt %add3A_40 : vector<1x128xf32>
    %mul3A_41 = vector.broadcast %rsqrt3A : vector<1x128xf32> to vector<10000x128xf32>
    %mul3A_42 = arith.mulf %sub3A_30, %mul3A_41 : vector<10000x128xf32>
    %mul3A_43 = vector.broadcast %get3A_14 : vector<1x128xf32> to vector<10000x128xf32>
    %mul3A_44 = arith.mulf %mul3A_42, %mul3A_43 : vector<10000x128xf32>
    %add3A_45 = vector.broadcast %get3A_17 : vector<1x128xf32> to vector<10000x128xf32>
    %add3A_46 = arith.addf %mul3A_44, %add3A_45 : vector<10000x128xf32>
    %max3A = arith.constant 0.000000e+00 : f32
    %max3A_47 = vector.broadcast %max3A : f32 to vector<10000x128xf32>
    %max3A_48 = arith.maximumf %add3A_46, %max3A_47 : vector<10000x128xf32>
    %add3A_49 = arith.addf %get3A_20, %max3A_48 : vector<10000x128xf32>
    %get3A_50 = arith.constant 0 : index
    %get3A_51 = arith.constant 0 : index
    %get3A_52 = vector.load %arg7[%get3A_50, %get3A_51] : memref<128x64xf32, #tpu.memory_space<vmem>>, vector<128x64xf32>
    %dot_general3A_53 = arith.constant dense<0.000000e+00> : vector<10000x64xf32>
    %dot_general3A_54 = tpu.matmul %add3A_49, %get3A_52, %dot_general3A_53 {dimension_numbers = #tpu.dot_dimension_numbers<[1], [0], [0], [1], [0, 0, 1, 1], [], []>, transpose_lhs_hint = false} : vector<10000x128xf32>, vector<128x64xf32>, vector<10000x64xf32> -> vector<10000x64xf32>
    %get3A_55 = arith.constant 0 : index
    %get3A_56 = arith.constant 0 : index
    %get3A_57 = vector.load %arg8[%get3A_55, %get3A_56] : memref<1x64xf32, #tpu.memory_space<vmem>>, vector<1x64xf32>
    %add3A_58 = vector.broadcast %get3A_57 : vector<1x64xf32> to vector<10000x64xf32>
    %add3A_59 = arith.addf %dot_general3A_54, %add3A_58 : vector<10000x64xf32>
    %max3A_60 = arith.constant 0.000000e+00 : f32
    %max3A_61 = vector.broadcast %max3A_60 : f32 to vector<10000x64xf32>
    %max3A_62 = arith.maximumf %add3A_59, %max3A_61 : vector<10000x64xf32>
    %get3A_63 = arith.constant 0 : index
    %get3A_64 = arith.constant 0 : index
    %get3A_65 = vector.load %arg9[%get3A_63, %get3A_64] : memref<64x32xf32, #tpu.memory_space<vmem>>, vector<64x32xf32>
    %dot_general3A_66 = arith.constant dense<0.000000e+00> : vector<10000x32xf32>
    %dot_general3A_67 = tpu.matmul %max3A_62, %get3A_65, %dot_general3A_66 {dimension_numbers = #tpu.dot_dimension_numbers<[1], [0], [0], [1], [0, 0, 1, 1], [], []>, transpose_lhs_hint = false} : vector<10000x64xf32>, vector<64x32xf32>, vector<10000x32xf32> -> vector<10000x32xf32>
    %get3A_68 = arith.constant 0 : index
    %get3A_69 = arith.constant 0 : index
    %get3A_70 = vector.load %arg10[%get3A_68, %get3A_69] : memref<1x32xf32, #tpu.memory_space<vmem>>, vector<1x32xf32>
    %add3A_71 = vector.broadcast %get3A_70 : vector<1x32xf32> to vector<10000x32xf32>
    %add3A_72 = arith.addf %dot_general3A_67, %add3A_71 : vector<10000x32xf32>
    %max3A_73 = arith.constant 0.000000e+00 : f32
    %max3A_74 = vector.broadcast %max3A_73 : f32 to vector<10000x32xf32>
    %max3A_75 = arith.maximumf %add3A_72, %max3A_74 : vector<10000x32xf32>
    %get3A_76 = arith.constant 0 : index
    %get3A_77 = arith.constant 0 : index
    %get3A_78 = vector.load %arg11[%get3A_76, %get3A_77] : memref<32x7xf32, #tpu.memory_space<vmem>>, vector<32x7xf32>
    %dot_general3A_79 = arith.constant dense<0.000000e+00> : vector<10000x7xf32>
    %dot_general3A_80 = tpu.matmul %max3A_75, %get3A_78, %dot_general3A_79 {dimension_numbers = #tpu.dot_dimension_numbers<[1], [0], [0], [1], [0, 0, 1, 1], [], []>, transpose_lhs_hint = false} : vector<10000x32xf32>, vector<32x7xf32>, vector<10000x7xf32> -> vector<10000x7xf32>
    %get3A_81 = arith.constant 0 : index
    %get3A_82 = arith.constant 0 : index
    %get3A_83 = vector.load %arg12[%get3A_81, %get3A_82] : memref<1x7xf32, #tpu.memory_space<vmem>>, vector<1x7xf32>
    %add3A_84 = vector.broadcast %get3A_83 : vector<1x7xf32> to vector<10000x7xf32>
    %add3A_85 = arith.addf %dot_general3A_80, %add3A_84 : vector<10000x7xf32>
    %swap3A = arith.constant 0 : index
    %swap3A_86 = arith.constant 0 : index
    %swap3A_87 = vector.load %arg13[%swap3A, %swap3A_86] : memref<10000x7xf32, #tpu.memory_space<vmem>>, vector<10000x7xf32>
    tpu.vector_store %arg13[%swap3A, %swap3A_86], %add3A_85 {strides = array<i32>} : memref<10000x7xf32, #tpu.memory_space<vmem>>, vector<10000x7xf32>,
    return
  }
}

</mosaic_0001>

<sc_bundles>
// kernel: kernel.12.cloned.1.call-start
scs
__scs_entry_jumppad:
0x0: {  	(pc) =	sbr.rel $0x88, $3  }
0x1: {  	(tag) =	ssettag $0x0;
	lr =	simm.s32 $0x1  }
0x2: {  	[smem:$0x3F87] =	sst lr;
	_ =	strace $0xD0000000  }
0x3: {  	_ = 	snop  }
0x4: {  	_ = 	snop  }
0x5: {  	_ = 	snop  }
0x6: {  	_ = 	snop  }
0x7: {  	_ = 	snop  }
__scs_overlays_trampoline_lowered:
0x8: {  	[smem:$0x3F96] =	sst s0  }
0x9: {  	[smem:$0x3F97] =	sst s1  }
0xa: {  	[smem:$0x3F98] =	sst s2  }
0xb: {  	[smem:$0x3F99] =	sst s3  }
0xc: {  	[smem:$0x3F9A] =	sst s4  }
0xd: {  	[smem:$0x3F9B] =	sst s5  }
0xe: {  	[smem:$0x3F9C] =	sst s6  }
0xf: {  	[smem:$0x3F9D] =	sst s7  }
0x10: {  	[smem:$0x3F9E] =	sst s8  }
0x11: {  	[smem:$0x3F9F] =	sst s9;
	s0 =	simm.s32 @!p0 $0x0  }
0x12: {  	s1 =	sld [smem:$0x3F85];
	s0 =	simm.s32 @p0 $0x1  }
0x13: {  	[smem:$0x3FA0] =	sst s0;
	s0 =	simm.s32 @!p1 $0x0  }
0x14: {  	s2 =	sld [smem:$0x3F84];
	s0 =	simm.s32 @p1 $0x1  }
0x15: {  	[smem:$0x3FA1] =	sst s0;
	s0 =	simm.s32 @!p2 $0x0  }
0x16: {  	s3 =	sld [smem:$0x3FDB];
	s0 =	simm.s32 @p2 $0x1  }
0x17: {  	s4 =	simm.s32 $0x1BF5;
	[smem:$0x3FA3] =	sst s0  }
0x18: {  	s0 =	sld [smem:$0x3F86];
	_ =	swait.ge [sflag:s4], $0x0  }
0x19: {  	s7 =	sld [smem:$0x3F87]  }
0x1a: {  	s8 =	sadd.s32 $0xFFFFE003, lr  }
0x1b: {  	s9 =	sadd.s32 $0xFFFFFEF7, lr;
	s5 =	simm.s32 $0xFFFFFFFF;
	p2 =	slt.u32 s8, $0xFFFFF086  }
0x1c: {  	p1 =	slt.u32 s9, $0xF7A;
	s5 =	simm.s32 @!p2 $0x0  }
0x1d: {  	s5 =	simm.s32 @p1 $0x1;
	p0 =	seq.s32 s7, s2  }
0x1e: {  	s7 =	smul.u32 @!p0 $0xF7A, s2;
	p2 =	seq.s32 @!p0 s5, $0x0  }
0x1f: {  	s9 =	smul.u32 $0xF7A, s1;
	s8 =	simm.s32 @!p0 $0x1BF5;
	p2 =	por !p2, p0  }
0x20: {  	[sflag:s8] =	ssyncset.s32 @!p0 $0xFFFFF086;
	s6 =	sadd.s32 @!p0 s3, s7;
	s7 =	simm.s32 @!p0 $0x108  }
0x21: {  	s3 =	sadd.s32 s3, s9;
	s6 =	sadd.s32 @!p0 $0x88, s6;
	s7 =	simm.s32 @p2 $0x1082  }
0x22: {  	[simem:s7], [sflag:s8] =	dma.local @!p0 [hbm:s6], $0xF7A  }
0x23: {  	s9 =	sor.u32 $0xD0000000, s2;
	s6 =	simm.s32 $0x108;
	_ =	swait.ge @!p0 [sflag:s8], $0x0  }
0x24: {  	s3 =	sadd.s32 $0x88, s3;
	s6 =	simm.s32 @!p1 $0x1082;
	[sflag:s4] =	ssyncset.s32 $0xFFFFF086  }
0x25: {  	[simem:s6], [sflag:s4] =	dma.local [hbm:s3], $0xF7A  }
0x26: {  	[smem:$0x3F87] =	sst s1;
	(tag) =	ssettag s2;
	_ =	strace s9  }
0x27: {  	s1 =	sld [smem:$0x3F97]  }
0x28: {  	s2 =	sld [smem:$0x3F98]  }
0x29: {  	s4 =	sld [smem:$0x3F9A]  }
0x2a: {  	p0 =	seq.s32 s5, $0x0;
	s5 =	sld [smem:$0x3F9B]  }
0x2b: {  	s6 =	sld [smem:$0x3F9C]  }
0x2c: {  	s7 =	sld [smem:$0x3F9D]  }
0x2d: {  	s3 =	simm.s32 $0x108;
	s8 =	sld [smem:$0x3F9E]  }
0x2e: {  	s3 =	simm.s32 @!p0 $0x1082;
	s9 =	sld [smem:$0x3F9F]  }
0x2f: {  	lr =	sadd.s32 s0, s3;
	s0 =	sld [smem:$0x3F96]  }
0x30: {  	s3 =	sld [smem:$0x3F99]  }
0x31: {  	[smem:$0x3FA2] =	sst s10  }
0x32: {  	s10 =	sld [smem:$0x3FA0];
	_ =	sdelay $0x3  }
0x33: {  	p0 =	seq.s32 s10, $0x1;
	s10 =	sld [smem:$0x3FA2];
	_ =	sdelay $0x3  }
0x34: {  	[smem:$0x3FA2] =	sst s10  }
0x35: {  	s10 =	sld [smem:$0x3FA1];
	_ =	sdelay $0x3  }
0x36: {  	p1 =	seq.s32 s10, $0x1;
	s10 =	sld [smem:$0x3FA2];
	_ =	sdelay $0x3  }
0x37: {  	[smem:$0x3FA2] =	sst s10  }
0x38: {  	s10 =	sld [smem:$0x3FA3]  }
0x39: {  	_ = 	snop;
	(pc) =	sbr.ind lr, $3  }
0x3a: {  	_ = 	snop  }
0x3b: {  	_ = 	snop  }
0x3c: {  	p2 =	seq.s32 s10, $0x1;
	s10 =	sld [smem:$0x3FA2]  }
0x3d: {  	_ =	shalt  }
0x3e: {  	_ =	shalt  }
0x3f: {  	_ =	shalt  }
0x40: {  	_ =	shalt  }
0x41: {  	_ =	shalt  }
0x42: {  	_ =	shalt  }
0x43: {  	_ =	shalt  }
0x44: {  	_ =	shalt  }
0x45: {  	_ =	shalt  }
0x46: {  	_ =	shalt  }
0x47: {  	_ =	shalt  }
0x48: {  	_ =	shalt  }
0x49: {  	_ =	shalt  }
0x4a: {  	_ =	shalt  }
0x4b: {  	_ =	shalt  }
0x4c: {  	_ =	shalt  }
0x4d: {  	_ =	shalt  }
0x4e: {  	_ =	shalt  }
0x4f: {  	_ =	shalt  }
0x50: {  	_ =	shalt  }
0x51: {  	_ =	shalt  }
0x52: {  	_ =	shalt  }
0x53: {  	_ =	shalt  }
0x54: {  	_ =	shalt  }
0x55: {  	_ =	shalt  }
0x56: {  	_ =	shalt  }
0x57: {  	_ =	shalt  }
0x58: {  	_ =	shalt  }
0x59: {  	_ =	shalt  }
0x5a: {  	_ =	shalt  }
0x5b: {  	_ =	shalt  }
0x5c: {  	_ =	shalt  }
0x5d: {  	_ =	shalt  }
0x5e: {  	_ =	shalt  }
0x5f: {  	_ =	shalt  }
0x60: {  	_ =	shalt  }
0x61: {  	_ =	shalt  }
0x62: {  	_ =	shalt  }
0x63: {  	_ =	shalt  }
0x64: {  	_ =	shalt  }
0x65: {  	_ =	shalt  }
0x66: {  	_ =	shalt  }
0x67: {  	_ =	shalt  }
0x68: {  	_ =	shalt  }
0x69: {  	_ =	shalt  }
0x6a: {  	_ =	shalt  }
0x6b: {  	_ =	shalt  }
0x6c: {  	_ =	shalt  }
0x6d: {  	_ =	shalt  }
0x6e: {  	_ =	shalt  }
0x6f: {  	_ =	shalt  }
0x70: {  	_ =	shalt  }
0x71: {  	_ =	shalt  }
0x72: {  	_ =	shalt  }
0x73: {  	_ =	shalt  }
0x74: {  	_ =	shalt  }
0x75: {  	_ =	shalt  }
0x76: {  	_ =	shalt  }
0x77: {  	_ =	shalt  }
0x78: {  	_ =	shalt  }
0x79: {  	_ =	shalt  }
0x7a: {  	_ =	shalt  }
0x7b: {  	_ =	shalt  }
0x7c: {  	_ =	shalt  }
0x7d: {  	_ =	shalt  }
0x7e: {  	_ =	shalt  }
0x7f: {  	_ =	shalt  }
0x80: {  	_ =	shalt  }
0x81: {  	_ =	shalt  }
0x82: {  	_ =	shalt  }
0x83: {  	_ =	shalt  }
0x84: {  	_ =	shalt  }
0x85: {  	_ =	shalt  }
0x86: {  	_ =	shalt  }
0x87: {  	_ =	shalt  }
.Lfunc_end0:
.L_simem_size_0:
called_computation_lowered:
.L_overlay_start_0:
0x88: {  	s2 =	sld [smem:$0x3FD9]  }
0x89: {  	s3 =	sld [smem:$0x3FFE];
	_ =	sdelay $0x1  }
0x8a: {  	s1 =	srdreg.scid  }
0x8b: {  	s0 =	sand.u32 $0x1, s1  }
0x8c: {  	s16 =	sshll.u32 s0, $0xA;
	s2 =	sadd.s32 s3, s2  }
0x8d: {  	s2 =	sadd.s32 s2, s16  }
0x8e: {  	[smem:$0x3FAE] =	sst s2  }
0x8f: {  	_ = 	snop  }
0x90: {  	(tm) =	ssettm $0x1  }
0x91: {  	s17 =	sld [smem:$0x3FFB];
	_ =	sdelay $0x3  }
0x92: {  	_ =	strace s17  }
0x93: {  	s2 =	sld [smem:$0x3FFC];
	_ =	sdelay $0x3  }
0x94: {  	_ =	strace s2  }
0x95: {  	s2 =	sld [smem:$0x3FFD];
	_ =	sdelay $0x3  }
0x96: {  	_ =	strace s2  }
0x97: {  	_ =	strace $0x8FFFFFFF  }
0x98: {  	s18 =	sld [smem:$0x3FDB];
	_ =	sdelay $0x1  }
0x99: {  	s19 =	simm.s32 $_scs_section_size  }
0x9a: {  	s4 =	simm.s32 $_size__tile_overlayer_lowered;
	s5 =	simm.s32 $_tile_overlayer_lowered  }
0x9b: {  	s22 =	simm.s32 $0x1BFF;
	s21 =	sshll.u32 s5, $0x1;
	s2 =	sadd.s32 s19, s18  }
0x9c: {  	s6 =	simm.s32 $0x0;
	s20 =	sshll.u32 s4, $0x1;
	s4 =	sadd.s32 s21, s2  }
0x9d: {  	[timem:s6], [sflag:s22] =	dma.local [hbm:s4], s20  }
0x9e: {  	_ =	swait.ge [sflag:s22], s20  }
0x9f: {  	s3 =	ssub.s32 $0x0, s20;
	[sflag:s22] =	ssyncset.done $0x0  }
0xa0: {  	[sflag:s22] =	ssyncadd.s32 s3;
	_ =	sdelay $0x1  }
0xa1: {  	s23 =	simm.s32 $0x1B8B  }
0xa2: {  	_ =	swait.ge [sflag:s23], $0x1  }
0xa3: {  	[sflag:s23] =	ssyncset.done $0x0  }
0xa4: {  	s25 =	simm.s32 $0x1B8E;
	s24 =	sld [smem:$0x3FFE];
	[sflag:s23] =	ssyncadd.s32 $0xFFFFFFFF  }
0xa5: {  	s26 =	simm.s32 $execute0_lowered;
	[smem:$0x3FD2] =	sst s25  }
0xa6: {  	s4 =	sshll.u32 s26, $0x1;
	_ =	strace $0x80000046;
	[dreg:$0x1] =	wrdreg $0xFFFFFFFF  }
0xa7: {  	s28 =	simm.s32 $_size_execute0_lowered;
	s2 =	sadd.s32 s2, s4;
	[dreg:$0x0] =	wrdreg $0x0  }
0xa8: {  	s4 =	sshll.u32 s28, $0x1;
	[dreg:$0x2] =	wrdreg s2  }
0xa9: {  	[dreg:$0x3] =	wrdreg s4  }
0xaa: {  	[dreg:$0x4] =	wrdreg $0xC0  }
0xab: {  	_ =	task [dreg:s6], $0x5FFFF  }
0xac: {  	[dreg:$0x1] =	wrdreg $0xFFFFFFFF  }
0xad: {  	[dreg:$0x0] =	wrdreg $0x60  }
0xae: {  	[dreg:$0x2] =	wrdreg s24  }
0xaf: {  	[dreg:$0x3] =	wrdreg $0x9  }
0xb0: {  	_ =	task.clear_ibuf [dreg:s6], $0x4FFFF;
	_ =	strace $0x90000046  }
0xb1: {  	s29 =	simm.s32 $0x9;
	_ =	strace $0x80000048  }
0xb2: {  	_ =	swait.ge [sflag:s29], $0x1  }
0xb3: {  	[sflag:s29] =	ssyncadd.s32 $0xFFFFFFFF  }
0xb4: {  	_ =	strace $0x90000048  }
0xb5: {  	_ =	sfence  }
0xb6: {  	s30 =	sld [smem:$0x0];
	_ =	sdelay $0x2  }
0xb7: {  	s31 =	sshll.u32 s1, $0xD;
	s1 =	sshrl.u32 s1, $0x2  }
0xb8: {  	s3 =	sand.u32 $0x4000, s31;
	s1 =	sadd.s32 s1, s30  }
0xb9: {  	s0 =	sor.u32 s3, s0;
	s1 =	sshll.u32 s1, $0x11  }
0xba: {  	s0 =	sor.u32 s1, s0  }
0xbb: {  	s0 =	sadd.s32 $0x8F2B, s0  }
0xbc: {  	[sflag:s0] =	ssyncadd.remote.s32 $0x1  }
0xbd: {  	_ =	sfence.sel $0xFFFF  }
0xbe: {  	[dreg:$0x0] =	wrdreg $0xFFFFFFFF;
	(pc) =	sbr.abs _section_cstart, $3  }
0xbf: {  	[dreg:$0x1] =	wrdreg $0xFFFFFFFF  }
0xc0: {  	_ =	task.clear_ibuf [dreg:s6], $0x2FFFF;
	_ =	strace $0x9FFFFFFF  }
0xc1: {  	(tm) =	ssettm $0x7FFFFFFF  }
tec
execute0_lowered:
.L_overlay_start_1:
0x0: {  	(tag) =	ssettag $0x1  }
0x1: {  	s0 =	srdreg.scid  }
0x2: {  	s4 =	rddreg [dreg:$0x0];
	s1 =	stileid.u32;
	s2 =	simm.s32 $0x0  }
0x3: {  	s11 =	simm.s32 $0x2780;
	s3 =	sand.u32 $0x1, s0;
	s0 =	rddreg [dreg:$0x1]  }
0x4: {  	s12 =	simm.s32 $0x0;
	[smem:$0x7FF] =	sst s2;
	s5 =	sshll.u32 s3, $0x4  }
0x5: {  	s7 =	sadd.s32 $0x18400, s4;
	s8 =	ssub.s32 $0x2, s3;
	s5 =	sor.u32 s1, s5  }
0x6: {  	_ =	strace $0x80000047;
	s9 =	sshrl.u32 s8, $0x1;
	s6 =	smul.u32 $0x2780, s5  }
0x7: {  	s3 =	sadd.s32 $0x4A00, s4;
	s10 =	smul.u32 $0x4F0, s5;
	s8 =	ssub.s32 s8, s9  }
0x8: {  	s4 =	smul.u32 $0x2710, s5;
	s9 =	simm.s32 $0x1;
	s6 =	sshrl.u32 s6, $0x3  }
0x9: {  	s5 =	sadd.s32 s7, s10;
	s10 =	simm.s32 $0x5700;
	s6 =	sadd.s32 s7, s6  }
0xa: {  	v0 =	vimm.f32 $0.0e+00;
	v1 =	vimm.f32 $1.000000000e+00;
	s7 =	smax.u32 s8, $0x1;
	s8 =	simm.s32 $0x4F00;
	s6 =	sadd.s32 $0x9E00, s6  }
.LBB2_1:
0xb: {  	s13 =	simm.s32 $0x40;
	s14 =	simm.s32 $0x0  }
.LBB2_2:
0xc: {  	p0 =	sne.s32 s13, $0x13BC0;
	[tilespmem:s14+$0x0] =	vst v0;
	s14 =	smov.u32 s13;
	s13 =	sadd.s32 $0x40, s13  }
.Ltmp0:
0xd: {  	(pc) =	sbr.rel @p0 .LBB2_2-.Ltmp0, $2  }
0xe: {  	_ =	sdelay $0x2  }
0xf: {  	s14 =	sshra.s32 s14, $0x2  }
0x10: {  	[tilespmem:s14+$0x0] =	vst v0;
	s13 =	simm.s32 $0x0;
	s14 =	simm.s32 $0x0  }
.LBB2_4:
0x11: {  	s15 =	smul.u32 $0x7D0, s14;
	_ =	sdelay $0x1  }
0x12: {  	s15 =	sadd.s32 s4, s15  }
0x13: {  	s15 =	sshrl.u32 s15, $0x3  }
0x14: {  	s15 =	sadd.s32 s3, s15  }
0x15: {  	[tilespmem:s8], [sflag:$0x1] =	stream.linear.gather [hbm4b:s15+s13], $0x7D0, $0x38;
	[tilespmem:$0x5F00] =	vst v63  }
0x16: {  	_ =	swait.ge [sflag:s9], $0x7D0  }
0x17: {  	[sflag:s9] =	ssyncset.done $0x0  }
0x18: {  	s15 =	sadd.s32 $0x9C40, s15;
	[sflag:s9] =	ssyncadd.s32 $0xFFFFF830  }
0x19: {  	[tilespmem:s10], [sflag:$0x1] =	stream.linear.gather [hbm4b:s15+s13], $0x7D0, $0x38;
	[tilespmem:$0x5F00] =	vst v63  }
0x1a: {  	_ =	swait.ge [sflag:s9], $0x7D0  }
0x1b: {  	[sflag:s9] =	ssyncset.done $0x0  }
0x1c: {  	s15 =	simm.s32 $0x0;
	[sflag:s9] =	ssyncadd.s32 $0xFFFFF830  }
.LBB2_5:
0x1d: {  	s16 =	sshra.s32 s15, $0x2  }
0x1e: {  	v2 =	vld [tilespmem:s16+$0x4F00];
	_ =	sdelay $0x7  }
0x1f: {  	[tilespmem:v2+s2+$0x0] =	vst.idx.add.f32.msk $0xffff, v1  }
0x20: {  	v2 =	vld [tilespmem:s16+$0x5700];
	_ =	sdelay $0x4  }
0x21: {  	p0 =	sne.s32 s15, $0x1F00;
	v2 =	vadd.s32 $0x2780, v2  }
.Ltmp1:
0x22: {  	_ = 	snop;
	(pc) =	sbr.rel @p0 .LBB2_5-.Ltmp1, $2  }
0x23: {  	_ =	sdelay $0x2  }
0x24: {  	s15 =	sadd.s32 $0x40, s15;
	[tilespmem:v2+s2+$0x0] =	vst.idx.add.f32.msk $0xffff, v1  }
0x25: {  	s14 =	sadd.s32 $0x1, s14  }
0x26: {  	p0 =	sne.s32 s14, $0x5  }
.Ltmp2:
0x27: {  	_ = 	snop;
	(pc) =	sbr.rel @p0 .LBB2_4-.Ltmp2, $1  }
0x28: {  	_ =	sdelay $0x3  }
0x29: {  	[hbm4b:s5+s2] =	stream.linear.scatter [tilespmem:s2], [sflag:$0x1], $0x2780, $0x38;
	[tilespmem:$0x5F00] =	vst v63  }
0x2a: {  	s12 =	sadd.s32 $0x1, s12;
	_ =	swait.ge [sflag:s9], $0x2780  }
0x2b: {  	p0 =	sne.s32 s12, s7;
	[sflag:s9] =	ssyncset.done $0x0  }
.Ltmp3:
0x2c: {  	[sflag:s9] =	ssyncadd.s32 $0xFFFFD880;
	(pc) =	sbr.rel @p0 .LBB2_1-.Ltmp3, $4  }
0x2d: {  	[hbm4b:s6+s2] =	stream.linear.scatter [tilespmem:s11], [sflag:$0x1], $0x2780, $0x38;
	[tilespmem:$0x5F00] =	vst v63  }
0x2e: {  	_ =	swait.ge [sflag:s9], $0x2780  }
0x2f: {  	[sflag:s9] =	ssyncset.done $0x0  }
0x30: {  	[sflag:s9] =	ssyncadd.s32 $0xFFFFD880  }
0x31: {  	_ =	sfence.sel $0x180000  }
0x32: {  	[bflag:$0x0] =	sbarrier.arrive $0xFFFF  }
0x33: {  	p0 =	sne.s32 s1, $0x0;
	_ =	strace $0x90000047  }
0x34: {  	s0 =	sadd.s32 @!p0 $0x100000, s0;
	[bflag:$0x2] =	sbarrier.arrive $0xFFFF  }
0x35: {  	[sflag:s0] =	ssyncadd.tile.s32 @!p0 $0x1;
	_ =	shalt  }
.Lfunc_end2:
_tile_overlayer_lowered:
.L_overlay_start_2:
0x36: {  	(tag) =	ssettag $0x2  }
0x37: {  	s0 =	rddreg [dreg:$0x0];
	s2 =	stileid.u32  }
0x38: {  	s1 =	rddreg [dreg:$0x1];
	p0 =	sne.s32 s2, $0x0  }
0x39: {  	s3 =	rddreg [dreg:$0x2];
	[bflag:$0x3] =	sbarrier.arrive $0xFFFF;
	s2 =	simm.s32 @!p0 $0x1C01  }
0x3a: {  	[timem:s3], [sflag:s2] =	dma.local @!p0 [hbm:s0], s1  }
0x3b: {  	s0 =	simm.s32 @!p0 $0x1  }
0x3c: {  	_ =	swait.ge @!p0 [sflag:s0], s1  }
0x3d: {  	s1 =	ssub.s32 @!p0 $0x0, s1;
	[sflag:s0] =	ssyncset.done @!p0 $0x0  }
0x3e: {  	[sflag:s0] =	ssyncadd.s32 @!p0 s1  }
0x3f: {  	[bflag:$0x3] =	sbarrier.arrive $0xFFFF  }
0x40: {  	_ =	shalt  }

// kernel: kernel.15.cloned.1.call-start
scs
__scs_entry_jumppad:
0x0: {  	(pc) =	sbr.rel $0x88, $3  }
0x1: {  	(tag) =	ssettag $0x0;
	lr =	simm.s32 $0x1  }
0x2: {  	[smem:$0x3F87] =	sst lr;
	_ =	strace $0xD0000000  }
0x3: {  	_ = 	snop  }
0x4: {  	_ = 	snop  }
0x5: {  	_ = 	snop  }
0x6: {  	_ = 	snop  }
0x7: {  	_ = 	snop  }
__scs_overlays_trampoline_lowered:
0x8: {  	[smem:$0x3F96] =	sst s0  }
0x9: {  	[smem:$0x3F97] =	sst s1  }
0xa: {  	[smem:$0x3F98] =	sst s2  }
0xb: {  	[smem:$0x3F99] =	sst s3  }
0xc: {  	[smem:$0x3F9A] =	sst s4  }
0xd: {  	[smem:$0x3F9B] =	sst s5  }
0xe: {  	[smem:$0x3F9C] =	sst s6  }
0xf: {  	[smem:$0x3F9D] =	sst s7  }
0x10: {  	[smem:$0x3F9E] =	sst s8  }
0x11: {  	[smem:$0x3F9F] =	sst s9;
	s0 =	simm.s32 @!p0 $0x0  }
0x12: {  	s1 =	sld [smem:$0x3F85];
	s0 =	simm.s32 @p0 $0x1  }
0x13: {  	[smem:$0x3FA0] =	sst s0;
	s0 =	simm.s32 @!p1 $0x0  }
0x14: {  	s2 =	sld [smem:$0x3F84];
	s0 =	simm.s32 @p1 $0x1  }
0x15: {  	[smem:$0x3FA1] =	sst s0;
	s0 =	simm.s32 @!p2 $0x0  }
0x16: {  	s3 =	sld [smem:$0x3FDB];
	s0 =	simm.s32 @p2 $0x1  }
0x17: {  	s4 =	simm.s32 $0x1BF5;
	[smem:$0x3FA3] =	sst s0  }
0x18: {  	s0 =	sld [smem:$0x3F86];
	_ =	swait.ge [sflag:s4], $0x0  }
0x19: {  	s7 =	sld [smem:$0x3F87]  }
0x1a: {  	s8 =	sadd.s32 $0xFFFFE003, lr  }
0x1b: {  	s9 =	sadd.s32 $0xFFFFFEF7, lr;
	s5 =	simm.s32 $0xFFFFFFFF;
	p2 =	slt.u32 s8, $0xFFFFF086  }
0x1c: {  	p1 =	slt.u32 s9, $0xF7A;
	s5 =	simm.s32 @!p2 $0x0  }
0x1d: {  	s5 =	simm.s32 @p1 $0x1;
	p0 =	seq.s32 s7, s2  }
0x1e: {  	s7 =	smul.u32 @!p0 $0xF7A, s2;
	p2 =	seq.s32 @!p0 s5, $0x0  }
0x1f: {  	s9 =	smul.u32 $0xF7A, s1;
	s8 =	simm.s32 @!p0 $0x1BF5;
	p2 =	por !p2, p0  }
0x20: {  	[sflag:s8] =	ssyncset.s32 @!p0 $0xFFFFF086;
	s6 =	sadd.s32 @!p0 s3, s7;
	s7 =	simm.s32 @!p0 $0x108  }
0x21: {  	s3 =	sadd.s32 s3, s9;
	s6 =	sadd.s32 @!p0 $0x88, s6;
	s7 =	simm.s32 @p2 $0x1082  }
0x22: {  	[simem:s7], [sflag:s8] =	dma.local @!p0 [hbm:s6], $0xF7A  }
0x23: {  	s9 =	sor.u32 $0xD0000000, s2;
	s6 =	simm.s32 $0x108;
	_ =	swait.ge @!p0 [sflag:s8], $0x0  }
0x24: {  	s3 =	sadd.s32 $0x88, s3;
	s6 =	simm.s32 @!p1 $0x1082;
	[sflag:s4] =	ssyncset.s32 $0xFFFFF086  }
0x25: {  	[simem:s6], [sflag:s4] =	dma.local [hbm:s3], $0xF7A  }
0x26: {  	[smem:$0x3F87] =	sst s1;
	(tag) =	ssettag s2;
	_ =	strace s9  }
0x27: {  	s1 =	sld [smem:$0x3F97]  }
0x28: {  	s2 =	sld [smem:$0x3F98]  }
0x29: {  	s4 =	sld [smem:$0x3F9A]  }
0x2a: {  	p0 =	seq.s32 s5, $0x0;
	s5 =	sld [smem:$0x3F9B]  }
0x2b: {  	s6 =	sld [smem:$0x3F9C]  }
0x2c: {  	s7 =	sld [smem:$0x3F9D]  }
0x2d: {  	s3 =	simm.s32 $0x108;
	s8 =	sld [smem:$0x3F9E]  }
0x2e: {  	s3 =	simm.s32 @!p0 $0x1082;
	s9 =	sld [smem:$0x3F9F]  }
0x2f: {  	lr =	sadd.s32 s0, s3;
	s0 =	sld [smem:$0x3F96]  }
0x30: {  	s3 =	sld [smem:$0x3F99]  }
0x31: {  	[smem:$0x3FA2] =	sst s10  }
0x32: {  	s10 =	sld [smem:$0x3FA0];
	_ =	sdelay $0x3  }
0x33: {  	p0 =	seq.s32 s10, $0x1;
	s10 =	sld [smem:$0x3FA2];
	_ =	sdelay $0x3  }
0x34: {  	[smem:$0x3FA2] =	sst s10  }
0x35: {  	s10 =	sld [smem:$0x3FA1];
	_ =	sdelay $0x3  }
0x36: {  	p1 =	seq.s32 s10, $0x1;
	s10 =	sld [smem:$0x3FA2];
	_ =	sdelay $0x3  }
0x37: {  	[smem:$0x3FA2] =	sst s10  }
0x38: {  	s10 =	sld [smem:$0x3FA3]  }
0x39: {  	_ = 	snop;
	(pc) =	sbr.ind lr, $3  }
0x3a: {  	_ = 	snop  }
0x3b: {  	_ = 	snop  }
0x3c: {  	p2 =	seq.s32 s10, $0x1;
	s10 =	sld [smem:$0x3FA2]  }
0x3d: {  	_ =	shalt  }
0x3e: {  	_ =	shalt  }
0x3f: {  	_ =	shalt  }
0x40: {  	_ =	shalt  }
0x41: {  	_ =	shalt  }
0x42: {  	_ =	shalt  }
0x43: {  	_ =	shalt  }
0x44: {  	_ =	shalt  }
0x45: {  	_ =	shalt  }
0x46: {  	_ =	shalt  }
0x47: {  	_ =	shalt  }
0x48: {  	_ =	shalt  }
0x49: {  	_ =	shalt  }
0x4a: {  	_ =	shalt  }
0x4b: {  	_ =	shalt  }
0x4c: {  	_ =	shalt  }
0x4d: {  	_ =	shalt  }
0x4e: {  	_ =	shalt  }
0x4f: {  	_ =	shalt  }
0x50: {  	_ =	shalt  }
0x51: {  	_ =	shalt  }
0x52: {  	_ =	shalt  }
0x53: {  	_ =	shalt  }
0x54: {  	_ =	shalt  }
0x55: {  	_ =	shalt  }
0x56: {  	_ =	shalt  }
0x57: {  	_ =	shalt  }
0x58: {  	_ =	shalt  }
0x59: {  	_ =	shalt  }
0x5a: {  	_ =	shalt  }
0x5b: {  	_ =	shalt  }
0x5c: {  	_ =	shalt  }
0x5d: {  	_ =	shalt  }
0x5e: {  	_ =	shalt  }
0x5f: {  	_ =	shalt  }
0x60: {  	_ =	shalt  }
0x61: {  	_ =	shalt  }
0x62: {  	_ =	shalt  }
0x63: {  	_ =	shalt  }
0x64: {  	_ =	shalt  }
0x65: {  	_ =	shalt  }
0x66: {  	_ =	shalt  }
0x67: {  	_ =	shalt  }
0x68: {  	_ =	shalt  }
0x69: {  	_ =	shalt  }
0x6a: {  	_ =	shalt  }
0x6b: {  	_ =	shalt  }
0x6c: {  	_ =	shalt  }
0x6d: {  	_ =	shalt  }
0x6e: {  	_ =	shalt  }
0x6f: {  	_ =	shalt  }
0x70: {  	_ =	shalt  }
0x71: {  	_ =	shalt  }
0x72: {  	_ =	shalt  }
0x73: {  	_ =	shalt  }
0x74: {  	_ =	shalt  }
0x75: {  	_ =	shalt  }
0x76: {  	_ =	shalt  }
0x77: {  	_ =	shalt  }
0x78: {  	_ =	shalt  }
0x79: {  	_ =	shalt  }
0x7a: {  	_ =	shalt  }
0x7b: {  	_ =	shalt  }
0x7c: {  	_ =	shalt  }
0x7d: {  	_ =	shalt  }
0x7e: {  	_ =	shalt  }
0x7f: {  	_ =	shalt  }
0x80: {  	_ =	shalt  }
0x81: {  	_ =	shalt  }
0x82: {  	_ =	shalt  }
0x83: {  	_ =	shalt  }
0x84: {  	_ =	shalt  }
0x85: {  	_ =	shalt  }
0x86: {  	_ =	shalt  }
0x87: {  	_ =	shalt  }
.Lfunc_end0:
.L_simem_size_0:
called_computation.1_lowered:
.L_overlay_start_0:
0x88: {  	s2 =	sld [smem:$0x3FD9]  }
0x89: {  	s3 =	sld [smem:$0x3FFE];
	_ =	sdelay $0x1  }
0x8a: {  	s1 =	srdreg.scid  }
0x8b: {  	s0 =	sand.u32 $0x1, s1  }
0x8c: {  	s16 =	sshll.u32 s0, $0xA;
	s2 =	sadd.s32 s3, s2  }
0x8d: {  	s2 =	sadd.s32 s2, s16  }
0x8e: {  	[smem:$0x3FAE] =	sst s2  }
0x8f: {  	_ = 	snop  }
0x90: {  	(tm) =	ssettm $0x1  }
0x91: {  	s17 =	sld [smem:$0x3FFB];
	_ =	sdelay $0x3  }
0x92: {  	_ =	strace s17  }
0x93: {  	s2 =	sld [smem:$0x3FFC];
	_ =	sdelay $0x3  }
0x94: {  	_ =	strace s2  }
0x95: {  	s2 =	sld [smem:$0x3FFD];
	_ =	sdelay $0x3  }
0x96: {  	_ =	strace s2  }
0x97: {  	_ =	strace $0x8FFFFFFF  }
0x98: {  	s18 =	sld [smem:$0x3FDB];
	_ =	sdelay $0x1  }
0x99: {  	s19 =	simm.s32 $_scs_section_size  }
0x9a: {  	s4 =	simm.s32 $_size__tile_overlayer_lowered;
	s5 =	simm.s32 $_tile_overlayer_lowered  }
0x9b: {  	s22 =	simm.s32 $0x1BFF;
	s21 =	sshll.u32 s5, $0x1;
	s2 =	sadd.s32 s19, s18  }
0x9c: {  	s6 =	simm.s32 $0x0;
	s20 =	sshll.u32 s4, $0x1;
	s4 =	sadd.s32 s21, s2  }
0x9d: {  	[timem:s6], [sflag:s22] =	dma.local [hbm:s4], s20  }
0x9e: {  	_ =	swait.ge [sflag:s22], s20  }
0x9f: {  	s3 =	ssub.s32 $0x0, s20;
	[sflag:s22] =	ssyncset.done $0x0  }
0xa0: {  	[sflag:s22] =	ssyncadd.s32 s3;
	_ =	sdelay $0x1  }
0xa1: {  	s23 =	simm.s32 $0x1B8B  }
0xa2: {  	_ =	swait.ge [sflag:s23], $0x1  }
0xa3: {  	[sflag:s23] =	ssyncset.done $0x0  }
0xa4: {  	s25 =	simm.s32 $0x1B8E;
	s24 =	sld [smem:$0x3FFE];
	[sflag:s23] =	ssyncadd.s32 $0xFFFFFFFF  }
0xa5: {  	s26 =	simm.s32 $execute0_lowered;
	[smem:$0x3FD2] =	sst s25  }
0xa6: {  	s4 =	sshll.u32 s26, $0x1;
	_ =	strace $0x80000049;
	[dreg:$0x1] =	wrdreg $0xFFFFFFFF  }
0xa7: {  	s28 =	simm.s32 $_size_execute0_lowered;
	s2 =	sadd.s32 s2, s4;
	[dreg:$0x0] =	wrdreg $0x0  }
0xa8: {  	s4 =	sshll.u32 s28, $0x1;
	[dreg:$0x2] =	wrdreg s2  }
0xa9: {  	[dreg:$0x3] =	wrdreg s4  }
0xaa: {  	[dreg:$0x4] =	wrdreg $0xC0  }
0xab: {  	_ =	task [dreg:s6], $0x5FFFF  }
0xac: {  	[dreg:$0x1] =	wrdreg $0xFFFFFFFF  }
0xad: {  	[dreg:$0x0] =	wrdreg $0x60  }
0xae: {  	[dreg:$0x2] =	wrdreg s24  }
0xaf: {  	[dreg:$0x3] =	wrdreg $0x0  }
0xb0: {  	[dreg:$0x4] =	wrdreg $0x9  }
0xb1: {  	_ =	task.clear_ibuf [dreg:s6], $0x5FFFF;
	_ =	strace $0x90000049  }
0xb2: {  	s29 =	simm.s32 $0x9;
	_ =	strace $0x8000004B  }
0xb3: {  	_ =	swait.ge [sflag:s29], $0x1  }
0xb4: {  	[sflag:s29] =	ssyncadd.s32 $0xFFFFFFFF  }
0xb5: {  	_ =	strace $0x9000004B  }
0xb6: {  	_ =	sfence  }
0xb7: {  	s30 =	sld [smem:$0x0];
	_ =	sdelay $0x2  }
0xb8: {  	s31 =	sshll.u32 s1, $0xD;
	s1 =	sshrl.u32 s1, $0x2  }
0xb9: {  	s3 =	sand.u32 $0x4000, s31;
	s1 =	sadd.s32 s1, s30  }
0xba: {  	s0 =	sor.u32 s3, s0;
	s1 =	sshll.u32 s1, $0x11  }
0xbb: {  	s0 =	sor.u32 s1, s0  }
0xbc: {  	s0 =	sadd.s32 $0x8F2B, s0  }
0xbd: {  	[sflag:s0] =	ssyncadd.remote.s32 $0x1  }
0xbe: {  	_ =	sfence.sel $0xFFFF  }
0xbf: {  	[dreg:$0x0] =	wrdreg $0xFFFFFFFF;
	(pc) =	sbr.abs _section_cstart, $3  }
0xc0: {  	[dreg:$0x1] =	wrdreg $0xFFFFFFFF  }
0xc1: {  	_ =	task.clear_ibuf [dreg:s6], $0x2FFFF;
	_ =	strace $0x9FFFFFFF  }
0xc2: {  	(tm) =	ssettm $0x7FFFFFFF  }
0xc3: {  	_ =	shalt  }
tec
execute0_lowered:
.L_overlay_start_1:
0x0: {  	(tag) =	ssettag $0x1  }
0x1: {  	s0 =	rddreg [dreg:$0x0]  }
0x2: {  	s2 =	rddreg [dreg:$0x1]  }
0x3: {  	s11 =	stileid.u32;
	s1 =	srdreg.scid  }
0x4: {  	s3 =	simm.s32 $0x0;
	s30 =	simm.s32 $0x78;
	s6 =	smul.u32 $0x2780, s11  }
0x5: {  	s31 =	simm.s32 $0x13F00;
	s1 =	sand.u32 $0x1, s1;
	s10 =	smul.u32 $0x4F000, s11  }
0x6: {  	[smem:$0x7FF] =	sst s3;
	s4 =	sadd.s32 $0x4A00, s0;
	s15 =	smul.u32 $0x28C8, s11  }
0x7: {  	s5 =	sadd.s32 $0x2C000, s0;
	s7 =	smul.u32 $0x27800, s1;
	_ =	strace $0x8000004A  }
0x8: {  	s25 =	ssub.s32 $0x2, s1;
	s9 =	sshll.u32 s1, $0x4;
	s1 =	smul.u32 $0x28C80, s1  }
0x9: {  	s8 =	sadd.s32 s6, s0;
	s26 =	sshrl.u32 s25, $0x1;
	s9 =	sor.u32 s11, s9  }
0xa: {  	s29 =	sshrl.u32 s10, $0x2;
	s10 =	sshll.u32 s11, $0x6;
	s11 =	simm.s32 $0x3  }
0xb: {  	s6 =	sadd.s32 s6, s7;
	s28 =	smul.u32 $0x28C8, s9;
	s9 =	sadd.s32 s29, s2  }
0xc: {  	s8 =	sadd.s32 $0x40800, s8;
	s18 =	sor.u32 $0x1C0D, s10;
	s19 =	sadd.s32 s15, s1  }
0xd: {  	s10 =	simm.s32 $0x13E80;
	s0 =	sadd.s32 s6, s0;
	s6 =	ssub.s32 s25, s26  }
0xe: {  	[dreg:$0x3] =	wrdreg s8;
	s21 =	sadd.s32 $0x51AE0, s19;
	s22 =	sadd.s32 $0x1E0, s19  }
0xf: {  	s23 =	sadd.s32 $0x51A68, s19;
	s25 =	sadd.s32 $0x258, s19;
	s26 =	sadd.s32 $0x519F0, s19  }
0x10: {  	[dreg:$0x4] =	wrdreg s18;
	s12 =	sshrl.u32 s28, $0x3;
	s13 =	sadd.s32 $0x78, s28  }
0x11: {  	s7 =	sadd.s32 $0x51978, s28;
	s0 =	sadd.s32 $0x68000, s0;
	s20 =	smax.u32 s6, $0x1  }
0x12: {  	s1 =	sshrl.u32 s21, $0x3;
	s6 =	sshrl.u32 s22, $0x3;
	s24 =	sshrl.u32 s23, $0x3  }
0x13: {  	s28 =	sshrl.u32 s25, $0x3;
	s29 =	sshrl.u32 s26, $0x3;
	s21 =	sshrl.u32 s9, $0x3  }
0x14: {  	s22 =	simm.s32 $0xD;
	s25 =	simm.s32 $0x13D00;
	s26 =	simm.s32 $0x13D80  }
0x15: {  	s9 =	simm.s32 $0x4;
	s23 =	simm.s32 $0x0;
	s12 =	sadd.s32 s5, s12  }
0x16: {  	s14 =	sshrl.u32 s13, $0x3;
	s7 =	sshrl.u32 s7, $0x3;
	[dreg:$0xa] =	wrdreg s0  }
0x17: {  	[dreg:$0xb] =	wrdreg s20;
	s15 =	sadd.s32 s1, s5;
	s0 =	sadd.s32 $0x168, s19  }
0x18: {  	s19 =	sadd.s32 s28, s5;
	s20 =	sadd.s32 s29, s5;
	[dreg:$0xd] =	wrdreg s21  }
0x19: {  	s1 =	simm.s32 $0x17B00;
	s13 =	simm.s32 $0x8;
	[dreg:$0x5] =	wrdreg s12  }
0x1a: {  	s8 =	sadd.s32 s5, s14;
	s16 =	sadd.s32 $0x1E, s12;
	[dreg:$0xc] =	wrdreg s0  }
.Ltmp0:
0x1b: {  	s17 =	sadd.s32 $0xA320, s12;
	[dreg:$0x6] =	wrdreg s8;
	(pc) =	sbr.rel .LBB2_1-.Ltmp0, $4  }
0x1c: {  	s7 =	sadd.s32 s5, s7;
	s0 =	simm.s32 $0x2;
	[dreg:$0x7] =	wrdreg s16  }
0x1d: {  	s12 =	simm.s32 $0x1B700;
	s14 =	simm.s32 $0xB;
	[dreg:$0x8] =	wrdreg s17  }
0x1e: {  	[dreg:$0x9] =	wrdreg s7;
	s16 =	sadd.s32 s6, s5;
	s17 =	sadd.s32 s24, s5  }
0x1f: {  	s24 =	simm.s32 $0x13C80;
	s6 =	simm.s32 $0x7;
	s8 =	simm.s32 $0x6  }
.LBB2_4:
0x20: {  	s7 =	simm.s32 $0xC  }
0x21: {  	_ =	swait.ge [sflag:s7], $0x3C00  }
0x22: {  	[sflag:s7] =	ssyncset.done $0x0  }
0x23: {  	[sflag:s7] =	ssyncadd.s32 $0xFFFFC400  }
0x24: {  	[bflag:$0x0] =	sbarrier.arrive $0xFFFF  }
0x25: {  	s18 =	rddreg [dreg:$0x4]  }
0x26: {  	s28 =	rddreg [dreg:$0xa]  }
0x27: {  	s22 =	simm.s32 $0xD;
	s21 =	rddreg [dreg:$0xd]  }
0x28: {  	[hbm:s28], [sflag:s18] =	dma.local [spmem:s21], $0x2780  }
0x29: {  	_ =	swait.ge [sflag:s22], $0x2780  }
0x2a: {  	s23 =	rddreg [dreg:$0xe]  }
0x2b: {  	s29 =	rddreg [dreg:$0xb];
	s23 =	sadd.s32 $0x1, s23  }
0x2c: {  	p0 =	sne.s32 s23, s29  }
.Ltmp1:
0x2d: {  	_ = 	snop;
	(pc) =	sbr.rel @!p0 .LBB2_5-.Ltmp1, $3  }
0x2e: {  	_ =	sdelay $0x1  }
0x2f: {  	[sflag:s22] =	ssyncset.done $0x0  }
0x30: {  	[sflag:s22] =	ssyncadd.s32 $0xFFFFD880  }
.LBB2_1:
0x31: {  	[dreg:$0xe] =	wrdreg s23  }
0x32: {  	s7 =	rddreg [dreg:$0x3]  }
0x33: {  	[spmem:s21], [sflag:s18] =	dma.local [hbm:s7], $0x2780  }
0x34: {  	_ =	swait.ge [sflag:s22], $0x2780  }
0x35: {  	[sflag:s22] =	ssyncset.done $0x0  }
0x36: {  	[sflag:s22] =	ssyncadd.s32 $0xFFFFD880  }
0x37: {  	[bflag:$0x0] =	sbarrier.arrive $0xFFFF  }
0x38: {  	s18 =	simm.s32 $0x13C00;
	s22 =	rddreg [dreg:$0x5]  }
0x39: {  	[tilespmem:s18], [sflag:$0x1] =	stream.linear.gather [hbm4b:s22+s3], $0x78, $0x38;
	[tilespmem:$0x1F300] =	vst v63  }
0x3a: {  	s23 =	rddreg [dreg:$0x6]  }
0x3b: {  	[tilespmem:s24], [sflag:$0x2] =	stream.linear.gather [hbm4b:s23+s3], $0x78, $0x38;
	[tilespmem:$0x1F300] =	vst v63  }
0x3c: {  	s28 =	rddreg [dreg:$0x7]  }
0x3d: {  	[tilespmem:s25], [sflag:$0x3] =	stream.linear.gather [hbm4b:s28+s3], $0x78, $0x38;
	[tilespmem:$0x1F300] =	vst v63  }
0x3e: {  	s21 =	rddreg [dreg:$0x8]  }
0x3f: {  	[tilespmem:s26], [sflag:$0x4] =	stream.linear.gather [hbm4b:s21+s3], $0x78, $0x38;
	[tilespmem:$0x1F300] =	vst v63  }
0x40: {  	s22 =	rddreg [dreg:$0x9];
	s23 =	simm.s32 $0x13E00;
	s28 =	simm.s32 $0x1  }
0x41: {  	[tilespmem:s23], [sflag:$0x5] =	stream.linear.gather [hbm4b:s22+s3], $0x78, $0x38;
	[tilespmem:$0x1F300] =	vst v63  }
0x42: {  	_ =	swait.ge [sflag:s28], $0x78  }
0x43: {  	[sflag:s28] =	ssyncset.done $0x0  }
0x44: {  	[sflag:s28] =	ssyncadd.s32 $0xFFFFFF88  }
0x45: {  	[tilespmem:s31], [sflag:$0x7] =	stream.indirect.gather [hbm4b:s4+s30], $0x80, s18, s30, $0xb8;
	[tilespmem:$0x1F300] =	vst v63  }
0x46: {  	_ =	swait.ge [sflag:s0], $0x78  }
0x47: {  	[sflag:s0] =	ssyncset.done $0x0  }
0x48: {  	s18 =	simm.s32 $0x0;
	s29 =	rddreg [dreg:$0xc];
	[sflag:s0] =	ssyncadd.s32 $0xFFFFFF88  }
0x49: {  	[tilespmem:s1], [sflag:$0x8] =	stream.indirect.gather [hbm4b:s4+s30], $0x80, s24, s30, $0xb8;
	[tilespmem:$0x1F300] =	vst v63  }
.LBB2_2:
0x4a: {  	_ =	swait.ge [sflag:s6], $0x3C00;
	p0 =	seq.s32 s18, $0x4EC  }
0x4b: {  	[sflag:s6] =	ssyncset.done $0x0;
	s7 =	sshrl.u32 @!p0 s29, $0x3;
	s22 =	simm.s32 @!p0 $0x13C00  }
0x4c: {  	[sflag:s6] =	ssyncadd.s32 $0xFFFFC400;
	s21 =	sadd.s32 @!p0 s5, s7;
	s7 =	simm.s32 @!p0 $0x0  }
0x4d: {  	[tilespmem:s22], [sflag:$0x1] =	stream.linear.gather @!p0 [hbm4b:s21+s7], $0x78, $0x38;
	[tilespmem:$0x1F300] =	vst v63  }
0x4e: {  	_ =	swait.ge [sflag:s9], $0x78  }
0x4f: {  	p1 =	seq.s32 s18, $0x0;
	[sflag:s9] =	ssyncset.done $0x0  }
0x50: {  	s21 =	simm.s32 @!p1 $0xC;
	[sflag:s9] =	ssyncadd.s32 $0xFFFFFF88  }
0x51: {  	[spmem:s2] =	stream.indirect.scatter.add.f32 [tilespmem:s31], [sflag:$0xA], $0x80, s26, s30, $0xb8;
	[tilespmem:$0x1F300] =	vst v63  }
0x52: {  	_ =	swait.ge @!p1 [sflag:s21], $0x3C00  }
0x53: {  	[sflag:s21] =	ssyncset.done @!p1 $0x0  }
0x54: {  	s28 =	sadd.s32 s18, s20;
	[sflag:s21] =	ssyncadd.s32 @!p1 $0xFFFFC400  }
0x55: {  	[tilespmem:s10], [sflag:$0x6] =	stream.linear.gather [hbm4b:s28+s3], $0x78, $0x38;
	[tilespmem:$0x1F300] =	vst v63  }
0x56: {  	_ =	swait.ge [sflag:s11], $0x78  }
0x57: {  	[sflag:s11] =	ssyncset.done $0x0  }
0x58: {  	[sflag:s11] =	ssyncadd.s32 $0xFFFFFF88  }
0x59: {  	[tilespmem:s12], [sflag:$0x9] =	stream.indirect.gather [hbm4b:s4+s30], $0x80, s25, s30, $0xb8;
	[tilespmem:$0x1F300] =	vst v63  }
0x5a: {  	_ =	swait.ge [sflag:s13], $0x3C00  }
0x5b: {  	[sflag:s13] =	ssyncset.done $0x0  }
0x5c: {  	s21 =	simm.s32 @p0 $0x5;
	[sflag:s13] =	ssyncadd.s32 $0xFFFFC400  }
0x5d: {  	_ =	swait.ge @p0 [sflag:s21], $0x78  }
0x5e: {  	s23 =	simm.s32 @p0 $0x13E00;
	[sflag:s21] =	ssyncset.done @p0 $0x0  }
0x5f: {  	s28 =	simm.s32 @p0 $0x17B00;
	[sflag:s21] =	ssyncadd.s32 @p0 $0xFFFFFF88;
	s21 =	simm.s32 @p0 $0x78  }
0x60: {  	[spmem:s2] =	stream.indirect.scatter.add.f32 @p0 [tilespmem:s28], [sflag:$0xB], $0x80, s23, s21, $0xb8;
	[tilespmem:$0x1F300] =	vst v63  }
0x61: {  	s21 =	simm.s32 @p0 $0xA  }
0x62: {  	_ =	swait.ge @p0 [sflag:s21], $0x3C00  }
0x63: {  	[sflag:s21] =	ssyncset.done @p0 $0x0  }
0x64: {  	[sflag:s21] =	ssyncadd.s32 @p0 $0xFFFFC400;
	s21 =	simm.s32 @p0 $0x9  }
0x65: {  	_ =	swait.ge @p0 [sflag:s21], $0x3C00  }
0x66: {  	[sflag:s21] =	ssyncset.done @p0 $0x0  }
0x67: {  	s23 =	simm.s32 @!p0 $0x13C80;
	[sflag:s21] =	ssyncadd.s32 @p0 $0xFFFFC400;
	s21 =	sadd.s32 @!p0 s18, s16  }
0x68: {  	[tilespmem:s23], [sflag:$0x2] =	stream.linear.gather @!p0 [hbm4b:s21+s7], $0x78, $0x38;
	[tilespmem:$0x1F300] =	vst v63  }
0x69: {  	s21 =	simm.s32 @!p0 $0x5  }
0x6a: {  	_ =	swait.ge @!p0 [sflag:s21], $0x78  }
0x6b: {  	s28 =	simm.s32 @!p0 $0x17B00;
	[sflag:s21] =	ssyncset.done @!p0 $0x0  }
0x6c: {  	s23 =	simm.s32 @!p0 $0x13E00;
	[sflag:s21] =	ssyncadd.s32 @!p0 $0xFFFFFF88;
	s21 =	simm.s32 @!p0 $0x78  }
0x6d: {  	[spmem:s2] =	stream.indirect.scatter.add.f32 @!p0 [tilespmem:s28], [sflag:$0xB], $0x80, s23, s21, $0xb8;
	[tilespmem:$0x1F300] =	vst v63  }
0x6e: {  	s23 =	simm.s32 @!p0 $0xA  }
0x6f: {  	_ =	swait.ge @!p0 [sflag:s23], $0x3C00  }
0x70: {  	[sflag:s23] =	ssyncset.done @!p0 $0x0  }
0x71: {  	s28 =	simm.s32 @!p0 $0x13D80;
	[sflag:s23] =	ssyncadd.s32 @!p0 $0xFFFFC400;
	s23 =	sadd.s32 @!p0 s18, s17  }
0x72: {  	[tilespmem:s28], [sflag:$0x4] =	stream.linear.gather @!p0 [hbm4b:s23+s7], $0x78, $0x38;
	[tilespmem:$0x1F300] =	vst v63  }
0x73: {  	s23 =	simm.s32 @!p0 $0x1  }
0x74: {  	_ =	swait.ge @!p0 [sflag:s23], $0x78  }
0x75: {  	[sflag:s23] =	ssyncset.done @!p0 $0x0  }
0x76: {  	[sflag:s23] =	ssyncadd.s32 @!p0 $0xFFFFFF88;
	s23 =	simm.s32 @!p0 $0x13F00  }
0x77: {  	[tilespmem:s23], [sflag:$0x7] =	stream.indirect.gather @!p0 [hbm4b:s4+s21], $0x80, s22, s21, $0xb8;
	[tilespmem:$0x1F300] =	vst v63  }
0x78: {  	s21 =	simm.s32 @!p0 $0x9  }
0x79: {  	_ =	swait.ge @!p0 [sflag:s21], $0x3C00  }
0x7a: {  	[sflag:s21] =	ssyncset.done @!p0 $0x0  }
0x7b: {  	s22 =	simm.s32 @!p0 $0x13D00;
	[sflag:s21] =	ssyncadd.s32 @!p0 $0xFFFFC400;
	s21 =	sadd.s32 @!p0 s18, s19  }
0x7c: {  	[tilespmem:s22], [sflag:$0x3] =	stream.linear.gather @!p0 [hbm4b:s21+s7], $0x78, $0x38;
	[tilespmem:$0x1F300] =	vst v63  }
0x7d: {  	_ =	swait.ge [sflag:s8], $0x78  }
0x7e: {  	[sflag:s8] =	ssyncset.done $0x0  }
.Ltmp2:
0x7f: {  	[sflag:s8] =	ssyncadd.s32 $0xFFFFFF88;
	(pc) =	sbr.rel @p0 .LBB2_4-.Ltmp2, $4  }
0x80: {  	[spmem:s2] =	stream.indirect.scatter.add.f32 [tilespmem:s12], [sflag:$0xC], $0x80, s10, s30, $0xb8;
	[tilespmem:$0x1F300] =	vst v63  }
0x81: {  	_ =	swait.ge [sflag:s14], $0x3C00  }
0x82: {  	[sflag:s14] =	ssyncset.done $0x0  }
0x83: {  	[sflag:s14] =	ssyncadd.s32 $0xFFFFC400  }
0x84: {  	s7 =	sadd.s32 s18, s15;
	s21 =	simm.s32 $0x13E00  }
0x85: {  	[tilespmem:s21], [sflag:$0x5] =	stream.linear.gather [hbm4b:s7+s3], $0x78, $0x38;
	[tilespmem:$0x1F300] =	vst v63  }
.Ltmp3:
0x86: {  	_ = 	snop;
	(pc) =	sbr.rel .LBB2_2-.Ltmp3, $4  }
0x87: {  	_ =	swait.ge [sflag:s0], $0x78  }
0x88: {  	[sflag:s0] =	ssyncset.done $0x0  }
0x89: {  	s18 =	sadd.s32 $0x2D, s18;
	s29 =	sadd.s32 $0x168, s29;
	[sflag:s0] =	ssyncadd.s32 $0xFFFFFF88  }
0x8a: {  	[tilespmem:s1], [sflag:$0x8] =	stream.indirect.gather [hbm4b:s4+s30], $0x80, s24, s30, $0xb8;
	[tilespmem:$0x1F300] =	vst v63  }
.LBB2_5:
0x8b: {  	_ =	sfence.sel $0x180000  }
0x8c: {  	[bflag:$0x0] =	sbarrier.arrive $0xFFFF  }
0x8d: {  	_ =	strace $0x9000004A  }
0x8e: {  	s0 =	stileid.u32;
	[bflag:$0x2] =	sbarrier.arrive $0xFFFF  }
0x8f: {  	p0 =	sne.s32 s0, $0x0;
	s0 =	rddreg [dreg:$0x2]  }
0x90: {  	s0 =	sadd.s32 @!p0 $0x100000, s0  }
0x91: {  	[sflag:s0] =	ssyncadd.tile.s32 @!p0 $0x1;
	_ =	shalt  }
.Lfunc_end2:
_tile_overlayer_lowered:
.L_overlay_start_2:
0x92: {  	(tag) =	ssettag $0x2  }
0x93: {  	s0 =	rddreg [dreg:$0x0];
	s2 =	stileid.u32  }
0x94: {  	s1 =	rddreg [dreg:$0x1];
	p0 =	sne.s32 s2, $0x0  }
0x95: {  	s3 =	rddreg [dreg:$0x2];
	[bflag:$0x3] =	sbarrier.arrive $0xFFFF;
	s2 =	simm.s32 @!p0 $0x1C0D  }
0x96: {  	[timem:s3], [sflag:s2] =	dma.local @!p0 [hbm:s0], s1  }
0x97: {  	s0 =	simm.s32 @!p0 $0xD  }
0x98: {  	_ =	swait.ge @!p0 [sflag:s0], s1  }
0x99: {  	s1 =	ssub.s32 @!p0 $0x0, s1;
	[sflag:s0] =	ssyncset.done @!p0 $0x0  }
0x9a: {  	[sflag:s0] =	ssyncadd.s32 @!p0 s1  }
0x9b: {  	[bflag:$0x3] =	sbarrier.arrive $0xFFFF  }
0x9c: {  	_ =	shalt  }

// kernel: kernel.18.cloned.1.call-start
scs
__scs_entry_jumppad:
0x0: {  	(pc) =	sbr.rel $0x88, $3  }
0x1: {  	(tag) =	ssettag $0x0;
	lr =	simm.s32 $0x1  }
0x2: {  	[smem:$0x3F87] =	sst lr;
	_ =	strace $0xD0000000  }
0x3: {  	_ = 	snop  }
0x4: {  	_ = 	snop  }
0x5: {  	_ = 	snop  }
0x6: {  	_ = 	snop  }
0x7: {  	_ = 	snop  }
__scs_overlays_trampoline_lowered:
0x8: {  	[smem:$0x3F96] =	sst s0  }
0x9: {  	[smem:$0x3F97] =	sst s1  }
0xa: {  	[smem:$0x3F98] =	sst s2  }
0xb: {  	[smem:$0x3F99] =	sst s3  }
0xc: {  	[smem:$0x3F9A] =	sst s4  }
0xd: {  	[smem:$0x3F9B] =	sst s5  }
0xe: {  	[smem:$0x3F9C] =	sst s6  }
0xf: {  	[smem:$0x3F9D] =	sst s7  }
0x10: {  	[smem:$0x3F9E] =	sst s8  }
0x11: {  	[smem:$0x3F9F] =	sst s9;
	s0 =	simm.s32 @!p0 $0x0  }
0x12: {  	s1 =	sld [smem:$0x3F85];
	s0 =	simm.s32 @p0 $0x1  }
0x13: {  	[smem:$0x3FA0] =	sst s0;
	s0 =	simm.s32 @!p1 $0x0  }
0x14: {  	s2 =	sld [smem:$0x3F84];
	s0 =	simm.s32 @p1 $0x1  }
0x15: {  	[smem:$0x3FA1] =	sst s0;
	s0 =	simm.s32 @!p2 $0x0  }
0x16: {  	s3 =	sld [smem:$0x3FDB];
	s0 =	simm.s32 @p2 $0x1  }
0x17: {  	s4 =	simm.s32 $0x1BF5;
	[smem:$0x3FA3] =	sst s0  }
0x18: {  	s0 =	sld [smem:$0x3F86];
	_ =	swait.ge [sflag:s4], $0x0  }
0x19: {  	s7 =	sld [smem:$0x3F87]  }
0x1a: {  	s8 =	sadd.s32 $0xFFFFE003, lr  }
0x1b: {  	s9 =	sadd.s32 $0xFFFFFEF7, lr;
	s5 =	simm.s32 $0xFFFFFFFF;
	p2 =	slt.u32 s8, $0xFFFFF086  }
0x1c: {  	p1 =	slt.u32 s9, $0xF7A;
	s5 =	simm.s32 @!p2 $0x0  }
0x1d: {  	s5 =	simm.s32 @p1 $0x1;
	p0 =	seq.s32 s7, s2  }
0x1e: {  	s7 =	smul.u32 @!p0 $0xF7A, s2;
	p2 =	seq.s32 @!p0 s5, $0x0  }
0x1f: {  	s9 =	smul.u32 $0xF7A, s1;
	s8 =	simm.s32 @!p0 $0x1BF5;
	p2 =	por !p2, p0  }
0x20: {  	[sflag:s8] =	ssyncset.s32 @!p0 $0xFFFFF086;
	s6 =	sadd.s32 @!p0 s3, s7;
	s7 =	simm.s32 @!p0 $0x108  }
0x21: {  	s3 =	sadd.s32 s3, s9;
	s6 =	sadd.s32 @!p0 $0x88, s6;
	s7 =	simm.s32 @p2 $0x1082  }
0x22: {  	[simem:s7], [sflag:s8] =	dma.local @!p0 [hbm:s6], $0xF7A  }
0x23: {  	s9 =	sor.u32 $0xD0000000, s2;
	s6 =	simm.s32 $0x108;
	_ =	swait.ge @!p0 [sflag:s8], $0x0  }
0x24: {  	s3 =	sadd.s32 $0x88, s3;
	s6 =	simm.s32 @!p1 $0x1082;
	[sflag:s4] =	ssyncset.s32 $0xFFFFF086  }
0x25: {  	[simem:s6], [sflag:s4] =	dma.local [hbm:s3], $0xF7A  }
0x26: {  	[smem:$0x3F87] =	sst s1;
	(tag) =	ssettag s2;
	_ =	strace s9  }
0x27: {  	s1 =	sld [smem:$0x3F97]  }
0x28: {  	s2 =	sld [smem:$0x3F98]  }
0x29: {  	s4 =	sld [smem:$0x3F9A]  }
0x2a: {  	p0 =	seq.s32 s5, $0x0;
	s5 =	sld [smem:$0x3F9B]  }
0x2b: {  	s6 =	sld [smem:$0x3F9C]  }
0x2c: {  	s7 =	sld [smem:$0x3F9D]  }
0x2d: {  	s3 =	simm.s32 $0x108;
	s8 =	sld [smem:$0x3F9E]  }
0x2e: {  	s3 =	simm.s32 @!p0 $0x1082;
	s9 =	sld [smem:$0x3F9F]  }
0x2f: {  	lr =	sadd.s32 s0, s3;
	s0 =	sld [smem:$0x3F96]  }
0x30: {  	s3 =	sld [smem:$0x3F99]  }
0x31: {  	[smem:$0x3FA2] =	sst s10  }
0x32: {  	s10 =	sld [smem:$0x3FA0];
	_ =	sdelay $0x3  }
0x33: {  	p0 =	seq.s32 s10, $0x1;
	s10 =	sld [smem:$0x3FA2];
	_ =	sdelay $0x3  }
0x34: {  	[smem:$0x3FA2] =	sst s10  }
0x35: {  	s10 =	sld [smem:$0x3FA1];
	_ =	sdelay $0x3  }
0x36: {  	p1 =	seq.s32 s10, $0x1;
	s10 =	sld [smem:$0x3FA2];
	_ =	sdelay $0x3  }
0x37: {  	[smem:$0x3FA2] =	sst s10  }
0x38: {  	s10 =	sld [smem:$0x3FA3]  }
0x39: {  	_ = 	snop;
	(pc) =	sbr.ind lr, $3  }
0x3a: {  	_ = 	snop  }
0x3b: {  	_ = 	snop  }
0x3c: {  	p2 =	seq.s32 s10, $0x1;
	s10 =	sld [smem:$0x3FA2]  }
0x3d: {  	_ =	shalt  }
0x3e: {  	_ =	shalt  }
0x3f: {  	_ =	shalt  }
0x40: {  	_ =	shalt  }
0x41: {  	_ =	shalt  }
0x42: {  	_ =	shalt  }
0x43: {  	_ =	shalt  }
0x44: {  	_ =	shalt  }
0x45: {  	_ =	shalt  }
0x46: {  	_ =	shalt  }
0x47: {  	_ =	shalt  }
0x48: {  	_ =	shalt  }
0x49: {  	_ =	shalt  }
0x4a: {  	_ =	shalt  }
0x4b: {  	_ =	shalt  }
0x4c: {  	_ =	shalt  }
0x4d: {  	_ =	shalt  }
0x4e: {  	_ =	shalt  }
0x4f: {  	_ =	shalt  }
0x50: {  	_ =	shalt  }
0x51: {  	_ =	shalt  }
0x52: {  	_ =	shalt  }
0x53: {  	_ =	shalt  }
0x54: {  	_ =	shalt  }
0x55: {  	_ =	shalt  }
0x56: {  	_ =	shalt  }
0x57: {  	_ =	shalt  }
0x58: {  	_ =	shalt  }
0x59: {  	_ =	shalt  }
0x5a: {  	_ =	shalt  }
0x5b: {  	_ =	shalt  }
0x5c: {  	_ =	shalt  }
0x5d: {  	_ =	shalt  }
0x5e: {  	_ =	shalt  }
0x5f: {  	_ =	shalt  }
0x60: {  	_ =	shalt  }
0x61: {  	_ =	shalt  }
0x62: {  	_ =	shalt  }
0x63: {  	_ =	shalt  }
0x64: {  	_ =	shalt  }
0x65: {  	_ =	shalt  }
0x66: {  	_ =	shalt  }
0x67: {  	_ =	shalt  }
0x68: {  	_ =	shalt  }
0x69: {  	_ =	shalt  }
0x6a: {  	_ =	shalt  }
0x6b: {  	_ =	shalt  }
0x6c: {  	_ =	shalt  }
0x6d: {  	_ =	shalt  }
0x6e: {  	_ =	shalt  }
0x6f: {  	_ =	shalt  }
0x70: {  	_ =	shalt  }
0x71: {  	_ =	shalt  }
0x72: {  	_ =	shalt  }
0x73: {  	_ =	shalt  }
0x74: {  	_ =	shalt  }
0x75: {  	_ =	shalt  }
0x76: {  	_ =	shalt  }
0x77: {  	_ =	shalt  }
0x78: {  	_ =	shalt  }
0x79: {  	_ =	shalt  }
0x7a: {  	_ =	shalt  }
0x7b: {  	_ =	shalt  }
0x7c: {  	_ =	shalt  }
0x7d: {  	_ =	shalt  }
0x7e: {  	_ =	shalt  }
0x7f: {  	_ =	shalt  }
0x80: {  	_ =	shalt  }
0x81: {  	_ =	shalt  }
0x82: {  	_ =	shalt  }
0x83: {  	_ =	shalt  }
0x84: {  	_ =	shalt  }
0x85: {  	_ =	shalt  }
0x86: {  	_ =	shalt  }
0x87: {  	_ =	shalt  }
.Lfunc_end0:
.L_simem_size_0:
called_computation.2_lowered:
.L_overlay_start_0:
0x88: {  	s2 =	sld [smem:$0x3FD9]  }
0x89: {  	s3 =	sld [smem:$0x3FFE];
	_ =	sdelay $0x1  }
0x8a: {  	s1 =	srdreg.scid  }
0x8b: {  	s0 =	sand.u32 $0x1, s1  }
0x8c: {  	s16 =	sshll.u32 s0, $0xA;
	s2 =	sadd.s32 s3, s2  }
0x8d: {  	s2 =	sadd.s32 s2, s16  }
0x8e: {  	[smem:$0x3FAE] =	sst s2  }
0x8f: {  	_ = 	snop  }
0x90: {  	(tm) =	ssettm $0x1  }
0x91: {  	s17 =	sld [smem:$0x3FFB];
	_ =	sdelay $0x3  }
0x92: {  	_ =	strace s17  }
0x93: {  	s2 =	sld [smem:$0x3FFC];
	_ =	sdelay $0x3  }
0x94: {  	_ =	strace s2  }
0x95: {  	s2 =	sld [smem:$0x3FFD];
	_ =	sdelay $0x3  }
0x96: {  	_ =	strace s2  }
0x97: {  	_ =	strace $0x8FFFFFFF  }
0x98: {  	s18 =	sld [smem:$0x3FDB];
	_ =	sdelay $0x1  }
0x99: {  	s19 =	simm.s32 $_scs_section_size  }
0x9a: {  	s4 =	simm.s32 $_size__tile_overlayer_lowered;
	s5 =	simm.s32 $_tile_overlayer_lowered  }
0x9b: {  	s22 =	simm.s32 $0x1BFF;
	s21 =	sshll.u32 s5, $0x1;
	s2 =	sadd.s32 s19, s18  }
0x9c: {  	s6 =	simm.s32 $0x0;
	s20 =	sshll.u32 s4, $0x1;
	s4 =	sadd.s32 s21, s2  }
0x9d: {  	[timem:s6], [sflag:s22] =	dma.local [hbm:s4], s20  }
0x9e: {  	_ =	swait.ge [sflag:s22], s20  }
0x9f: {  	s3 =	ssub.s32 $0x0, s20;
	[sflag:s22] =	ssyncset.done $0x0  }
0xa0: {  	[sflag:s22] =	ssyncadd.s32 s3;
	_ =	sdelay $0x1  }
0xa1: {  	s23 =	simm.s32 $0x1B8B  }
0xa2: {  	_ =	swait.ge [sflag:s23], $0x1  }
0xa3: {  	[sflag:s23] =	ssyncset.done $0x0  }
0xa4: {  	s25 =	simm.s32 $0x1B8E;
	s24 =	sld [smem:$0x3FFE];
	[sflag:s23] =	ssyncadd.s32 $0xFFFFFFFF  }
0xa5: {  	s26 =	simm.s32 $execute0_lowered;
	[smem:$0x3FD2] =	sst s25  }
0xa6: {  	s4 =	sshll.u32 s26, $0x1;
	_ =	strace $0x8000004C;
	[dreg:$0x1] =	wrdreg $0xFFFFFFFF  }
0xa7: {  	s28 =	simm.s32 $_size_execute0_lowered;
	s2 =	sadd.s32 s2, s4;
	[dreg:$0x0] =	wrdreg $0x0  }
0xa8: {  	s4 =	sshll.u32 s28, $0x1;
	[dreg:$0x2] =	wrdreg s2  }
0xa9: {  	[dreg:$0x3] =	wrdreg s4  }
0xaa: {  	[dreg:$0x4] =	wrdreg $0xC0  }
0xab: {  	_ =	task [dreg:s6], $0x5FFFF  }
0xac: {  	[dreg:$0x1] =	wrdreg $0xFFFFFFFF  }
0xad: {  	[dreg:$0x0] =	wrdreg $0x60  }
0xae: {  	[dreg:$0x2] =	wrdreg s24  }
0xaf: {  	[dreg:$0x3] =	wrdreg $0x0  }
0xb0: {  	[dreg:$0x4] =	wrdreg $0x9  }
0xb1: {  	_ =	task.clear_ibuf [dreg:s6], $0x5FFFF;
	_ =	strace $0x9000004C  }
0xb2: {  	s29 =	simm.s32 $0x9;
	_ =	strace $0x8000004E  }
0xb3: {  	_ =	swait.ge [sflag:s29], $0x1  }
0xb4: {  	[sflag:s29] =	ssyncadd.s32 $0xFFFFFFFF  }
0xb5: {  	_ =	strace $0x9000004E  }
0xb6: {  	_ =	sfence  }
0xb7: {  	s30 =	sld [smem:$0x0];
	_ =	sdelay $0x2  }
0xb8: {  	s31 =	sshll.u32 s1, $0xD;
	s1 =	sshrl.u32 s1, $0x2  }
0xb9: {  	s3 =	sand.u32 $0x4000, s31;
	s1 =	sadd.s32 s1, s30  }
0xba: {  	s0 =	sor.u32 s3, s0;
	s1 =	sshll.u32 s1, $0x11  }
0xbb: {  	s0 =	sor.u32 s1, s0  }
0xbc: {  	s0 =	sadd.s32 $0x8F2B, s0  }
0xbd: {  	[sflag:s0] =	ssyncadd.remote.s32 $0x1  }
0xbe: {  	_ =	sfence.sel $0xFFFF  }
0xbf: {  	[dreg:$0x0] =	wrdreg $0xFFFFFFFF;
	(pc) =	sbr.abs _section_cstart, $3  }
0xc0: {  	[dreg:$0x1] =	wrdreg $0xFFFFFFFF  }
0xc1: {  	_ =	task.clear_ibuf [dreg:s6], $0x2FFFF;
	_ =	strace $0x9FFFFFFF  }
0xc2: {  	(tm) =	ssettm $0x7FFFFFFF  }
0xc3: {  	_ =	shalt  }
tec
execute0_lowered:
.L_overlay_start_1:
0x0: {  	(tag) =	ssettag $0x1  }
0x1: {  	s0 =	rddreg [dreg:$0x0]  }
0x2: {  	s2 =	rddreg [dreg:$0x1]  }
0x3: {  	s11 =	stileid.u32;
	s1 =	srdreg.scid  }
0x4: {  	s3 =	simm.s32 $0x0;
	s30 =	simm.s32 $0x78;
	s6 =	smul.u32 $0x2780, s11  }
0x5: {  	s31 =	simm.s32 $0x13F00;
	s1 =	sand.u32 $0x1, s1;
	s10 =	smul.u32 $0x4F000, s11  }
0x6: {  	[smem:$0x7FF] =	sst s3;
	s4 =	sadd.s32 $0x4A00, s0;
	s15 =	smul.u32 $0x28C8, s11  }
0x7: {  	s5 =	sadd.s32 $0x2C000, s0;
	s7 =	smul.u32 $0x27800, s1;
	_ =	strace $0x8000004D  }
0x8: {  	s25 =	ssub.s32 $0x2, s1;
	s9 =	sshll.u32 s1, $0x4;
	s1 =	smul.u32 $0x28C80, s1  }
0x9: {  	s8 =	sadd.s32 s6, s0;
	s26 =	sshrl.u32 s25, $0x1;
	s9 =	sor.u32 s11, s9  }
0xa: {  	s29 =	sshrl.u32 s10, $0x2;
	s10 =	sshll.u32 s11, $0x6;
	s11 =	simm.s32 $0x3  }
0xb: {  	s6 =	sadd.s32 s6, s7;
	s28 =	smul.u32 $0x28C8, s9;
	s9 =	sadd.s32 s29, s2  }
0xc: {  	s8 =	sadd.s32 $0x40800, s8;
	s18 =	sor.u32 $0x1C0D, s10;
	s19 =	sadd.s32 s15, s1  }
0xd: {  	s10 =	simm.s32 $0x13E80;
	s0 =	sadd.s32 s6, s0;
	s6 =	ssub.s32 s25, s26  }
0xe: {  	[dreg:$0x3] =	wrdreg s8;
	s21 =	sadd.s32 $0x51AE0, s19;
	s22 =	sadd.s32 $0x1E0, s19  }
0xf: {  	s23 =	sadd.s32 $0x51A68, s19;
	s25 =	sadd.s32 $0x258, s19;
	s26 =	sadd.s32 $0x519F0, s19  }
0x10: {  	[dreg:$0x4] =	wrdreg s18;
	s12 =	sshrl.u32 s28, $0x3;
	s13 =	sadd.s32 $0x78, s28  }
0x11: {  	s7 =	sadd.s32 $0x51978, s28;
	s0 =	sadd.s32 $0x68000, s0;
	s20 =	smax.u32 s6, $0x1  }
0x12: {  	s1 =	sshrl.u32 s21, $0x3;
	s6 =	sshrl.u32 s22, $0x3;
	s24 =	sshrl.u32 s23, $0x3  }
0x13: {  	s28 =	sshrl.u32 s25, $0x3;
	s29 =	sshrl.u32 s26, $0x3;
	s21 =	sshrl.u32 s9, $0x3  }
0x14: {  	s22 =	simm.s32 $0xD;
	s25 =	simm.s32 $0x13D00;
	s26 =	simm.s32 $0x13D80  }
0x15: {  	s9 =	simm.s32 $0x4;
	s23 =	simm.s32 $0x0;
	s12 =	sadd.s32 s5, s12  }
0x16: {  	s14 =	sshrl.u32 s13, $0x3;
	s7 =	sshrl.u32 s7, $0x3;
	[dreg:$0xa] =	wrdreg s0  }
0x17: {  	[dreg:$0xb] =	wrdreg s20;
	s15 =	sadd.s32 s1, s5;
	s0 =	sadd.s32 $0x168, s19  }
0x18: {  	s19 =	sadd.s32 s28, s5;
	s20 =	sadd.s32 s29, s5;
	[dreg:$0xd] =	wrdreg s21  }
0x19: {  	s1 =	simm.s32 $0x17B00;
	s13 =	simm.s32 $0x8;
	[dreg:$0x5] =	wrdreg s12  }
0x1a: {  	s8 =	sadd.s32 s5, s14;
	s16 =	sadd.s32 $0x1E, s12;
	[dreg:$0xc] =	wrdreg s0  }
.Ltmp0:
0x1b: {  	s17 =	sadd.s32 $0xA320, s12;
	[dreg:$0x6] =	wrdreg s8;
	(pc) =	sbr.rel .LBB2_1-.Ltmp0, $4  }
0x1c: {  	s7 =	sadd.s32 s5, s7;
	s0 =	simm.s32 $0x2;
	[dreg:$0x7] =	wrdreg s16  }
0x1d: {  	s12 =	simm.s32 $0x1B700;
	s14 =	simm.s32 $0xB;
	[dreg:$0x8] =	wrdreg s17  }
0x1e: {  	[dreg:$0x9] =	wrdreg s7;
	s16 =	sadd.s32 s6, s5;
	s17 =	sadd.s32 s24, s5  }
0x1f: {  	s24 =	simm.s32 $0x13C80;
	s6 =	simm.s32 $0x7;
	s8 =	simm.s32 $0x6  }
.LBB2_4:
0x20: {  	s7 =	simm.s32 $0xC  }
0x21: {  	_ =	swait.ge [sflag:s7], $0x3C00  }
0x22: {  	[sflag:s7] =	ssyncset.done $0x0  }
0x23: {  	[sflag:s7] =	ssyncadd.s32 $0xFFFFC400  }
0x24: {  	[bflag:$0x0] =	sbarrier.arrive $0xFFFF  }
0x25: {  	s18 =	rddreg [dreg:$0x4]  }
0x26: {  	s28 =	rddreg [dreg:$0xa]  }
0x27: {  	s22 =	simm.s32 $0xD;
	s21 =	rddreg [dreg:$0xd]  }
0x28: {  	[hbm:s28], [sflag:s18] =	dma.local [spmem:s21], $0x2780  }
0x29: {  	_ =	swait.ge [sflag:s22], $0x2780  }
0x2a: {  	s23 =	rddreg [dreg:$0xe]  }
0x2b: {  	s29 =	rddreg [dreg:$0xb];
	s23 =	sadd.s32 $0x1, s23  }
0x2c: {  	p0 =	sne.s32 s23, s29  }
.Ltmp1:
0x2d: {  	_ = 	snop;
	(pc) =	sbr.rel @!p0 .LBB2_5-.Ltmp1, $3  }
0x2e: {  	_ =	sdelay $0x1  }
0x2f: {  	[sflag:s22] =	ssyncset.done $0x0  }
0x30: {  	[sflag:s22] =	ssyncadd.s32 $0xFFFFD880  }
.LBB2_1:
0x31: {  	[dreg:$0xe] =	wrdreg s23  }
0x32: {  	s7 =	rddreg [dreg:$0x3]  }
0x33: {  	[spmem:s21], [sflag:s18] =	dma.local [hbm:s7], $0x2780  }
0x34: {  	_ =	swait.ge [sflag:s22], $0x2780  }
0x35: {  	[sflag:s22] =	ssyncset.done $0x0  }
0x36: {  	[sflag:s22] =	ssyncadd.s32 $0xFFFFD880  }
0x37: {  	[bflag:$0x0] =	sbarrier.arrive $0xFFFF  }
0x38: {  	s18 =	simm.s32 $0x13C00;
	s22 =	rddreg [dreg:$0x5]  }
0x39: {  	[tilespmem:s18], [sflag:$0x1] =	stream.linear.gather [hbm4b:s22+s3], $0x78, $0x38;
	[tilespmem:$0x1F300] =	vst v63  }
0x3a: {  	s23 =	rddreg [dreg:$0x6]  }
0x3b: {  	[tilespmem:s24], [sflag:$0x2] =	stream.linear.gather [hbm4b:s23+s3], $0x78, $0x38;
	[tilespmem:$0x1F300] =	vst v63  }
0x3c: {  	s28 =	rddreg [dreg:$0x7]  }
0x3d: {  	[tilespmem:s25], [sflag:$0x3] =	stream.linear.gather [hbm4b:s28+s3], $0x78, $0x38;
	[tilespmem:$0x1F300] =	vst v63  }
0x3e: {  	s21 =	rddreg [dreg:$0x8]  }
0x3f: {  	[tilespmem:s26], [sflag:$0x4] =	stream.linear.gather [hbm4b:s21+s3], $0x78, $0x38;
	[tilespmem:$0x1F300] =	vst v63  }
0x40: {  	s22 =	rddreg [dreg:$0x9];
	s23 =	simm.s32 $0x13E00;
	s28 =	simm.s32 $0x1  }
0x41: {  	[tilespmem:s23], [sflag:$0x5] =	stream.linear.gather [hbm4b:s22+s3], $0x78, $0x38;
	[tilespmem:$0x1F300] =	vst v63  }
0x42: {  	_ =	swait.ge [sflag:s28], $0x78  }
0x43: {  	[sflag:s28] =	ssyncset.done $0x0  }
0x44: {  	[sflag:s28] =	ssyncadd.s32 $0xFFFFFF88  }
0x45: {  	[tilespmem:s31], [sflag:$0x7] =	stream.indirect.gather [hbm4b:s4+s30], $0x80, s18, s30, $0xb8;
	[tilespmem:$0x1F300] =	vst v63  }
0x46: {  	_ =	swait.ge [sflag:s0], $0x78  }
0x47: {  	[sflag:s0] =	ssyncset.done $0x0  }
0x48: {  	s18 =	simm.s32 $0x0;
	s29 =	rddreg [dreg:$0xc];
	[sflag:s0] =	ssyncadd.s32 $0xFFFFFF88  }
0x49: {  	[tilespmem:s1], [sflag:$0x8] =	stream.indirect.gather [hbm4b:s4+s30], $0x80, s24, s30, $0xb8;
	[tilespmem:$0x1F300] =	vst v63  }
.LBB2_2:
0x4a: {  	_ =	swait.ge [sflag:s6], $0x3C00;
	p0 =	seq.s32 s18, $0x4EC  }
0x4b: {  	[sflag:s6] =	ssyncset.done $0x0;
	s7 =	sshrl.u32 @!p0 s29, $0x3;
	s22 =	simm.s32 @!p0 $0x13C00  }
0x4c: {  	[sflag:s6] =	ssyncadd.s32 $0xFFFFC400;
	s21 =	sadd.s32 @!p0 s5, s7;
	s7 =	simm.s32 @!p0 $0x0  }
0x4d: {  	[tilespmem:s22], [sflag:$0x1] =	stream.linear.gather @!p0 [hbm4b:s21+s7], $0x78, $0x38;
	[tilespmem:$0x1F300] =	vst v63  }
0x4e: {  	_ =	swait.ge [sflag:s9], $0x78  }
0x4f: {  	p1 =	seq.s32 s18, $0x0;
	[sflag:s9] =	ssyncset.done $0x0  }
0x50: {  	s21 =	simm.s32 @!p1 $0xC;
	[sflag:s9] =	ssyncadd.s32 $0xFFFFFF88  }
0x51: {  	[spmem:s2] =	stream.indirect.scatter.add.f32 [tilespmem:s31], [sflag:$0xA], $0x80, s26, s30, $0xb8;
	[tilespmem:$0x1F300] =	vst v63  }
0x52: {  	_ =	swait.ge @!p1 [sflag:s21], $0x3C00  }
0x53: {  	[sflag:s21] =	ssyncset.done @!p1 $0x0  }
0x54: {  	s28 =	sadd.s32 s18, s20;
	[sflag:s21] =	ssyncadd.s32 @!p1 $0xFFFFC400  }
0x55: {  	[tilespmem:s10], [sflag:$0x6] =	stream.linear.gather [hbm4b:s28+s3], $0x78, $0x38;
	[tilespmem:$0x1F300] =	vst v63  }
0x56: {  	_ =	swait.ge [sflag:s11], $0x78  }
0x57: {  	[sflag:s11] =	ssyncset.done $0x0  }
0x58: {  	[sflag:s11] =	ssyncadd.s32 $0xFFFFFF88  }
0x59: {  	[tilespmem:s12], [sflag:$0x9] =	stream.indirect.gather [hbm4b:s4+s30], $0x80, s25, s30, $0xb8;
	[tilespmem:$0x1F300] =	vst v63  }
0x5a: {  	_ =	swait.ge [sflag:s13], $0x3C00  }
0x5b: {  	[sflag:s13] =	ssyncset.done $0x0  }
0x5c: {  	s21 =	simm.s32 @p0 $0x5;
	[sflag:s13] =	ssyncadd.s32 $0xFFFFC400  }
0x5d: {  	_ =	swait.ge @p0 [sflag:s21], $0x78  }
0x5e: {  	s23 =	simm.s32 @p0 $0x13E00;
	[sflag:s21] =	ssyncset.done @p0 $0x0  }
0x5f: {  	s28 =	simm.s32 @p0 $0x17B00;
	[sflag:s21] =	ssyncadd.s32 @p0 $0xFFFFFF88;
	s21 =	simm.s32 @p0 $0x78  }
0x60: {  	[spmem:s2] =	stream.indirect.scatter.add.f32 @p0 [tilespmem:s28], [sflag:$0xB], $0x80, s23, s21, $0xb8;
	[tilespmem:$0x1F300] =	vst v63  }
0x61: {  	s21 =	simm.s32 @p0 $0xA  }
0x62: {  	_ =	swait.ge @p0 [sflag:s21], $0x3C00  }
0x63: {  	[sflag:s21] =	ssyncset.done @p0 $0x0  }
0x64: {  	[sflag:s21] =	ssyncadd.s32 @p0 $0xFFFFC400;
	s21 =	simm.s32 @p0 $0x9  }
0x65: {  	_ =	swait.ge @p0 [sflag:s21], $0x3C00  }
0x66: {  	[sflag:s21] =	ssyncset.done @p0 $0x0  }
0x67: {  	s23 =	simm.s32 @!p0 $0x13C80;
	[sflag:s21] =	ssyncadd.s32 @p0 $0xFFFFC400;
	s21 =	sadd.s32 @!p0 s18, s16  }
0x68: {  	[tilespmem:s23], [sflag:$0x2] =	stream.linear.gather @!p0 [hbm4b:s21+s7], $0x78, $0x38;
	[tilespmem:$0x1F300] =	vst v63  }
0x69: {  	s21 =	simm.s32 @!p0 $0x5  }
0x6a: {  	_ =	swait.ge @!p0 [sflag:s21], $0x78  }
0x6b: {  	s28 =	simm.s32 @!p0 $0x17B00;
	[sflag:s21] =	ssyncset.done @!p0 $0x0  }
0x6c: {  	s23 =	simm.s32 @!p0 $0x13E00;
	[sflag:s21] =	ssyncadd.s32 @!p0 $0xFFFFFF88;
	s21 =	simm.s32 @!p0 $0x78  }
0x6d: {  	[spmem:s2] =	stream.indirect.scatter.add.f32 @!p0 [tilespmem:s28], [sflag:$0xB], $0x80, s23, s21, $0xb8;
	[tilespmem:$0x1F300] =	vst v63  }
0x6e: {  	s23 =	simm.s32 @!p0 $0xA  }
0x6f: {  	_ =	swait.ge @!p0 [sflag:s23], $0x3C00  }
0x70: {  	[sflag:s23] =	ssyncset.done @!p0 $0x0  }
0x71: {  	s28 =	simm.s32 @!p0 $0x13D80;
	[sflag:s23] =	ssyncadd.s32 @!p0 $0xFFFFC400;
	s23 =	sadd.s32 @!p0 s18, s17  }
0x72: {  	[tilespmem:s28], [sflag:$0x4] =	stream.linear.gather @!p0 [hbm4b:s23+s7], $0x78, $0x38;
	[tilespmem:$0x1F300] =	vst v63  }
0x73: {  	s23 =	simm.s32 @!p0 $0x1  }
0x74: {  	_ =	swait.ge @!p0 [sflag:s23], $0x78  }
0x75: {  	[sflag:s23] =	ssyncset.done @!p0 $0x0  }
0x76: {  	[sflag:s23] =	ssyncadd.s32 @!p0 $0xFFFFFF88;
	s23 =	simm.s32 @!p0 $0x13F00  }
0x77: {  	[tilespmem:s23], [sflag:$0x7] =	stream.indirect.gather @!p0 [hbm4b:s4+s21], $0x80, s22, s21, $0xb8;
	[tilespmem:$0x1F300] =	vst v63  }
0x78: {  	s21 =	simm.s32 @!p0 $0x9  }
0x79: {  	_ =	swait.ge @!p0 [sflag:s21], $0x3C00  }
0x7a: {  	[sflag:s21] =	ssyncset.done @!p0 $0x0  }
0x7b: {  	s22 =	simm.s32 @!p0 $0x13D00;
	[sflag:s21] =	ssyncadd.s32 @!p0 $0xFFFFC400;
	s21 =	sadd.s32 @!p0 s18, s19  }
0x7c: {  	[tilespmem:s22], [sflag:$0x3] =	stream.linear.gather @!p0 [hbm4b:s21+s7], $0x78, $0x38;
	[tilespmem:$0x1F300] =	vst v63  }
0x7d: {  	_ =	swait.ge [sflag:s8], $0x78  }
0x7e: {  	[sflag:s8] =	ssyncset.done $0x0  }
.Ltmp2:
0x7f: {  	[sflag:s8] =	ssyncadd.s32 $0xFFFFFF88;
	(pc) =	sbr.rel @p0 .LBB2_4-.Ltmp2, $4  }
0x80: {  	[spmem:s2] =	stream.indirect.scatter.add.f32 [tilespmem:s12], [sflag:$0xC], $0x80, s10, s30, $0xb8;
	[tilespmem:$0x1F300] =	vst v63  }
0x81: {  	_ =	swait.ge [sflag:s14], $0x3C00  }
0x82: {  	[sflag:s14] =	ssyncset.done $0x0  }
0x83: {  	[sflag:s14] =	ssyncadd.s32 $0xFFFFC400  }
0x84: {  	s7 =	sadd.s32 s18, s15;
	s21 =	simm.s32 $0x13E00  }
0x85: {  	[tilespmem:s21], [sflag:$0x5] =	stream.linear.gather [hbm4b:s7+s3], $0x78, $0x38;
	[tilespmem:$0x1F300] =	vst v63  }
.Ltmp3:
0x86: {  	_ = 	snop;
	(pc) =	sbr.rel .LBB2_2-.Ltmp3, $4  }
0x87: {  	_ =	swait.ge [sflag:s0], $0x78  }
0x88: {  	[sflag:s0] =	ssyncset.done $0x0  }
0x89: {  	s18 =	sadd.s32 $0x2D, s18;
	s29 =	sadd.s32 $0x168, s29;
	[sflag:s0] =	ssyncadd.s32 $0xFFFFFF88  }
0x8a: {  	[tilespmem:s1], [sflag:$0x8] =	stream.indirect.gather [hbm4b:s4+s30], $0x80, s24, s30, $0xb8;
	[tilespmem:$0x1F300] =	vst v63  }
.LBB2_5:
0x8b: {  	_ =	sfence.sel $0x180000  }
0x8c: {  	[bflag:$0x0] =	sbarrier.arrive $0xFFFF  }
0x8d: {  	_ =	strace $0x9000004D  }
0x8e: {  	s0 =	stileid.u32;
	[bflag:$0x2] =	sbarrier.arrive $0xFFFF  }
0x8f: {  	p0 =	sne.s32 s0, $0x0;
	s0 =	rddreg [dreg:$0x2]  }
0x90: {  	s0 =	sadd.s32 @!p0 $0x100000, s0  }
0x91: {  	[sflag:s0] =	ssyncadd.tile.s32 @!p0 $0x1;
	_ =	shalt  }
.Lfunc_end2:
_tile_overlayer_lowered:
.L_overlay_start_2:
0x92: {  	(tag) =	ssettag $0x2  }
0x93: {  	s0 =	rddreg [dreg:$0x0];
	s2 =	stileid.u32  }
0x94: {  	s1 =	rddreg [dreg:$0x1];
	p0 =	sne.s32 s2, $0x0  }
0x95: {  	s3 =	rddreg [dreg:$0x2];
	[bflag:$0x3] =	sbarrier.arrive $0xFFFF;
	s2 =	simm.s32 @!p0 $0x1C0D  }
0x96: {  	[timem:s3], [sflag:s2] =	dma.local @!p0 [hbm:s0], s1  }
0x97: {  	s0 =	simm.s32 @!p0 $0xD  }
0x98: {  	_ =	swait.ge @!p0 [sflag:s0], s1  }
0x99: {  	s1 =	ssub.s32 @!p0 $0x0, s1;
	[sflag:s0] =	ssyncset.done @!p0 $0x0  }
0x9a: {  	[sflag:s0] =	ssyncadd.s32 @!p0 s1  }
0x9b: {  	[bflag:$0x3] =	sbarrier.arrive $0xFFFF  }
0x9c: {  	_ =	shalt  }

// kernel: kernel.21.cloned.1.call-start
scs
__scs_entry_jumppad:
0x0: {  	(pc) =	sbr.rel $0x88, $3  }
0x1: {  	(tag) =	ssettag $0x0;
	lr =	simm.s32 $0x1  }
0x2: {  	[smem:$0x3F87] =	sst lr;
	_ =	strace $0xD0000000  }
0x3: {  	_ = 	snop  }
0x4: {  	_ = 	snop  }
0x5: {  	_ = 	snop  }
0x6: {  	_ = 	snop  }
0x7: {  	_ = 	snop  }
__scs_overlays_trampoline_lowered:
0x8: {  	[smem:$0x3F96] =	sst s0  }
0x9: {  	[smem:$0x3F97] =	sst s1  }
0xa: {  	[smem:$0x3F98] =	sst s2  }
0xb: {  	[smem:$0x3F99] =	sst s3  }
0xc: {  	[smem:$0x3F9A] =	sst s4  }
0xd: {  	[smem:$0x3F9B] =	sst s5  }
0xe: {  	[smem:$0x3F9C] =	sst s6  }
0xf: {  	[smem:$0x3F9D] =	sst s7  }
0x10: {  	[smem:$0x3F9E] =	sst s8  }
0x11: {  	[smem:$0x3F9F] =	sst s9;
	s0 =	simm.s32 @!p0 $0x0  }
0x12: {  	s1 =	sld [smem:$0x3F85];
	s0 =	simm.s32 @p0 $0x1  }
0x13: {  	[smem:$0x3FA0] =	sst s0;
	s0 =	simm.s32 @!p1 $0x0  }
0x14: {  	s2 =	sld [smem:$0x3F84];
	s0 =	simm.s32 @p1 $0x1  }
0x15: {  	[smem:$0x3FA1] =	sst s0;
	s0 =	simm.s32 @!p2 $0x0  }
0x16: {  	s3 =	sld [smem:$0x3FDB];
	s0 =	simm.s32 @p2 $0x1  }
0x17: {  	s4 =	simm.s32 $0x1BF5;
	[smem:$0x3FA3] =	sst s0  }
0x18: {  	s0 =	sld [smem:$0x3F86];
	_ =	swait.ge [sflag:s4], $0x0  }
0x19: {  	s7 =	sld [smem:$0x3F87]  }
0x1a: {  	s8 =	sadd.s32 $0xFFFFE003, lr  }
0x1b: {  	s9 =	sadd.s32 $0xFFFFFEF7, lr;
	s5 =	simm.s32 $0xFFFFFFFF;
	p2 =	slt.u32 s8, $0xFFFFF086  }
0x1c: {  	p1 =	slt.u32 s9, $0xF7A;
	s5 =	simm.s32 @!p2 $0x0  }
0x1d: {  	s5 =	simm.s32 @p1 $0x1;
	p0 =	seq.s32 s7, s2  }
0x1e: {  	s7 =	smul.u32 @!p0 $0xF7A, s2;
	p2 =	seq.s32 @!p0 s5, $0x0  }
0x1f: {  	s9 =	smul.u32 $0xF7A, s1;
	s8 =	simm.s32 @!p0 $0x1BF5;
	p2 =	por !p2, p0  }
0x20: {  	[sflag:s8] =	ssyncset.s32 @!p0 $0xFFFFF086;
	s6 =	sadd.s32 @!p0 s3, s7;
	s7 =	simm.s32 @!p0 $0x108  }
0x21: {  	s3 =	sadd.s32 s3, s9;
	s6 =	sadd.s32 @!p0 $0x88, s6;
	s7 =	simm.s32 @p2 $0x1082  }
0x22: {  	[simem:s7], [sflag:s8] =	dma.local @!p0 [hbm:s6], $0xF7A  }
0x23: {  	s9 =	sor.u32 $0xD0000000, s2;
	s6 =	simm.s32 $0x108;
	_ =	swait.ge @!p0 [sflag:s8], $0x0  }
0x24: {  	s3 =	sadd.s32 $0x88, s3;
	s6 =	simm.s32 @!p1 $0x1082;
	[sflag:s4] =	ssyncset.s32 $0xFFFFF086  }
0x25: {  	[simem:s6], [sflag:s4] =	dma.local [hbm:s3], $0xF7A  }
0x26: {  	[smem:$0x3F87] =	sst s1;
	(tag) =	ssettag s2;
	_ =	strace s9  }
0x27: {  	s1 =	sld [smem:$0x3F97]  }
0x28: {  	s2 =	sld [smem:$0x3F98]  }
0x29: {  	s4 =	sld [smem:$0x3F9A]  }
0x2a: {  	p0 =	seq.s32 s5, $0x0;
	s5 =	sld [smem:$0x3F9B]  }
0x2b: {  	s6 =	sld [smem:$0x3F9C]  }
0x2c: {  	s7 =	sld [smem:$0x3F9D]  }
0x2d: {  	s3 =	simm.s32 $0x108;
	s8 =	sld [smem:$0x3F9E]  }
0x2e: {  	s3 =	simm.s32 @!p0 $0x1082;
	s9 =	sld [smem:$0x3F9F]  }
0x2f: {  	lr =	sadd.s32 s0, s3;
	s0 =	sld [smem:$0x3F96]  }
0x30: {  	s3 =	sld [smem:$0x3F99]  }
0x31: {  	[smem:$0x3FA2] =	sst s10  }
0x32: {  	s10 =	sld [smem:$0x3FA0];
	_ =	sdelay $0x3  }
0x33: {  	p0 =	seq.s32 s10, $0x1;
	s10 =	sld [smem:$0x3FA2];
	_ =	sdelay $0x3  }
0x34: {  	[smem:$0x3FA2] =	sst s10  }
0x35: {  	s10 =	sld [smem:$0x3FA1];
	_ =	sdelay $0x3  }
0x36: {  	p1 =	seq.s32 s10, $0x1;
	s10 =	sld [smem:$0x3FA2];
	_ =	sdelay $0x3  }
0x37: {  	[smem:$0x3FA2] =	sst s10  }
0x38: {  	s10 =	sld [smem:$0x3FA3]  }
0x39: {  	_ = 	snop;
	(pc) =	sbr.ind lr, $3  }
0x3a: {  	_ = 	snop  }
0x3b: {  	_ = 	snop  }
0x3c: {  	p2 =	seq.s32 s10, $0x1;
	s10 =	sld [smem:$0x3FA2]  }
0x3d: {  	_ =	shalt  }
0x3e: {  	_ =	shalt  }
0x3f: {  	_ =	shalt  }
0x40: {  	_ =	shalt  }
0x41: {  	_ =	shalt  }
0x42: {  	_ =	shalt  }
0x43: {  	_ =	shalt  }
0x44: {  	_ =	shalt  }
0x45: {  	_ =	shalt  }
0x46: {  	_ =	shalt  }
0x47: {  	_ =	shalt  }
0x48: {  	_ =	shalt  }
0x49: {  	_ =	shalt  }
0x4a: {  	_ =	shalt  }
0x4b: {  	_ =	shalt  }
0x4c: {  	_ =	shalt  }
0x4d: {  	_ =	shalt  }
0x4e: {  	_ =	shalt  }
0x4f: {  	_ =	shalt  }
0x50: {  	_ =	shalt  }
0x51: {  	_ =	shalt  }
0x52: {  	_ =	shalt  }
0x53: {  	_ =	shalt  }
0x54: {  	_ =	shalt  }
0x55: {  	_ =	shalt  }
0x56: {  	_ =	shalt  }
0x57: {  	_ =	shalt  }
0x58: {  	_ =	shalt  }
0x59: {  	_ =	shalt  }
0x5a: {  	_ =	shalt  }
0x5b: {  	_ =	shalt  }
0x5c: {  	_ =	shalt  }
0x5d: {  	_ =	shalt  }
0x5e: {  	_ =	shalt  }
0x5f: {  	_ =	shalt  }
0x60: {  	_ =	shalt  }
0x61: {  	_ =	shalt  }
0x62: {  	_ =	shalt  }
0x63: {  	_ =	shalt  }
0x64: {  	_ =	shalt  }
0x65: {  	_ =	shalt  }
0x66: {  	_ =	shalt  }
0x67: {  	_ =	shalt  }
0x68: {  	_ =	shalt  }
0x69: {  	_ =	shalt  }
0x6a: {  	_ =	shalt  }
0x6b: {  	_ =	shalt  }
0x6c: {  	_ =	shalt  }
0x6d: {  	_ =	shalt  }
0x6e: {  	_ =	shalt  }
0x6f: {  	_ =	shalt  }
0x70: {  	_ =	shalt  }
0x71: {  	_ =	shalt  }
0x72: {  	_ =	shalt  }
0x73: {  	_ =	shalt  }
0x74: {  	_ =	shalt  }
0x75: {  	_ =	shalt  }
0x76: {  	_ =	shalt  }
0x77: {  	_ =	shalt  }
0x78: {  	_ =	shalt  }
0x79: {  	_ =	shalt  }
0x7a: {  	_ =	shalt  }
0x7b: {  	_ =	shalt  }
0x7c: {  	_ =	shalt  }
0x7d: {  	_ =	shalt  }
0x7e: {  	_ =	shalt  }
0x7f: {  	_ =	shalt  }
0x80: {  	_ =	shalt  }
0x81: {  	_ =	shalt  }
0x82: {  	_ =	shalt  }
0x83: {  	_ =	shalt  }
0x84: {  	_ =	shalt  }
0x85: {  	_ =	shalt  }
0x86: {  	_ =	shalt  }
0x87: {  	_ =	shalt  }
.Lfunc_end0:
.L_simem_size_0:
called_computation.3_lowered:
.L_overlay_start_0:
0x88: {  	s2 =	sld [smem:$0x3FD9]  }
0x89: {  	s3 =	sld [smem:$0x3FFE];
	_ =	sdelay $0x1  }
0x8a: {  	s1 =	srdreg.scid  }
0x8b: {  	s0 =	sand.u32 $0x1, s1  }
0x8c: {  	s16 =	sshll.u32 s0, $0xA;
	s2 =	sadd.s32 s3, s2  }
0x8d: {  	s2 =	sadd.s32 s2, s16  }
0x8e: {  	[smem:$0x3FAE] =	sst s2  }
0x8f: {  	_ = 	snop  }
0x90: {  	(tm) =	ssettm $0x1  }
0x91: {  	s17 =	sld [smem:$0x3FFB];
	_ =	sdelay $0x3  }
0x92: {  	_ =	strace s17  }
0x93: {  	s2 =	sld [smem:$0x3FFC];
	_ =	sdelay $0x3  }
0x94: {  	_ =	strace s2  }
0x95: {  	s2 =	sld [smem:$0x3FFD];
	_ =	sdelay $0x3  }
0x96: {  	_ =	strace s2  }
0x97: {  	_ =	strace $0x8FFFFFFF  }
0x98: {  	s18 =	sld [smem:$0x3FDB];
	_ =	sdelay $0x1  }
0x99: {  	s19 =	simm.s32 $_scs_section_size  }
0x9a: {  	s4 =	simm.s32 $_size__tile_overlayer_lowered;
	s5 =	simm.s32 $_tile_overlayer_lowered  }
0x9b: {  	s22 =	simm.s32 $0x1BFF;
	s21 =	sshll.u32 s5, $0x1;
	s2 =	sadd.s32 s19, s18  }
0x9c: {  	s6 =	simm.s32 $0x0;
	s20 =	sshll.u32 s4, $0x1;
	s4 =	sadd.s32 s21, s2  }
0x9d: {  	[timem:s6], [sflag:s22] =	dma.local [hbm:s4], s20  }
0x9e: {  	_ =	swait.ge [sflag:s22], s20  }
0x9f: {  	s3 =	ssub.s32 $0x0, s20;
	[sflag:s22] =	ssyncset.done $0x0  }
0xa0: {  	[sflag:s22] =	ssyncadd.s32 s3;
	_ =	sdelay $0x1  }
0xa1: {  	s23 =	simm.s32 $0x1B8B  }
0xa2: {  	_ =	swait.ge [sflag:s23], $0x1  }
0xa3: {  	[sflag:s23] =	ssyncset.done $0x0  }
0xa4: {  	s25 =	simm.s32 $0x1B8E;
	s24 =	sld [smem:$0x3FFE];
	[sflag:s23] =	ssyncadd.s32 $0xFFFFFFFF  }
0xa5: {  	s26 =	simm.s32 $execute0_lowered;
	[smem:$0x3FD2] =	sst s25  }
0xa6: {  	s4 =	sshll.u32 s26, $0x1;
	_ =	strace $0x8000004F;
	[dreg:$0x1] =	wrdreg $0xFFFFFFFF  }
0xa7: {  	s28 =	simm.s32 $_size_execute0_lowered;
	s2 =	sadd.s32 s2, s4;
	[dreg:$0x0] =	wrdreg $0x0  }
0xa8: {  	s4 =	sshll.u32 s28, $0x1;
	[dreg:$0x2] =	wrdreg s2  }
0xa9: {  	[dreg:$0x3] =	wrdreg s4  }
0xaa: {  	[dreg:$0x4] =	wrdreg $0xC0  }
0xab: {  	_ =	task [dreg:s6], $0x5FFFF  }
0xac: {  	[dreg:$0x1] =	wrdreg $0xFFFFFFFF  }
0xad: {  	[dreg:$0x0] =	wrdreg $0x60  }
0xae: {  	[dreg:$0x2] =	wrdreg s24  }
0xaf: {  	[dreg:$0x3] =	wrdreg $0x0  }
0xb0: {  	[dreg:$0x4] =	wrdreg $0x9  }
0xb1: {  	_ =	task.clear_ibuf [dreg:s6], $0x5FFFF;
	_ =	strace $0x9000004F  }
0xb2: {  	s29 =	simm.s32 $0x9;
	_ =	strace $0x80000051  }
0xb3: {  	_ =	swait.ge [sflag:s29], $0x1  }
0xb4: {  	[sflag:s29] =	ssyncadd.s32 $0xFFFFFFFF  }
0xb5: {  	_ =	strace $0x90000051  }
0xb6: {  	_ =	sfence  }
0xb7: {  	s30 =	sld [smem:$0x0];
	_ =	sdelay $0x2  }
0xb8: {  	s31 =	sshll.u32 s1, $0xD;
	s1 =	sshrl.u32 s1, $0x2  }
0xb9: {  	s3 =	sand.u32 $0x4000, s31;
	s1 =	sadd.s32 s1, s30  }
0xba: {  	s0 =	sor.u32 s3, s0;
	s1 =	sshll.u32 s1, $0x11  }
0xbb: {  	s0 =	sor.u32 s1, s0  }
0xbc: {  	s0 =	sadd.s32 $0x8F2B, s0  }
0xbd: {  	[sflag:s0] =	ssyncadd.remote.s32 $0x1  }
0xbe: {  	_ =	sfence.sel $0xFFFF  }
0xbf: {  	[dreg:$0x0] =	wrdreg $0xFFFFFFFF;
	(pc) =	sbr.abs _section_cstart, $3  }
0xc0: {  	[dreg:$0x1] =	wrdreg $0xFFFFFFFF  }
0xc1: {  	_ =	task.clear_ibuf [dreg:s6], $0x2FFFF;
	_ =	strace $0x9FFFFFFF  }
0xc2: {  	(tm) =	ssettm $0x7FFFFFFF  }
0xc3: {  	_ =	shalt  }
tec
execute0_lowered:
.L_overlay_start_1:
0x0: {  	(tag) =	ssettag $0x1  }
0x1: {  	s0 =	rddreg [dreg:$0x0]  }
0x2: {  	s2 =	rddreg [dreg:$0x1]  }
0x3: {  	s11 =	stileid.u32;
	s1 =	srdreg.scid  }
0x4: {  	s3 =	simm.s32 $0x0;
	s30 =	simm.s32 $0x78;
	s6 =	smul.u32 $0x2780, s11  }
0x5: {  	s31 =	simm.s32 $0x13F00;
	s1 =	sand.u32 $0x1, s1;
	s10 =	smul.u32 $0x4F000, s11  }
0x6: {  	[smem:$0x7FF] =	sst s3;
	s4 =	sadd.s32 $0x4A00, s0;
	s15 =	smul.u32 $0x28C8, s11  }
0x7: {  	s5 =	sadd.s32 $0x2C000, s0;
	s7 =	smul.u32 $0x27800, s1;
	_ =	strace $0x80000050  }
0x8: {  	s25 =	ssub.s32 $0x2, s1;
	s9 =	sshll.u32 s1, $0x4;
	s1 =	smul.u32 $0x28C80, s1  }
0x9: {  	s8 =	sadd.s32 s6, s0;
	s26 =	sshrl.u32 s25, $0x1;
	s9 =	sor.u32 s11, s9  }
0xa: {  	s29 =	sshrl.u32 s10, $0x2;
	s10 =	sshll.u32 s11, $0x6;
	s11 =	simm.s32 $0x3  }
0xb: {  	s6 =	sadd.s32 s6, s7;
	s28 =	smul.u32 $0x28C8, s9;
	s9 =	sadd.s32 s29, s2  }
0xc: {  	s8 =	sadd.s32 $0x40800, s8;
	s18 =	sor.u32 $0x1C0D, s10;
	s19 =	sadd.s32 s15, s1  }
0xd: {  	s10 =	simm.s32 $0x13E80;
	s0 =	sadd.s32 s6, s0;
	s6 =	ssub.s32 s25, s26  }
0xe: {  	[dreg:$0x3] =	wrdreg s8;
	s21 =	sadd.s32 $0x51AE0, s19;
	s22 =	sadd.s32 $0x1E0, s19  }
0xf: {  	s23 =	sadd.s32 $0x51A68, s19;
	s25 =	sadd.s32 $0x258, s19;
	s26 =	sadd.s32 $0x519F0, s19  }
0x10: {  	[dreg:$0x4] =	wrdreg s18;
	s12 =	sshrl.u32 s28, $0x3;
	s13 =	sadd.s32 $0x78, s28  }
0x11: {  	s7 =	sadd.s32 $0x51978, s28;
	s0 =	sadd.s32 $0x68000, s0;
	s20 =	smax.u32 s6, $0x1  }
0x12: {  	s1 =	sshrl.u32 s21, $0x3;
	s6 =	sshrl.u32 s22, $0x3;
	s24 =	sshrl.u32 s23, $0x3  }
0x13: {  	s28 =	sshrl.u32 s25, $0x3;
	s29 =	sshrl.u32 s26, $0x3;
	s21 =	sshrl.u32 s9, $0x3  }
0x14: {  	s22 =	simm.s32 $0xD;
	s25 =	simm.s32 $0x13D00;
	s26 =	simm.s32 $0x13D80  }
0x15: {  	s9 =	simm.s32 $0x4;
	s23 =	simm.s32 $0x0;
	s12 =	sadd.s32 s5, s12  }
0x16: {  	s14 =	sshrl.u32 s13, $0x3;
	s7 =	sshrl.u32 s7, $0x3;
	[dreg:$0xa] =	wrdreg s0  }
0x17: {  	[dreg:$0xb] =	wrdreg s20;
	s15 =	sadd.s32 s1, s5;
	s0 =	sadd.s32 $0x168, s19  }
0x18: {  	s19 =	sadd.s32 s28, s5;
	s20 =	sadd.s32 s29, s5;
	[dreg:$0xd] =	wrdreg s21  }
0x19: {  	s1 =	simm.s32 $0x17B00;
	s13 =	simm.s32 $0x8;
	[dreg:$0x5] =	wrdreg s12  }
0x1a: {  	s8 =	sadd.s32 s5, s14;
	s16 =	sadd.s32 $0x1E, s12;
	[dreg:$0xc] =	wrdreg s0  }
.Ltmp0:
0x1b: {  	s17 =	sadd.s32 $0xA320, s12;
	[dreg:$0x6] =	wrdreg s8;
	(pc) =	sbr.rel .LBB2_1-.Ltmp0, $4  }
0x1c: {  	s7 =	sadd.s32 s5, s7;
	s0 =	simm.s32 $0x2;
	[dreg:$0x7] =	wrdreg s16  }
0x1d: {  	s12 =	simm.s32 $0x1B700;
	s14 =	simm.s32 $0xB;
	[dreg:$0x8] =	wrdreg s17  }
0x1e: {  	[dreg:$0x9] =	wrdreg s7;
	s16 =	sadd.s32 s6, s5;
	s17 =	sadd.s32 s24, s5  }
0x1f: {  	s24 =	simm.s32 $0x13C80;
	s6 =	simm.s32 $0x7;
	s8 =	simm.s32 $0x6  }
.LBB2_4:
0x20: {  	s7 =	simm.s32 $0xC  }
0x21: {  	_ =	swait.ge [sflag:s7], $0x3C00  }
0x22: {  	[sflag:s7] =	ssyncset.done $0x0  }
0x23: {  	[sflag:s7] =	ssyncadd.s32 $0xFFFFC400  }
0x24: {  	[bflag:$0x0] =	sbarrier.arrive $0xFFFF  }
0x25: {  	s18 =	rddreg [dreg:$0x4]  }
0x26: {  	s28 =	rddreg [dreg:$0xa]  }
0x27: {  	s22 =	simm.s32 $0xD;
	s21 =	rddreg [dreg:$0xd]  }
0x28: {  	[hbm:s28], [sflag:s18] =	dma.local [spmem:s21], $0x2780  }
0x29: {  	_ =	swait.ge [sflag:s22], $0x2780  }
0x2a: {  	s23 =	rddreg [dreg:$0xe]  }
0x2b: {  	s29 =	rddreg [dreg:$0xb];
	s23 =	sadd.s32 $0x1, s23  }
0x2c: {  	p0 =	sne.s32 s23, s29  }
.Ltmp1:
0x2d: {  	_ = 	snop;
	(pc) =	sbr.rel @!p0 .LBB2_5-.Ltmp1, $3  }
0x2e: {  	_ =	sdelay $0x1  }
0x2f: {  	[sflag:s22] =	ssyncset.done $0x0  }
0x30: {  	[sflag:s22] =	ssyncadd.s32 $0xFFFFD880  }
.LBB2_1:
0x31: {  	[dreg:$0xe] =	wrdreg s23  }
0x32: {  	s7 =	rddreg [dreg:$0x3]  }
0x33: {  	[spmem:s21], [sflag:s18] =	dma.local [hbm:s7], $0x2780  }
0x34: {  	_ =	swait.ge [sflag:s22], $0x2780  }
0x35: {  	[sflag:s22] =	ssyncset.done $0x0  }
0x36: {  	[sflag:s22] =	ssyncadd.s32 $0xFFFFD880  }
0x37: {  	[bflag:$0x0] =	sbarrier.arrive $0xFFFF  }
0x38: {  	s18 =	simm.s32 $0x13C00;
	s22 =	rddreg [dreg:$0x5]  }
0x39: {  	[tilespmem:s18], [sflag:$0x1] =	stream.linear.gather [hbm4b:s22+s3], $0x78, $0x38;
	[tilespmem:$0x1F300] =	vst v63  }
0x3a: {  	s23 =	rddreg [dreg:$0x6]  }
0x3b: {  	[tilespmem:s24], [sflag:$0x2] =	stream.linear.gather [hbm4b:s23+s3], $0x78, $0x38;
	[tilespmem:$0x1F300] =	vst v63  }
0x3c: {  	s28 =	rddreg [dreg:$0x7]  }
0x3d: {  	[tilespmem:s25], [sflag:$0x3] =	stream.linear.gather [hbm4b:s28+s3], $0x78, $0x38;
	[tilespmem:$0x1F300] =	vst v63  }
0x3e: {  	s21 =	rddreg [dreg:$0x8]  }
0x3f: {  	[tilespmem:s26], [sflag:$0x4] =	stream.linear.gather [hbm4b:s21+s3], $0x78, $0x38;
	[tilespmem:$0x1F300] =	vst v63  }
0x40: {  	s22 =	rddreg [dreg:$0x9];
	s23 =	simm.s32 $0x13E00;
	s28 =	simm.s32 $0x1  }
0x41: {  	[tilespmem:s23], [sflag:$0x5] =	stream.linear.gather [hbm4b:s22+s3], $0x78, $0x38;
	[tilespmem:$0x1F300] =	vst v63  }
0x42: {  	_ =	swait.ge [sflag:s28], $0x78  }
0x43: {  	[sflag:s28] =	ssyncset.done $0x0  }
0x44: {  	[sflag:s28] =	ssyncadd.s32 $0xFFFFFF88  }
0x45: {  	[tilespmem:s31], [sflag:$0x7] =	stream.indirect.gather [hbm4b:s4+s30], $0x80, s18, s30, $0xb8;
	[tilespmem:$0x1F300] =	vst v63  }
0x46: {  	_ =	swait.ge [sflag:s0], $0x78  }
0x47: {  	[sflag:s0] =	ssyncset.done $0x0  }
0x48: {  	s18 =	simm.s32 $0x0;
	s29 =	rddreg [dreg:$0xc];
	[sflag:s0] =	ssyncadd.s32 $0xFFFFFF88  }
0x49: {  	[tilespmem:s1], [sflag:$0x8] =	stream.indirect.gather [hbm4b:s4+s30], $0x80, s24, s30, $0xb8;
	[tilespmem:$0x1F300] =	vst v63  }
.LBB2_2:
0x4a: {  	_ =	swait.ge [sflag:s6], $0x3C00;
	p0 =	seq.s32 s18, $0x4EC  }
0x4b: {  	[sflag:s6] =	ssyncset.done $0x0;
	s7 =	sshrl.u32 @!p0 s29, $0x3;
	s22 =	simm.s32 @!p0 $0x13C00  }
0x4c: {  	[sflag:s6] =	ssyncadd.s32 $0xFFFFC400;
	s21 =	sadd.s32 @!p0 s5, s7;
	s7 =	simm.s32 @!p0 $0x0  }
0x4d: {  	[tilespmem:s22], [sflag:$0x1] =	stream.linear.gather @!p0 [hbm4b:s21+s7], $0x78, $0x38;
	[tilespmem:$0x1F300] =	vst v63  }
0x4e: {  	_ =	swait.ge [sflag:s9], $0x78  }
0x4f: {  	p1 =	seq.s32 s18, $0x0;
	[sflag:s9] =	ssyncset.done $0x0  }
0x50: {  	s21 =	simm.s32 @!p1 $0xC;
	[sflag:s9] =	ssyncadd.s32 $0xFFFFFF88  }
0x51: {  	[spmem:s2] =	stream.indirect.scatter.add.f32 [tilespmem:s31], [sflag:$0xA], $0x80, s26, s30, $0xb8;
	[tilespmem:$0x1F300] =	vst v63  }
0x52: {  	_ =	swait.ge @!p1 [sflag:s21], $0x3C00  }
0x53: {  	[sflag:s21] =	ssyncset.done @!p1 $0x0  }
0x54: {  	s28 =	sadd.s32 s18, s20;
	[sflag:s21] =	ssyncadd.s32 @!p1 $0xFFFFC400  }
0x55: {  	[tilespmem:s10], [sflag:$0x6] =	stream.linear.gather [hbm4b:s28+s3], $0x78, $0x38;
	[tilespmem:$0x1F300] =	vst v63  }
0x56: {  	_ =	swait.ge [sflag:s11], $0x78  }
0x57: {  	[sflag:s11] =	ssyncset.done $0x0  }
0x58: {  	[sflag:s11] =	ssyncadd.s32 $0xFFFFFF88  }
0x59: {  	[tilespmem:s12], [sflag:$0x9] =	stream.indirect.gather [hbm4b:s4+s30], $0x80, s25, s30, $0xb8;
	[tilespmem:$0x1F300] =	vst v63  }
0x5a: {  	_ =	swait.ge [sflag:s13], $0x3C00  }
0x5b: {  	[sflag:s13] =	ssyncset.done $0x0  }
0x5c: {  	s21 =	simm.s32 @p0 $0x5;
	[sflag:s13] =	ssyncadd.s32 $0xFFFFC400  }
0x5d: {  	_ =	swait.ge @p0 [sflag:s21], $0x78  }
0x5e: {  	s23 =	simm.s32 @p0 $0x13E00;
	[sflag:s21] =	ssyncset.done @p0 $0x0  }
0x5f: {  	s28 =	simm.s32 @p0 $0x17B00;
	[sflag:s21] =	ssyncadd.s32 @p0 $0xFFFFFF88;
	s21 =	simm.s32 @p0 $0x78  }
0x60: {  	[spmem:s2] =	stream.indirect.scatter.add.f32 @p0 [tilespmem:s28], [sflag:$0xB], $0x80, s23, s21, $0xb8;
	[tilespmem:$0x1F300] =	vst v63  }
0x61: {  	s21 =	simm.s32 @p0 $0xA  }
0x62: {  	_ =	swait.ge @p0 [sflag:s21], $0x3C00  }
0x63: {  	[sflag:s21] =	ssyncset.done @p0 $0x0  }
0x64: {  	[sflag:s21] =	ssyncadd.s32 @p0 $0xFFFFC400;
	s21 =	simm.s32 @p0 $0x9  }
0x65: {  	_ =	swait.ge @p0 [sflag:s21], $0x3C00  }
0x66: {  	[sflag:s21] =	ssyncset.done @p0 $0x0  }
0x67: {  	s23 =	simm.s32 @!p0 $0x13C80;
	[sflag:s21] =	ssyncadd.s32 @p0 $0xFFFFC400;
	s21 =	sadd.s32 @!p0 s18, s16  }
0x68: {  	[tilespmem:s23], [sflag:$0x2] =	stream.linear.gather @!p0 [hbm4b:s21+s7], $0x78, $0x38;
	[tilespmem:$0x1F300] =	vst v63  }
0x69: {  	s21 =	simm.s32 @!p0 $0x5  }
0x6a: {  	_ =	swait.ge @!p0 [sflag:s21], $0x78  }
0x6b: {  	s28 =	simm.s32 @!p0 $0x17B00;
	[sflag:s21] =	ssyncset.done @!p0 $0x0  }
0x6c: {  	s23 =	simm.s32 @!p0 $0x13E00;
	[sflag:s21] =	ssyncadd.s32 @!p0 $0xFFFFFF88;
	s21 =	simm.s32 @!p0 $0x78  }
0x6d: {  	[spmem:s2] =	stream.indirect.scatter.add.f32 @!p0 [tilespmem:s28], [sflag:$0xB], $0x80, s23, s21, $0xb8;
	[tilespmem:$0x1F300] =	vst v63  }
0x6e: {  	s23 =	simm.s32 @!p0 $0xA  }
0x6f: {  	_ =	swait.ge @!p0 [sflag:s23], $0x3C00  }
0x70: {  	[sflag:s23] =	ssyncset.done @!p0 $0x0  }
0x71: {  	s28 =	simm.s32 @!p0 $0x13D80;
	[sflag:s23] =	ssyncadd.s32 @!p0 $0xFFFFC400;
	s23 =	sadd.s32 @!p0 s18, s17  }
0x72: {  	[tilespmem:s28], [sflag:$0x4] =	stream.linear.gather @!p0 [hbm4b:s23+s7], $0x78, $0x38;
	[tilespmem:$0x1F300] =	vst v63  }
0x73: {  	s23 =	simm.s32 @!p0 $0x1  }
0x74: {  	_ =	swait.ge @!p0 [sflag:s23], $0x78  }
0x75: {  	[sflag:s23] =	ssyncset.done @!p0 $0x0  }
0x76: {  	[sflag:s23] =	ssyncadd.s32 @!p0 $0xFFFFFF88;
	s23 =	simm.s32 @!p0 $0x13F00  }
0x77: {  	[tilespmem:s23], [sflag:$0x7] =	stream.indirect.gather @!p0 [hbm4b:s4+s21], $0x80, s22, s21, $0xb8;
	[tilespmem:$0x1F300] =	vst v63  }
0x78: {  	s21 =	simm.s32 @!p0 $0x9  }
0x79: {  	_ =	swait.ge @!p0 [sflag:s21], $0x3C00  }
0x7a: {  	[sflag:s21] =	ssyncset.done @!p0 $0x0  }
0x7b: {  	s22 =	simm.s32 @!p0 $0x13D00;
	[sflag:s21] =	ssyncadd.s32 @!p0 $0xFFFFC400;
	s21 =	sadd.s32 @!p0 s18, s19  }
0x7c: {  	[tilespmem:s22], [sflag:$0x3] =	stream.linear.gather @!p0 [hbm4b:s21+s7], $0x78, $0x38;
	[tilespmem:$0x1F300] =	vst v63  }
0x7d: {  	_ =	swait.ge [sflag:s8], $0x78  }
0x7e: {  	[sflag:s8] =	ssyncset.done $0x0  }
.Ltmp2:
0x7f: {  	[sflag:s8] =	ssyncadd.s32 $0xFFFFFF88;
	(pc) =	sbr.rel @p0 .LBB2_4-.Ltmp2, $4  }
0x80: {  	[spmem:s2] =	stream.indirect.scatter.add.f32 [tilespmem:s12], [sflag:$0xC], $0x80, s10, s30, $0xb8;
	[tilespmem:$0x1F300] =	vst v63  }
0x81: {  	_ =	swait.ge [sflag:s14], $0x3C00  }
0x82: {  	[sflag:s14] =	ssyncset.done $0x0  }
0x83: {  	[sflag:s14] =	ssyncadd.s32 $0xFFFFC400  }
0x84: {  	s7 =	sadd.s32 s18, s15;
	s21 =	simm.s32 $0x13E00  }
0x85: {  	[tilespmem:s21], [sflag:$0x5] =	stream.linear.gather [hbm4b:s7+s3], $0x78, $0x38;
	[tilespmem:$0x1F300] =	vst v63  }
.Ltmp3:
0x86: {  	_ = 	snop;
	(pc) =	sbr.rel .LBB2_2-.Ltmp3, $4  }
0x87: {  	_ =	swait.ge [sflag:s0], $0x78  }
0x88: {  	[sflag:s0] =	ssyncset.done $0x0  }
0x89: {  	s18 =	sadd.s32 $0x2D, s18;
	s29 =	sadd.s32 $0x168, s29;
	[sflag:s0] =	ssyncadd.s32 $0xFFFFFF88  }
0x8a: {  	[tilespmem:s1], [sflag:$0x8] =	stream.indirect.gather [hbm4b:s4+s30], $0x80, s24, s30, $0xb8;
	[tilespmem:$0x1F300] =	vst v63  }
.LBB2_5:
0x8b: {  	_ =	sfence.sel $0x180000  }
0x8c: {  	[bflag:$0x0] =	sbarrier.arrive $0xFFFF  }
0x8d: {  	_ =	strace $0x90000050  }
0x8e: {  	s0 =	stileid.u32;
	[bflag:$0x2] =	sbarrier.arrive $0xFFFF  }
0x8f: {  	p0 =	sne.s32 s0, $0x0;
	s0 =	rddreg [dreg:$0x2]  }
0x90: {  	s0 =	sadd.s32 @!p0 $0x100000, s0  }
0x91: {  	[sflag:s0] =	ssyncadd.tile.s32 @!p0 $0x1;
	_ =	shalt  }
.Lfunc_end2:
_tile_overlayer_lowered:
.L_overlay_start_2:
0x92: {  	(tag) =	ssettag $0x2  }
0x93: {  	s0 =	rddreg [dreg:$0x0];
	s2 =	stileid.u32  }
0x94: {  	s1 =	rddreg [dreg:$0x1];
	p0 =	sne.s32 s2, $0x0  }
0x95: {  	s3 =	rddreg [dreg:$0x2];
	[bflag:$0x3] =	sbarrier.arrive $0xFFFF;
	s2 =	simm.s32 @!p0 $0x1C0D  }
0x96: {  	[timem:s3], [sflag:s2] =	dma.local @!p0 [hbm:s0], s1  }
0x97: {  	s0 =	simm.s32 @!p0 $0xD  }
0x98: {  	_ =	swait.ge @!p0 [sflag:s0], s1  }
0x99: {  	s1 =	ssub.s32 @!p0 $0x0, s1;
	[sflag:s0] =	ssyncset.done @!p0 $0x0  }
0x9a: {  	[sflag:s0] =	ssyncadd.s32 @!p0 s1  }
0x9b: {  	[bflag:$0x3] =	sbarrier.arrive $0xFFFF  }
0x9c: {  	_ =	shalt  }

// kernel: kernel.24.cloned.1.call-start
scs
__scs_entry_jumppad:
0x0: {  	(pc) =	sbr.rel $0x88, $3  }
0x1: {  	(tag) =	ssettag $0x0;
	lr =	simm.s32 $0x1  }
0x2: {  	[smem:$0x3F87] =	sst lr;
	_ =	strace $0xD0000000  }
0x3: {  	_ = 	snop  }
0x4: {  	_ = 	snop  }
0x5: {  	_ = 	snop  }
0x6: {  	_ = 	snop  }
0x7: {  	_ = 	snop  }
__scs_overlays_trampoline_lowered:
0x8: {  	[smem:$0x3F96] =	sst s0  }
0x9: {  	[smem:$0x3F97] =	sst s1  }
0xa: {  	[smem:$0x3F98] =	sst s2  }
0xb: {  	[smem:$0x3F99] =	sst s3  }
0xc: {  	[smem:$0x3F9A] =	sst s4  }
0xd: {  	[smem:$0x3F9B] =	sst s5  }
0xe: {  	[smem:$0x3F9C] =	sst s6  }
0xf: {  	[smem:$0x3F9D] =	sst s7  }
0x10: {  	[smem:$0x3F9E] =	sst s8  }
0x11: {  	[smem:$0x3F9F] =	sst s9;
	s0 =	simm.s32 @!p0 $0x0  }
0x12: {  	s1 =	sld [smem:$0x3F85];
	s0 =	simm.s32 @p0 $0x1  }
0x13: {  	[smem:$0x3FA0] =	sst s0;
	s0 =	simm.s32 @!p1 $0x0  }
0x14: {  	s2 =	sld [smem:$0x3F84];
	s0 =	simm.s32 @p1 $0x1  }
0x15: {  	[smem:$0x3FA1] =	sst s0;
	s0 =	simm.s32 @!p2 $0x0  }
0x16: {  	s3 =	sld [smem:$0x3FDB];
	s0 =	simm.s32 @p2 $0x1  }
0x17: {  	s4 =	simm.s32 $0x1BF5;
	[smem:$0x3FA3] =	sst s0  }
0x18: {  	s0 =	sld [smem:$0x3F86];
	_ =	swait.ge [sflag:s4], $0x0  }
0x19: {  	s7 =	sld [smem:$0x3F87]  }
0x1a: {  	s8 =	sadd.s32 $0xFFFFE003, lr  }
0x1b: {  	s9 =	sadd.s32 $0xFFFFFEF7, lr;
	s5 =	simm.s32 $0xFFFFFFFF;
	p2 =	slt.u32 s8, $0xFFFFF086  }
0x1c: {  	p1 =	slt.u32 s9, $0xF7A;
	s5 =	simm.s32 @!p2 $0x0  }
0x1d: {  	s5 =	simm.s32 @p1 $0x1;
	p0 =	seq.s32 s7, s2  }
0x1e: {  	s7 =	smul.u32 @!p0 $0xF7A, s2;
	p2 =	seq.s32 @!p0 s5, $0x0  }
0x1f: {  	s9 =	smul.u32 $0xF7A, s1;
	s8 =	simm.s32 @!p0 $0x1BF5;
	p2 =	por !p2, p0  }
0x20: {  	[sflag:s8] =	ssyncset.s32 @!p0 $0xFFFFF086;
	s6 =	sadd.s32 @!p0 s3, s7;
	s7 =	simm.s32 @!p0 $0x108  }
0x21: {  	s3 =	sadd.s32 s3, s9;
	s6 =	sadd.s32 @!p0 $0x88, s6;
	s7 =	simm.s32 @p2 $0x1082  }
0x22: {  	[simem:s7], [sflag:s8] =	dma.local @!p0 [hbm:s6], $0xF7A  }
0x23: {  	s9 =	sor.u32 $0xD0000000, s2;
	s6 =	simm.s32 $0x108;
	_ =	swait.ge @!p0 [sflag:s8], $0x0  }
0x24: {  	s3 =	sadd.s32 $0x88, s3;
	s6 =	simm.s32 @!p1 $0x1082;
	[sflag:s4] =	ssyncset.s32 $0xFFFFF086  }
0x25: {  	[simem:s6], [sflag:s4] =	dma.local [hbm:s3], $0xF7A  }
0x26: {  	[smem:$0x3F87] =	sst s1;
	(tag) =	ssettag s2;
	_ =	strace s9  }
0x27: {  	s1 =	sld [smem:$0x3F97]  }
0x28: {  	s2 =	sld [smem:$0x3F98]  }
0x29: {  	s4 =	sld [smem:$0x3F9A]  }
0x2a: {  	p0 =	seq.s32 s5, $0x0;
	s5 =	sld [smem:$0x3F9B]  }
0x2b: {  	s6 =	sld [smem:$0x3F9C]  }
0x2c: {  	s7 =	sld [smem:$0x3F9D]  }
0x2d: {  	s3 =	simm.s32 $0x108;
	s8 =	sld [smem:$0x3F9E]  }
0x2e: {  	s3 =	simm.s32 @!p0 $0x1082;
	s9 =	sld [smem:$0x3F9F]  }
0x2f: {  	lr =	sadd.s32 s0, s3;
	s0 =	sld [smem:$0x3F96]  }
0x30: {  	s3 =	sld [smem:$0x3F99]  }
0x31: {  	[smem:$0x3FA2] =	sst s10  }
0x32: {  	s10 =	sld [smem:$0x3FA0];
	_ =	sdelay $0x3  }
0x33: {  	p0 =	seq.s32 s10, $0x1;
	s10 =	sld [smem:$0x3FA2];
	_ =	sdelay $0x3  }
0x34: {  	[smem:$0x3FA2] =	sst s10  }
0x35: {  	s10 =	sld [smem:$0x3FA1];
	_ =	sdelay $0x3  }
0x36: {  	p1 =	seq.s32 s10, $0x1;
	s10 =	sld [smem:$0x3FA2];
	_ =	sdelay $0x3  }
0x37: {  	[smem:$0x3FA2] =	sst s10  }
0x38: {  	s10 =	sld [smem:$0x3FA3]  }
0x39: {  	_ = 	snop;
	(pc) =	sbr.ind lr, $3  }
0x3a: {  	_ = 	snop  }
0x3b: {  	_ = 	snop  }
0x3c: {  	p2 =	seq.s32 s10, $0x1;
	s10 =	sld [smem:$0x3FA2]  }
0x3d: {  	_ =	shalt  }
0x3e: {  	_ =	shalt  }
0x3f: {  	_ =	shalt  }
0x40: {  	_ =	shalt  }
0x41: {  	_ =	shalt  }
0x42: {  	_ =	shalt  }
0x43: {  	_ =	shalt  }
0x44: {  	_ =	shalt  }
0x45: {  	_ =	shalt  }
0x46: {  	_ =	shalt  }
0x47: {  	_ =	shalt  }
0x48: {  	_ =	shalt  }
0x49: {  	_ =	shalt  }
0x4a: {  	_ =	shalt  }
0x4b: {  	_ =	shalt  }
0x4c: {  	_ =	shalt  }
0x4d: {  	_ =	shalt  }
0x4e: {  	_ =	shalt  }
0x4f: {  	_ =	shalt  }
0x50: {  	_ =	shalt  }
0x51: {  	_ =	shalt  }
0x52: {  	_ =	shalt  }
0x53: {  	_ =	shalt  }
0x54: {  	_ =	shalt  }
0x55: {  	_ =	shalt  }
0x56: {  	_ =	shalt  }
0x57: {  	_ =	shalt  }
0x58: {  	_ =	shalt  }
0x59: {  	_ =	shalt  }
0x5a: {  	_ =	shalt  }
0x5b: {  	_ =	shalt  }
0x5c: {  	_ =	shalt  }
0x5d: {  	_ =	shalt  }
0x5e: {  	_ =	shalt  }
0x5f: {  	_ =	shalt  }
0x60: {  	_ =	shalt  }
0x61: {  	_ =	shalt  }
0x62: {  	_ =	shalt  }
0x63: {  	_ =	shalt  }
0x64: {  	_ =	shalt  }
0x65: {  	_ =	shalt  }
0x66: {  	_ =	shalt  }
0x67: {  	_ =	shalt  }
0x68: {  	_ =	shalt  }
0x69: {  	_ =	shalt  }
0x6a: {  	_ =	shalt  }
0x6b: {  	_ =	shalt  }
0x6c: {  	_ =	shalt  }
0x6d: {  	_ =	shalt  }
0x6e: {  	_ =	shalt  }
0x6f: {  	_ =	shalt  }
0x70: {  	_ =	shalt  }
0x71: {  	_ =	shalt  }
0x72: {  	_ =	shalt  }
0x73: {  	_ =	shalt  }
0x74: {  	_ =	shalt  }
0x75: {  	_ =	shalt  }
0x76: {  	_ =	shalt  }
0x77: {  	_ =	shalt  }
0x78: {  	_ =	shalt  }
0x79: {  	_ =	shalt  }
0x7a: {  	_ =	shalt  }
0x7b: {  	_ =	shalt  }
0x7c: {  	_ =	shalt  }
0x7d: {  	_ =	shalt  }
0x7e: {  	_ =	shalt  }
0x7f: {  	_ =	shalt  }
0x80: {  	_ =	shalt  }
0x81: {  	_ =	shalt  }
0x82: {  	_ =	shalt  }
0x83: {  	_ =	shalt  }
0x84: {  	_ =	shalt  }
0x85: {  	_ =	shalt  }
0x86: {  	_ =	shalt  }
0x87: {  	_ =	shalt  }
.Lfunc_end0:
.L_simem_size_0:
called_computation.4_lowered:
.L_overlay_start_0:
0x88: {  	s2 =	sld [smem:$0x3FD9]  }
0x89: {  	s3 =	sld [smem:$0x3FFE];
	_ =	sdelay $0x1  }
0x8a: {  	s1 =	srdreg.scid  }
0x8b: {  	s0 =	sand.u32 $0x1, s1  }
0x8c: {  	s16 =	sshll.u32 s0, $0xA;
	s2 =	sadd.s32 s3, s2  }
0x8d: {  	s2 =	sadd.s32 s2, s16  }
0x8e: {  	[smem:$0x3FAE] =	sst s2  }
0x8f: {  	_ = 	snop  }
0x90: {  	(tm) =	ssettm $0x1  }
0x91: {  	s17 =	sld [smem:$0x3FFB];
	_ =	sdelay $0x3  }
0x92: {  	_ =	strace s17  }
0x93: {  	s2 =	sld [smem:$0x3FFC];
	_ =	sdelay $0x3  }
0x94: {  	_ =	strace s2  }
0x95: {  	s2 =	sld [smem:$0x3FFD];
	_ =	sdelay $0x3  }
0x96: {  	_ =	strace s2  }
0x97: {  	_ =	strace $0x8FFFFFFF  }
0x98: {  	s18 =	sld [smem:$0x3FDB];
	_ =	sdelay $0x1  }
0x99: {  	s19 =	simm.s32 $_scs_section_size  }
0x9a: {  	s4 =	simm.s32 $_size__tile_overlayer_lowered;
	s5 =	simm.s32 $_tile_overlayer_lowered  }
0x9b: {  	s22 =	simm.s32 $0x1BFF;
	s21 =	sshll.u32 s5, $0x1;
	s2 =	sadd.s32 s19, s18  }
0x9c: {  	s6 =	simm.s32 $0x0;
	s20 =	sshll.u32 s4, $0x1;
	s4 =	sadd.s32 s21, s2  }
0x9d: {  	[timem:s6], [sflag:s22] =	dma.local [hbm:s4], s20  }
0x9e: {  	_ =	swait.ge [sflag:s22], s20  }
0x9f: {  	s3 =	ssub.s32 $0x0, s20;
	[sflag:s22] =	ssyncset.done $0x0  }
0xa0: {  	[sflag:s22] =	ssyncadd.s32 s3;
	_ =	sdelay $0x1  }
0xa1: {  	s23 =	simm.s32 $0x1B8B  }
0xa2: {  	_ =	swait.ge [sflag:s23], $0x1  }
0xa3: {  	[sflag:s23] =	ssyncset.done $0x0  }
0xa4: {  	s25 =	simm.s32 $0x1B8E;
	s24 =	sld [smem:$0x3FFE];
	[sflag:s23] =	ssyncadd.s32 $0xFFFFFFFF  }
0xa5: {  	s26 =	simm.s32 $execute0_lowered;
	[smem:$0x3FD2] =	sst s25  }
0xa6: {  	s4 =	sshll.u32 s26, $0x1;
	_ =	strace $0x80000052;
	[dreg:$0x1] =	wrdreg $0xFFFFFFFF  }
0xa7: {  	s28 =	simm.s32 $_size_execute0_lowered;
	s2 =	sadd.s32 s2, s4;
	[dreg:$0x0] =	wrdreg $0x0  }
0xa8: {  	s4 =	sshll.u32 s28, $0x1;
	[dreg:$0x2] =	wrdreg s2  }
0xa9: {  	[dreg:$0x3] =	wrdreg s4  }
0xaa: {  	[dreg:$0x4] =	wrdreg $0xC0  }
0xab: {  	_ =	task [dreg:s6], $0x5FFFF  }
0xac: {  	[dreg:$0x1] =	wrdreg $0xFFFFFFFF  }
0xad: {  	[dreg:$0x0] =	wrdreg $0x60  }
0xae: {  	[dreg:$0x2] =	wrdreg s24  }
0xaf: {  	[dreg:$0x3] =	wrdreg $0x0  }
0xb0: {  	[dreg:$0x4] =	wrdreg $0x9  }
0xb1: {  	_ =	task.clear_ibuf [dreg:s6], $0x5FFFF;
	_ =	strace $0x90000052  }
0xb2: {  	s29 =	simm.s32 $0x9;
	_ =	strace $0x80000054  }
0xb3: {  	_ =	swait.ge [sflag:s29], $0x1  }
0xb4: {  	[sflag:s29] =	ssyncadd.s32 $0xFFFFFFFF  }
0xb5: {  	_ =	strace $0x90000054  }
0xb6: {  	_ =	sfence  }
0xb7: {  	s30 =	sld [smem:$0x0];
	_ =	sdelay $0x2  }
0xb8: {  	s31 =	sshll.u32 s1, $0xD;
	s1 =	sshrl.u32 s1, $0x2  }
0xb9: {  	s3 =	sand.u32 $0x4000, s31;
	s1 =	sadd.s32 s1, s30  }
0xba: {  	s0 =	sor.u32 s3, s0;
	s1 =	sshll.u32 s1, $0x11  }
0xbb: {  	s0 =	sor.u32 s1, s0  }
0xbc: {  	s0 =	sadd.s32 $0x8F2B, s0  }
0xbd: {  	[sflag:s0] =	ssyncadd.remote.s32 $0x1  }
0xbe: {  	_ =	sfence.sel $0xFFFF  }
0xbf: {  	[dreg:$0x0] =	wrdreg $0xFFFFFFFF;
	(pc) =	sbr.abs _section_cstart, $3  }
0xc0: {  	[dreg:$0x1] =	wrdreg $0xFFFFFFFF  }
0xc1: {  	_ =	task.clear_ibuf [dreg:s6], $0x2FFFF;
	_ =	strace $0x9FFFFFFF  }
0xc2: {  	(tm) =	ssettm $0x7FFFFFFF  }
0xc3: {  	_ =	shalt  }
tec
execute0_lowered:
.L_overlay_start_1:
0x0: {  	(tag) =	ssettag $0x1  }
0x1: {  	s0 =	rddreg [dreg:$0x0]  }
0x2: {  	s2 =	rddreg [dreg:$0x1]  }
0x3: {  	s11 =	stileid.u32;
	s1 =	srdreg.scid  }
0x4: {  	s3 =	simm.s32 $0x0;
	s30 =	simm.s32 $0x78;
	s6 =	smul.u32 $0x2780, s11  }
0x5: {  	s31 =	simm.s32 $0x13F00;
	s1 =	sand.u32 $0x1, s1;
	s10 =	smul.u32 $0x4F000, s11  }
0x6: {  	[smem:$0x7FF] =	sst s3;
	s4 =	sadd.s32 $0x4A00, s0;
	s15 =	smul.u32 $0x28C8, s11  }
0x7: {  	s5 =	sadd.s32 $0x2C000, s0;
	s7 =	smul.u32 $0x27800, s1;
	_ =	strace $0x80000053  }
0x8: {  	s25 =	ssub.s32 $0x2, s1;
	s9 =	sshll.u32 s1, $0x4;
	s1 =	smul.u32 $0x28C80, s1  }
0x9: {  	s8 =	sadd.s32 s6, s0;
	s26 =	sshrl.u32 s25, $0x1;
	s9 =	sor.u32 s11, s9  }
0xa: {  	s29 =	sshrl.u32 s10, $0x2;
	s10 =	sshll.u32 s11, $0x6;
	s11 =	simm.s32 $0x3  }
0xb: {  	s6 =	sadd.s32 s6, s7;
	s28 =	smul.u32 $0x28C8, s9;
	s9 =	sadd.s32 s29, s2  }
0xc: {  	s8 =	sadd.s32 $0x40800, s8;
	s18 =	sor.u32 $0x1C0D, s10;
	s19 =	sadd.s32 s15, s1  }
0xd: {  	s10 =	simm.s32 $0x13E80;
	s0 =	sadd.s32 s6, s0;
	s6 =	ssub.s32 s25, s26  }
0xe: {  	[dreg:$0x3] =	wrdreg s8;
	s21 =	sadd.s32 $0x51AE0, s19;
	s22 =	sadd.s32 $0x1E0, s19  }
0xf: {  	s23 =	sadd.s32 $0x51A68, s19;
	s25 =	sadd.s32 $0x258, s19;
	s26 =	sadd.s32 $0x519F0, s19  }
0x10: {  	[dreg:$0x4] =	wrdreg s18;
	s12 =	sshrl.u32 s28, $0x3;
	s13 =	sadd.s32 $0x78, s28  }
0x11: {  	s7 =	sadd.s32 $0x51978, s28;
	s0 =	sadd.s32 $0x68000, s0;
	s20 =	smax.u32 s6, $0x1  }
0x12: {  	s1 =	sshrl.u32 s21, $0x3;
	s6 =	sshrl.u32 s22, $0x3;
	s24 =	sshrl.u32 s23, $0x3  }
0x13: {  	s28 =	sshrl.u32 s25, $0x3;
	s29 =	sshrl.u32 s26, $0x3;
	s21 =	sshrl.u32 s9, $0x3  }
0x14: {  	s22 =	simm.s32 $0xD;
	s25 =	simm.s32 $0x13D00;
	s26 =	simm.s32 $0x13D80  }
0x15: {  	s9 =	simm.s32 $0x4;
	s23 =	simm.s32 $0x0;
	s12 =	sadd.s32 s5, s12  }
0x16: {  	s14 =	sshrl.u32 s13, $0x3;
	s7 =	sshrl.u32 s7, $0x3;
	[dreg:$0xa] =	wrdreg s0  }
0x17: {  	[dreg:$0xb] =	wrdreg s20;
	s15 =	sadd.s32 s1, s5;
	s0 =	sadd.s32 $0x168, s19  }
0x18: {  	s19 =	sadd.s32 s28, s5;
	s20 =	sadd.s32 s29, s5;
	[dreg:$0xd] =	wrdreg s21  }
0x19: {  	s1 =	simm.s32 $0x17B00;
	s13 =	simm.s32 $0x8;
	[dreg:$0x5] =	wrdreg s12  }
0x1a: {  	s8 =	sadd.s32 s5, s14;
	s16 =	sadd.s32 $0x1E, s12;
	[dreg:$0xc] =	wrdreg s0  }
.Ltmp0:
0x1b: {  	s17 =	sadd.s32 $0xA320, s12;
	[dreg:$0x6] =	wrdreg s8;
	(pc) =	sbr.rel .LBB2_1-.Ltmp0, $4  }
0x1c: {  	s7 =	sadd.s32 s5, s7;
	s0 =	simm.s32 $0x2;
	[dreg:$0x7] =	wrdreg s16  }
0x1d: {  	s12 =	simm.s32 $0x1B700;
	s14 =	simm.s32 $0xB;
	[dreg:$0x8] =	wrdreg s17  }
0x1e: {  	[dreg:$0x9] =	wrdreg s7;
	s16 =	sadd.s32 s6, s5;
	s17 =	sadd.s32 s24, s5  }
0x1f: {  	s24 =	simm.s32 $0x13C80;
	s6 =	simm.s32 $0x7;
	s8 =	simm.s32 $0x6  }
.LBB2_4:
0x20: {  	s7 =	simm.s32 $0xC  }
0x21: {  	_ =	swait.ge [sflag:s7], $0x3C00  }
0x22: {  	[sflag:s7] =	ssyncset.done $0x0  }
0x23: {  	[sflag:s7] =	ssyncadd.s32 $0xFFFFC400  }
0x24: {  	[bflag:$0x0] =	sbarrier.arrive $0xFFFF  }
0x25: {  	s18 =	rddreg [dreg:$0x4]  }
0x26: {  	s28 =	rddreg [dreg:$0xa]  }
0x27: {  	s22 =	simm.s32 $0xD;
	s21 =	rddreg [dreg:$0xd]  }
0x28: {  	[hbm:s28], [sflag:s18] =	dma.local [spmem:s21], $0x2780  }
0x29: {  	_ =	swait.ge [sflag:s22], $0x2780  }
0x2a: {  	s23 =	rddreg [dreg:$0xe]  }
0x2b: {  	s29 =	rddreg [dreg:$0xb];
	s23 =	sadd.s32 $0x1, s23  }
0x2c: {  	p0 =	sne.s32 s23, s29  }
.Ltmp1:
0x2d: {  	_ = 	snop;
	(pc) =	sbr.rel @!p0 .LBB2_5-.Ltmp1, $3  }
0x2e: {  	_ =	sdelay $0x1  }
0x2f: {  	[sflag:s22] =	ssyncset.done $0x0  }
0x30: {  	[sflag:s22] =	ssyncadd.s32 $0xFFFFD880  }
.LBB2_1:
0x31: {  	[dreg:$0xe] =	wrdreg s23  }
0x32: {  	s7 =	rddreg [dreg:$0x3]  }
0x33: {  	[spmem:s21], [sflag:s18] =	dma.local [hbm:s7], $0x2780  }
0x34: {  	_ =	swait.ge [sflag:s22], $0x2780  }
0x35: {  	[sflag:s22] =	ssyncset.done $0x0  }
0x36: {  	[sflag:s22] =	ssyncadd.s32 $0xFFFFD880  }
0x37: {  	[bflag:$0x0] =	sbarrier.arrive $0xFFFF  }
0x38: {  	s18 =	simm.s32 $0x13C00;
	s22 =	rddreg [dreg:$0x5]  }
0x39: {  	[tilespmem:s18], [sflag:$0x1] =	stream.linear.gather [hbm4b:s22+s3], $0x78, $0x38;
	[tilespmem:$0x1F300] =	vst v63  }
0x3a: {  	s23 =	rddreg [dreg:$0x6]  }
0x3b: {  	[tilespmem:s24], [sflag:$0x2] =	stream.linear.gather [hbm4b:s23+s3], $0x78, $0x38;
	[tilespmem:$0x1F300] =	vst v63  }
0x3c: {  	s28 =	rddreg [dreg:$0x7]  }
0x3d: {  	[tilespmem:s25], [sflag:$0x3] =	stream.linear.gather [hbm4b:s28+s3], $0x78, $0x38;
	[tilespmem:$0x1F300] =	vst v63  }
0x3e: {  	s21 =	rddreg [dreg:$0x8]  }
0x3f: {  	[tilespmem:s26], [sflag:$0x4] =	stream.linear.gather [hbm4b:s21+s3], $0x78, $0x38;
	[tilespmem:$0x1F300] =	vst v63  }
0x40: {  	s22 =	rddreg [dreg:$0x9];
	s23 =	simm.s32 $0x13E00;
	s28 =	simm.s32 $0x1  }
0x41: {  	[tilespmem:s23], [sflag:$0x5] =	stream.linear.gather [hbm4b:s22+s3], $0x78, $0x38;
	[tilespmem:$0x1F300] =	vst v63  }
0x42: {  	_ =	swait.ge [sflag:s28], $0x78  }
0x43: {  	[sflag:s28] =	ssyncset.done $0x0  }
0x44: {  	[sflag:s28] =	ssyncadd.s32 $0xFFFFFF88  }
0x45: {  	[tilespmem:s31], [sflag:$0x7] =	stream.indirect.gather [hbm4b:s4+s30], $0x80, s18, s30, $0xb8;
	[tilespmem:$0x1F300] =	vst v63  }
0x46: {  	_ =	swait.ge [sflag:s0], $0x78  }
0x47: {  	[sflag:s0] =	ssyncset.done $0x0  }
0x48: {  	s18 =	simm.s32 $0x0;
	s29 =	rddreg [dreg:$0xc];
	[sflag:s0] =	ssyncadd.s32 $0xFFFFFF88  }
0x49: {  	[tilespmem:s1], [sflag:$0x8] =	stream.indirect.gather [hbm4b:s4+s30], $0x80, s24, s30, $0xb8;
	[tilespmem:$0x1F300] =	vst v63  }
.LBB2_2:
0x4a: {  	_ =	swait.ge [sflag:s6], $0x3C00;
	p0 =	seq.s32 s18, $0x4EC  }
0x4b: {  	[sflag:s6] =	ssyncset.done $0x0;
	s7 =	sshrl.u32 @!p0 s29, $0x3;
	s22 =	simm.s32 @!p0 $0x13C00  }
0x4c: {  	[sflag:s6] =	ssyncadd.s32 $0xFFFFC400;
	s21 =	sadd.s32 @!p0 s5, s7;
	s7 =	simm.s32 @!p0 $0x0  }
0x4d: {  	[tilespmem:s22], [sflag:$0x1] =	stream.linear.gather @!p0 [hbm4b:s21+s7], $0x78, $0x38;
	[tilespmem:$0x1F300] =	vst v63  }
0x4e: {  	_ =	swait.ge [sflag:s9], $0x78  }
0x4f: {  	p1 =	seq.s32 s18, $0x0;
	[sflag:s9] =	ssyncset.done $0x0  }
0x50: {  	s21 =	simm.s32 @!p1 $0xC;
	[sflag:s9] =	ssyncadd.s32 $0xFFFFFF88  }
0x51: {  	[spmem:s2] =	stream.indirect.scatter.add.f32 [tilespmem:s31], [sflag:$0xA], $0x80, s26, s30, $0xb8;
	[tilespmem:$0x1F300] =	vst v63  }
0x52: {  	_ =	swait.ge @!p1 [sflag:s21], $0x3C00  }
0x53: {  	[sflag:s21] =	ssyncset.done @!p1 $0x0  }
0x54: {  	s28 =	sadd.s32 s18, s20;
	[sflag:s21] =	ssyncadd.s32 @!p1 $0xFFFFC400  }
0x55: {  	[tilespmem:s10], [sflag:$0x6] =	stream.linear.gather [hbm4b:s28+s3], $0x78, $0x38;
	[tilespmem:$0x1F300] =	vst v63  }
0x56: {  	_ =	swait.ge [sflag:s11], $0x78  }
0x57: {  	[sflag:s11] =	ssyncset.done $0x0  }
0x58: {  	[sflag:s11] =	ssyncadd.s32 $0xFFFFFF88  }
0x59: {  	[tilespmem:s12], [sflag:$0x9] =	stream.indirect.gather [hbm4b:s4+s30], $0x80, s25, s30, $0xb8;
	[tilespmem:$0x1F300] =	vst v63  }
0x5a: {  	_ =	swait.ge [sflag:s13], $0x3C00  }
0x5b: {  	[sflag:s13] =	ssyncset.done $0x0  }
0x5c: {  	s21 =	simm.s32 @p0 $0x5;
	[sflag:s13] =	ssyncadd.s32 $0xFFFFC400  }
0x5d: {  	_ =	swait.ge @p0 [sflag:s21], $0x78  }
0x5e: {  	s23 =	simm.s32 @p0 $0x13E00;
	[sflag:s21] =	ssyncset.done @p0 $0x0  }
0x5f: {  	s28 =	simm.s32 @p0 $0x17B00;
	[sflag:s21] =	ssyncadd.s32 @p0 $0xFFFFFF88;
	s21 =	simm.s32 @p0 $0x78  }
0x60: {  	[spmem:s2] =	stream.indirect.scatter.add.f32 @p0 [tilespmem:s28], [sflag:$0xB], $0x80, s23, s21, $0xb8;
	[tilespmem:$0x1F300] =	vst v63  }
0x61: {  	s21 =	simm.s32 @p0 $0xA  }
0x62: {  	_ =	swait.ge @p0 [sflag:s21], $0x3C00  }
0x63: {  	[sflag:s21] =	ssyncset.done @p0 $0x0  }
0x64: {  	[sflag:s21] =	ssyncadd.s32 @p0 $0xFFFFC400;
	s21 =	simm.s32 @p0 $0x9  }
0x65: {  	_ =	swait.ge @p0 [sflag:s21], $0x3C00  }
0x66: {  	[sflag:s21] =	ssyncset.done @p0 $0x0  }
0x67: {  	s23 =	simm.s32 @!p0 $0x13C80;
	[sflag:s21] =	ssyncadd.s32 @p0 $0xFFFFC400;
	s21 =	sadd.s32 @!p0 s18, s16  }
0x68: {  	[tilespmem:s23], [sflag:$0x2] =	stream.linear.gather @!p0 [hbm4b:s21+s7], $0x78, $0x38;
	[tilespmem:$0x1F300] =	vst v63  }
0x69: {  	s21 =	simm.s32 @!p0 $0x5  }
0x6a: {  	_ =	swait.ge @!p0 [sflag:s21], $0x78  }
0x6b: {  	s28 =	simm.s32 @!p0 $0x17B00;
	[sflag:s21] =	ssyncset.done @!p0 $0x0  }
0x6c: {  	s23 =	simm.s32 @!p0 $0x13E00;
	[sflag:s21] =	ssyncadd.s32 @!p0 $0xFFFFFF88;
	s21 =	simm.s32 @!p0 $0x78  }
0x6d: {  	[spmem:s2] =	stream.indirect.scatter.add.f32 @!p0 [tilespmem:s28], [sflag:$0xB], $0x80, s23, s21, $0xb8;
	[tilespmem:$0x1F300] =	vst v63  }
0x6e: {  	s23 =	simm.s32 @!p0 $0xA  }
0x6f: {  	_ =	swait.ge @!p0 [sflag:s23], $0x3C00  }
0x70: {  	[sflag:s23] =	ssyncset.done @!p0 $0x0  }
0x71: {  	s28 =	simm.s32 @!p0 $0x13D80;
	[sflag:s23] =	ssyncadd.s32 @!p0 $0xFFFFC400;
	s23 =	sadd.s32 @!p0 s18, s17  }
0x72: {  	[tilespmem:s28], [sflag:$0x4] =	stream.linear.gather @!p0 [hbm4b:s23+s7], $0x78, $0x38;
	[tilespmem:$0x1F300] =	vst v63  }
0x73: {  	s23 =	simm.s32 @!p0 $0x1  }
0x74: {  	_ =	swait.ge @!p0 [sflag:s23], $0x78  }
0x75: {  	[sflag:s23] =	ssyncset.done @!p0 $0x0  }
0x76: {  	[sflag:s23] =	ssyncadd.s32 @!p0 $0xFFFFFF88;
	s23 =	simm.s32 @!p0 $0x13F00  }
0x77: {  	[tilespmem:s23], [sflag:$0x7] =	stream.indirect.gather @!p0 [hbm4b:s4+s21], $0x80, s22, s21, $0xb8;
	[tilespmem:$0x1F300] =	vst v63  }
0x78: {  	s21 =	simm.s32 @!p0 $0x9  }
0x79: {  	_ =	swait.ge @!p0 [sflag:s21], $0x3C00  }
0x7a: {  	[sflag:s21] =	ssyncset.done @!p0 $0x0  }
0x7b: {  	s22 =	simm.s32 @!p0 $0x13D00;
	[sflag:s21] =	ssyncadd.s32 @!p0 $0xFFFFC400;
	s21 =	sadd.s32 @!p0 s18, s19  }
0x7c: {  	[tilespmem:s22], [sflag:$0x3] =	stream.linear.gather @!p0 [hbm4b:s21+s7], $0x78, $0x38;
	[tilespmem:$0x1F300] =	vst v63  }
0x7d: {  	_ =	swait.ge [sflag:s8], $0x78  }
0x7e: {  	[sflag:s8] =	ssyncset.done $0x0  }
.Ltmp2:
0x7f: {  	[sflag:s8] =	ssyncadd.s32 $0xFFFFFF88;
	(pc) =	sbr.rel @p0 .LBB2_4-.Ltmp2, $4  }
0x80: {  	[spmem:s2] =	stream.indirect.scatter.add.f32 [tilespmem:s12], [sflag:$0xC], $0x80, s10, s30, $0xb8;
	[tilespmem:$0x1F300] =	vst v63  }
0x81: {  	_ =	swait.ge [sflag:s14], $0x3C00  }
0x82: {  	[sflag:s14] =	ssyncset.done $0x0  }
0x83: {  	[sflag:s14] =	ssyncadd.s32 $0xFFFFC400  }
0x84: {  	s7 =	sadd.s32 s18, s15;
	s21 =	simm.s32 $0x13E00  }
0x85: {  	[tilespmem:s21], [sflag:$0x5] =	stream.linear.gather [hbm4b:s7+s3], $0x78, $0x38;
	[tilespmem:$0x1F300] =	vst v63  }
.Ltmp3:
0x86: {  	_ = 	snop;
	(pc) =	sbr.rel .LBB2_2-.Ltmp3, $4  }
0x87: {  	_ =	swait.ge [sflag:s0], $0x78  }
0x88: {  	[sflag:s0] =	ssyncset.done $0x0  }
0x89: {  	s18 =	sadd.s32 $0x2D, s18;
	s29 =	sadd.s32 $0x168, s29;
	[sflag:s0] =	ssyncadd.s32 $0xFFFFFF88  }
0x8a: {  	[tilespmem:s1], [sflag:$0x8] =	stream.indirect.gather [hbm4b:s4+s30], $0x80, s24, s30, $0xb8;
	[tilespmem:$0x1F300] =	vst v63  }
.LBB2_5:
0x8b: {  	_ =	sfence.sel $0x180000  }
0x8c: {  	[bflag:$0x0] =	sbarrier.arrive $0xFFFF  }
0x8d: {  	_ =	strace $0x90000053  }
0x8e: {  	s0 =	stileid.u32;
	[bflag:$0x2] =	sbarrier.arrive $0xFFFF  }
0x8f: {  	p0 =	sne.s32 s0, $0x0;
	s0 =	rddreg [dreg:$0x2]  }
0x90: {  	s0 =	sadd.s32 @!p0 $0x100000, s0  }
0x91: {  	[sflag:s0] =	ssyncadd.tile.s32 @!p0 $0x1;
	_ =	shalt  }
.Lfunc_end2:
_tile_overlayer_lowered:
.L_overlay_start_2:
0x92: {  	(tag) =	ssettag $0x2  }
0x93: {  	s0 =	rddreg [dreg:$0x0];
	s2 =	stileid.u32  }
0x94: {  	s1 =	rddreg [dreg:$0x1];
	p0 =	sne.s32 s2, $0x0  }
0x95: {  	s3 =	rddreg [dreg:$0x2];
	[bflag:$0x3] =	sbarrier.arrive $0xFFFF;
	s2 =	simm.s32 @!p0 $0x1C0D  }
0x96: {  	[timem:s3], [sflag:s2] =	dma.local @!p0 [hbm:s0], s1  }
0x97: {  	s0 =	simm.s32 @!p0 $0xD  }
0x98: {  	_ =	swait.ge @!p0 [sflag:s0], s1  }
0x99: {  	s1 =	ssub.s32 @!p0 $0x0, s1;
	[sflag:s0] =	ssyncset.done @!p0 $0x0  }
0x9a: {  	[sflag:s0] =	ssyncadd.s32 @!p0 s1  }
0x9b: {  	[bflag:$0x3] =	sbarrier.arrive $0xFFFF  }
0x9c: {  	_ =	shalt  }

</sc_bundles>
